<compile_context>
chip_gen: v7x
topology: tpu7x:2x2x1
jax: 0.10.2.dev20260603
libtpu: 0.0.44.dev20260713+nightly
codegen_flags: <defaults>
</compile_context>

<pallas_src>
import functools

import jax
import jax.numpy as jnp
from jax import lax
from jax.experimental import pallas as pl
from jax.experimental.pallas import tpu as pltpu
from jax.experimental.pallas import tpu_sc as plsc

VOCAB = 100000
D = 128
BATCH = 4096
SEQ = 200
N = BATCH * SEQ
EPS = 1e-12

NC = 2
NS = 16
NW = NC * NS
C = 128
NBUF = 4

S = 4
N_S = N // S
_LN_ROWS = 8192


def _make_sc_gather(n_rows):
    per_w = n_rows // NW
    nchunk = per_w // C
    assert per_w % C == 0 and nchunk >= 8

    def body(ids_hbm, table_hbm, out_hbm, idx_all, bufs, sems_in, sems_out):
        wid = lax.axis_index("s") * NC + lax.axis_index("c")
        base = wid * per_w

        pltpu.sync_copy(ids_hbm.at[pl.ds(base, per_w)], idx_all)

        def fire_gather(g, s):
            pltpu.async_copy(
                table_hbm.at[idx_all.at[pl.ds(g * C, C)]], bufs[s], sems_in[s])

        def wait_gather(g, s):
            pltpu.make_async_copy(
                table_hbm.at[idx_all.at[pl.ds(g * C, C)]], bufs[s],
                sems_in[s]).wait()

        def fire_write(g, s):
            pltpu.async_copy(
                bufs[s], out_hbm.at[pl.ds(base + g * C, C)], sems_out[s])

        def wait_write(g, s):
            pltpu.make_async_copy(
                bufs[s], out_hbm.at[pl.ds(base + g * C, C)], sems_out[s]).wait()

        fire_gather(0, 0)
        fire_gather(1, 1)
        for g in (0, 1):
            s = g % NBUF
            wait_gather(g, s)
            fire_write(g, s)
            fire_gather(g + 2, (g + 2) % NBUF)

        main_n = ((nchunk - 4) // NBUF) * NBUF

        @pl.loop(2, 2 + main_n, step=NBUF)
        def _outer(g0):
            for b in range(NBUF):
                g = g0 + b
                s = (2 + b) % NBUF
                wait_gather(g, s)
                fire_write(g, s)
                wait_write(g - 2, (s + 2) % NBUF)
                fire_gather(g + 2, (s + 2) % NBUF)

        for g in range(2 + main_n, nchunk):
            s = g % NBUF
            wait_gather(g, s)
            if g + 2 < nchunk:
                wait_write(g - 2, (g - 2) % NBUF)
                fire_gather(g + 2, (g + 2) % NBUF)
            else:
                wait_write(g - 2, (g - 2) % NBUF)
            fire_write(g, s)
        for g in (nchunk - 2, nchunk - 1):
            wait_write(g, g % NBUF)

    return functools.partial(
        pl.kernel,
        out_type=jax.ShapeDtypeStruct((n_rows, D), jnp.float32),
        mesh=plsc.VectorSubcoreMesh(core_axis_name="c", subcore_axis_name="s"),
        scratch_types=[
            pltpu.VMEM((per_w,), jnp.int32),
            [pltpu.VMEM((C, D), jnp.float32) for _ in range(NBUF)],
            [pltpu.SemaphoreType.DMA for _ in range(NBUF)],
            [pltpu.SemaphoreType.DMA for _ in range(NBUF)],
        ],
    )(body)


_sc_gather_slice = _make_sc_gather(N_S)


def _ln_math(x_ref, g_ref, b_ref, o_ref):
    x = x_ref[...]
    mean = jnp.mean(x, axis=1, keepdims=True)
    cent = x - mean
    var = jnp.mean(cent * cent, axis=1, keepdims=True)
    o_ref[...] = cent * lax.rsqrt(var + EPS) * g_ref[...] + b_ref[...]


def _ln_body(x_ref, g_ref, b_ref, o_ref):
    _ln_math(x_ref, g_ref, b_ref, o_ref)


def _ln_body_acc(x_ref, g_ref, b_ref, acc_ref, o_ref):
    del acc_ref
    _ln_math(x_ref, g_ref, b_ref, o_ref)


def _tc_layernorm_slice(i, rows, gamma, beta, acc):
    blocks = N_S // _LN_ROWS
    x_spec = pl.BlockSpec((_LN_ROWS, D), lambda j: (j, 0))
    gb_spec = pl.BlockSpec((1, D), lambda j: (0, 0))
    out_spec = pl.BlockSpec(
        (_LN_ROWS, D), lambda j, i=i: (i * blocks + j, 0))
    out_shape = jax.ShapeDtypeStruct((N, D), jnp.float32)
    g2, b2 = gamma.reshape(1, D), beta.reshape(1, D)
    if acc is None:
        return pl.pallas_call(
            _ln_body,
            grid=(blocks,),
            in_specs=[x_spec, gb_spec, gb_spec],
            out_specs=out_spec,
            out_shape=out_shape,
        )(rows, g2, b2)
    return pl.pallas_call(
        _ln_body_acc,
        grid=(blocks,),
        in_specs=[x_spec, gb_spec, gb_spec,
                  pl.BlockSpec(memory_space=pl.ANY)],
        out_specs=out_spec,
        out_shape=out_shape,
        input_output_aliases={3: 0},
    )(rows, g2, b2, acc)


def kernel(input_ids, table, gamma, beta):
    ids = input_ids.reshape(-1).astype(jnp.int32)
    acc = None
    for i in range(S):
        rows_i = _sc_gather_slice(ids[i * N_S:(i + 1) * N_S], table)
        acc = _tc_layernorm_slice(i, rows_i, gamma, beta, acc)
    return acc.reshape(BATCH, SEQ, D)

# --- scband reference (transcript-rebuilt; emitter-appended) ---
"""Pipeline reference for scband-embeddings-87462714015935 (READ-ONLY COPY).

The authoritative reference and input builder live on the scoring server;
editing this copy changes nothing except your own understanding.
"""

import jax, jax.numpy as jnp
import numpy as np

VOCAB = 100000
D_MODEL = 128
BATCH = 4096
SEQ = 200
EPS = 1e-12


def setup_inputs(seed: int = 0) -> dict:
    key = jax.random.key(seed)
    k_ids, k_tab, k_g, k_b = jax.random.split(key, 4)
    input_ids = jax.random.randint(k_ids, (BATCH, SEQ), 0, VOCAB, dtype=jnp.int64 if jax.config.jax_enable_x64 else jnp.int32)
    table = jax.random.normal(k_tab, (VOCAB, D_MODEL), dtype=jnp.float32)
    # padding_idx=1 row is initialized to zeros in torch nn.Embedding
    table = table.at[1].set(0.0)
    gamma = jnp.ones((D_MODEL,), dtype=jnp.float32)
    beta = jnp.zeros((D_MODEL,), dtype=jnp.float32)
    return {"input_ids": input_ids, "table": table, "gamma": gamma, "beta": beta}


def _layernorm(x, gamma, beta):
    mean = jnp.mean(x, axis=-1, keepdims=True)
    var = jnp.mean(jnp.square(x - mean), axis=-1, keepdims=True)
    xhat = (x - mean) / jnp.sqrt(var + EPS)
    return xhat * gamma + beta


def reference(input_ids, table, gamma, beta):
    # embedding lookup (SparseCore gather)
    word_embeddings = jnp.take(table, input_ids, axis=0)
    embeddings = _layernorm(word_embeddings, gamma, beta)
    return embeddings

if __name__ == "__main__":
    import jax
    _d = setup_inputs()
    print(jax.jit(kernel)(*tuple(_d.values())))

</pallas_src>

<mosaic_0001>
#map = affine_map<(d0, d1) -> (0)>
#map1 = affine_map<(d0, d1) -> (0, 0)>
module attributes {stable_mosaic.version = 14 : i64} {
  func.func @body(%arg0: i32, %arg1: i32, %arg2: memref<204800xi32, #tpu.memory_space<hbm>>, %arg3: memref<100000x128xf32, #tpu.memory_space<hbm>>, %arg4: memref<204800x128xf32, #tpu.memory_space<hbm>>, %arg5: memref<6400xi32, #tpu.memory_space<vmem>>, %arg6: memref<128x128xf32, #tpu.memory_space<vmem>>, %arg7: memref<128x128xf32, #tpu.memory_space<vmem>>, %arg8: memref<128x128xf32, #tpu.memory_space<vmem>>, %arg9: memref<128x128xf32, #tpu.memory_space<vmem>>, %arg10: memref<!tpu.dma_semaphore, #tpu.memory_space<semaphore_mem>>, %arg11: memref<!tpu.dma_semaphore, #tpu.memory_space<semaphore_mem>>, %arg12: memref<!tpu.dma_semaphore, #tpu.memory_space<semaphore_mem>>, %arg13: memref<!tpu.dma_semaphore, #tpu.memory_space<semaphore_mem>>, %arg14: memref<!tpu.dma_semaphore, #tpu.memory_space<semaphore_mem>>, %arg15: memref<!tpu.dma_semaphore, #tpu.memory_space<semaphore_mem>>, %arg16: memref<!tpu.dma_semaphore, #tpu.memory_space<semaphore_mem>>, %arg17: memref<!tpu.dma_semaphore, #tpu.memory_space<semaphore_mem>>) attributes {dimension_semantics = [#tpu.dimension_semantics<core_parallel>, #tpu.dimension_semantics<subcore_parallel>], iteration_bounds = array<i64: 2, 16>, scalar_prefetch = 0 : i64, scratch_operands = 13 : i64, tpu.core_type = #tpu.core_type<sc_vector_subcore>, window_params = [{transform_indices = #map}, {transform_indices = #map1}, {transform_indices = #map1}]} {
    %mul3A = arith.constant 2 : i32
    %mul3A_0 = arith.muli %arg1, %mul3A : i32
    %add3A = arith.addi %mul3A_0, %arg0 : i32
    %mul3A_1 = arith.constant 6400 : i32
    %mul3A_2 = arith.muli %add3A, %mul3A_1 : i32
    "tpu.region"() ({
      %run_scoped3A = tpu.sem_alloc : memref<!tpu.dma_semaphore, #tpu.memory_space<semaphore_mem>>
      %dma_start3A_137 = tpu.memref_slice %arg2[%mul3A_2] : memref<204800xi32, #tpu.memory_space<hbm>> -> memref<6400xi32, #tpu.memory_space<hbm>>
      %dma_start3A_138 = tpu.memref_slice %arg2[%mul3A_2] : memref<204800xi32, #tpu.memory_space<hbm>> -> memref<6400xi32, #tpu.memory_space<hbm>>
      tpu.enqueue_dma source(%dma_start3A_138 : memref<6400xi32, #tpu.memory_space<hbm>>) target(%arg5 : memref<6400xi32, #tpu.memory_space<vmem>>) target_semaphore(%run_scoped3A : memref<!tpu.dma_semaphore, #tpu.memory_space<semaphore_mem>>)
      %dma_wait3A_139 = tpu.memref_slice %arg2[%mul3A_2] : memref<204800xi32, #tpu.memory_space<hbm>> -> memref<6400xi32, #tpu.memory_space<hbm>>
      %dma_wait3A_140 = tpu.memref_slice %arg2[%mul3A_2] : memref<204800xi32, #tpu.memory_space<hbm>> -> memref<6400xi32, #tpu.memory_space<hbm>>
      tpu.wait_dma2 semaphore(%run_scoped3A : memref<!tpu.dma_semaphore, #tpu.memory_space<semaphore_mem>>) src(%dma_wait3A_140 : memref<6400xi32, #tpu.memory_space<hbm>>) dst(%arg5 : memref<6400xi32, #tpu.memory_space<vmem>>)
      tpu.yield
    }) : () -> ()
    %dma_start3A = arith.constant 0 : i32
    %dma_start3A_3 = tpu.memref_slice %arg5[%dma_start3A] : memref<6400xi32, #tpu.memory_space<vmem>> -> memref<128xi32, #tpu.memory_space<vmem>>
    %dma_start3A_4 = arith.constant 0 : i32
    %dma_start3A_5 = arith.constant 0 : i32
    %dma_start3A_6 = tpu.memref_slice %arg3[%dma_start3A_4, %dma_start3A_5] : memref<100000x128xf32, #tpu.memory_space<hbm>> -> memref<100000x128xf32, #tpu.memory_space<hbm>>
    tpu.enqueue_indirect_dma source(%dma_start3A_6 : memref<100000x128xf32, #tpu.memory_space<hbm>>) target(%arg6 : memref<128x128xf32, #tpu.memory_space<vmem>>) offsets(%dma_start3A_3 : memref<128xi32, #tpu.memory_space<vmem>>) semaphore(%arg10 : memref<!tpu.dma_semaphore, #tpu.memory_space<semaphore_mem>>)
    %dma_start3A_7 = arith.constant 128 : i32
    %dma_start3A_8 = tpu.memref_slice %arg5[%dma_start3A_7] : memref<6400xi32, #tpu.memory_space<vmem>> -> memref<128xi32, #tpu.memory_space<vmem>>
    %dma_start3A_9 = arith.constant 0 : i32
    %dma_start3A_10 = arith.constant 0 : i32
    %dma_start3A_11 = tpu.memref_slice %arg3[%dma_start3A_9, %dma_start3A_10] : memref<100000x128xf32, #tpu.memory_space<hbm>> -> memref<100000x128xf32, #tpu.memory_space<hbm>>
    tpu.enqueue_indirect_dma source(%dma_start3A_11 : memref<100000x128xf32, #tpu.memory_space<hbm>>) target(%arg7 : memref<128x128xf32, #tpu.memory_space<vmem>>) offsets(%dma_start3A_8 : memref<128xi32, #tpu.memory_space<vmem>>) semaphore(%arg11 : memref<!tpu.dma_semaphore, #tpu.memory_space<semaphore_mem>>)
    %dma_wait3A = arith.constant 0 : i32
    %dma_wait3A_12 = tpu.memref_slice %arg5[%dma_wait3A] : memref<6400xi32, #tpu.memory_space<vmem>> -> memref<128xi32, #tpu.memory_space<vmem>>
    %dma_wait3A_13 = arith.constant 0 : i32
    %dma_wait3A_14 = arith.constant 0 : i32
    %dma_wait3A_15 = tpu.memref_slice %arg3[%dma_wait3A_13, %dma_wait3A_14] : memref<100000x128xf32, #tpu.memory_space<hbm>> -> memref<100000x128xf32, #tpu.memory_space<hbm>>
    tpu.wait_indirect_dma semaphore(%arg10 : memref<!tpu.dma_semaphore, #tpu.memory_space<semaphore_mem>>) src(%dma_wait3A_15 : memref<100000x128xf32, #tpu.memory_space<hbm>>) dst(%arg6 : memref<128x128xf32, #tpu.memory_space<vmem>>)
    %add3A_16 = arith.constant 0 : i32
    %add3A_17 = arith.addi %mul3A_2, %add3A_16 : i32
    %dma_start3A_18 = arith.constant 0 : i32
    %dma_start3A_19 = tpu.memref_slice %arg4[%add3A_17, %dma_start3A_18] : memref<204800x128xf32, #tpu.memory_space<hbm>> -> memref<128x128xf32, #tpu.memory_space<hbm>>
    %dma_start3A_20 = arith.constant 0 : i32
    %dma_start3A_21 = tpu.memref_slice %arg4[%add3A_17, %dma_start3A_20] : memref<204800x128xf32, #tpu.memory_space<hbm>> -> memref<128x128xf32, #tpu.memory_space<hbm>>
    tpu.enqueue_dma source(%arg6 : memref<128x128xf32, #tpu.memory_space<vmem>>) target(%dma_start3A_21 : memref<128x128xf32, #tpu.memory_space<hbm>>) target_semaphore(%arg14 : memref<!tpu.dma_semaphore, #tpu.memory_space<semaphore_mem>>)
    %dma_start3A_22 = arith.constant 256 : i32
    %dma_start3A_23 = tpu.memref_slice %arg5[%dma_start3A_22] : memref<6400xi32, #tpu.memory_space<vmem>> -> memref<128xi32, #tpu.memory_space<vmem>>
    %dma_start3A_24 = arith.constant 0 : i32
    %dma_start3A_25 = arith.constant 0 : i32
    %dma_start3A_26 = tpu.memref_slice %arg3[%dma_start3A_24, %dma_start3A_25] : memref<100000x128xf32, #tpu.memory_space<hbm>> -> memref<100000x128xf32, #tpu.memory_space<hbm>>
    tpu.enqueue_indirect_dma source(%dma_start3A_26 : memref<100000x128xf32, #tpu.memory_space<hbm>>) target(%arg8 : memref<128x128xf32, #tpu.memory_space<vmem>>) offsets(%dma_start3A_23 : memref<128xi32, #tpu.memory_space<vmem>>) semaphore(%arg12 : memref<!tpu.dma_semaphore, #tpu.memory_space<semaphore_mem>>)
    %dma_wait3A_27 = arith.constant 128 : i32
    %dma_wait3A_28 = tpu.memref_slice %arg5[%dma_wait3A_27] : memref<6400xi32, #tpu.memory_space<vmem>> -> memref<128xi32, #tpu.memory_space<vmem>>
    %dma_wait3A_29 = arith.constant 0 : i32
    %dma_wait3A_30 = arith.constant 0 : i32
    %dma_wait3A_31 = tpu.memref_slice %arg3[%dma_wait3A_29, %dma_wait3A_30] : memref<100000x128xf32, #tpu.memory_space<hbm>> -> memref<100000x128xf32, #tpu.memory_space<hbm>>
    tpu.wait_indirect_dma semaphore(%arg11 : memref<!tpu.dma_semaphore, #tpu.memory_space<semaphore_mem>>) src(%dma_wait3A_31 : memref<100000x128xf32, #tpu.memory_space<hbm>>) dst(%arg7 : memref<128x128xf32, #tpu.memory_space<vmem>>)
    %add3A_32 = arith.constant 128 : i32
    %add3A_33 = arith.addi %mul3A_2, %add3A_32 : i32
    %dma_start3A_34 = arith.constant 0 : i32
    %dma_start3A_35 = tpu.memref_slice %arg4[%add3A_33, %dma_start3A_34] : memref<204800x128xf32, #tpu.memory_space<hbm>> -> memref<128x128xf32, #tpu.memory_space<hbm>>
    %dma_start3A_36 = arith.constant 0 : i32
    %dma_start3A_37 = tpu.memref_slice %arg4[%add3A_33, %dma_start3A_36] : memref<204800x128xf32, #tpu.memory_space<hbm>> -> memref<128x128xf32, #tpu.memory_space<hbm>>
    tpu.enqueue_dma source(%arg7 : memref<128x128xf32, #tpu.memory_space<vmem>>) target(%dma_start3A_37 : memref<128x128xf32, #tpu.memory_space<hbm>>) target_semaphore(%arg15 : memref<!tpu.dma_semaphore, #tpu.memory_space<semaphore_mem>>)
    %dma_start3A_38 = arith.constant 384 : i32
    %dma_start3A_39 = tpu.memref_slice %arg5[%dma_start3A_38] : memref<6400xi32, #tpu.memory_space<vmem>> -> memref<128xi32, #tpu.memory_space<vmem>>
    %dma_start3A_40 = arith.constant 0 : i32
    %dma_start3A_41 = arith.constant 0 : i32
    %dma_start3A_42 = tpu.memref_slice %arg3[%dma_start3A_40, %dma_start3A_41] : memref<100000x128xf32, #tpu.memory_space<hbm>> -> memref<100000x128xf32, #tpu.memory_space<hbm>>
    tpu.enqueue_indirect_dma source(%dma_start3A_42 : memref<100000x128xf32, #tpu.memory_space<hbm>>) target(%arg9 : memref<128x128xf32, #tpu.memory_space<vmem>>) offsets(%dma_start3A_39 : memref<128xi32, #tpu.memory_space<vmem>>) semaphore(%arg13 : memref<!tpu.dma_semaphore, #tpu.memory_space<semaphore_mem>>)
    %scan3A = arith.constant 0 : i32
    %scan3A_43 = arith.constant 11 : i32
    %scan3A_44 = arith.addi %scan3A, %scan3A_43 : i32
    %scan3A_45 = arith.constant 1 : i32
    scf.for %scan3A_137 = %scan3A to %scan3A_44 step %scan3A_45  : i32 {
      %mul3A_138 = arith.constant 4 : i32
      %mul3A_139 = arith.muli %scan3A_137, %mul3A_138 : i32
      %add3A_140 = arith.constant 2 : i32
      %add3A_141 = arith.addi %add3A_140, %mul3A_139 : i32
      %add3A_142 = arith.constant 0 : i32
      %add3A_143 = arith.addi %add3A_141, %add3A_142 : i32
      %mul3A_144 = arith.constant 128 : i32
      %mul3A_145 = arith.muli %add3A_143, %mul3A_144 : i32
      %dma_wait3A_146 = tpu.memref_slice %arg5[%mul3A_145] : memref<6400xi32, #tpu.memory_space<vmem>> -> memref<128xi32, #tpu.memory_space<vmem>>
      %dma_wait3A_147 = arith.constant 0 : i32
      %dma_wait3A_148 = arith.constant 0 : i32
      %dma_wait3A_149 = tpu.memref_slice %arg3[%dma_wait3A_147, %dma_wait3A_148] : memref<100000x128xf32, #tpu.memory_space<hbm>> -> memref<100000x128xf32, #tpu.memory_space<hbm>>
      tpu.wait_indirect_dma semaphore(%arg12 : memref<!tpu.dma_semaphore, #tpu.memory_space<semaphore_mem>>) src(%dma_wait3A_149 : memref<100000x128xf32, #tpu.memory_space<hbm>>) dst(%arg8 : memref<128x128xf32, #tpu.memory_space<vmem>>)
      %mul3A_150 = arith.constant 128 : i32
      %mul3A_151 = arith.muli %add3A_143, %mul3A_150 : i32
      %add3A_152 = arith.addi %mul3A_2, %mul3A_151 : i32
      %dma_start3A_153 = arith.constant 0 : i32
      %dma_start3A_154 = tpu.memref_slice %arg4[%add3A_152, %dma_start3A_153] : memref<204800x128xf32, #tpu.memory_space<hbm>> -> memref<128x128xf32, #tpu.memory_space<hbm>>
      %dma_start3A_155 = arith.constant 0 : i32
      %dma_start3A_156 = tpu.memref_slice %arg4[%add3A_152, %dma_start3A_155] : memref<204800x128xf32, #tpu.memory_space<hbm>> -> memref<128x128xf32, #tpu.memory_space<hbm>>
      tpu.enqueue_dma source(%arg8 : memref<128x128xf32, #tpu.memory_space<vmem>>) target(%dma_start3A_156 : memref<128x128xf32, #tpu.memory_space<hbm>>) target_semaphore(%arg16 : memref<!tpu.dma_semaphore, #tpu.memory_space<semaphore_mem>>)
      %sub3A = arith.constant 2 : i32
      %sub3A_157 = arith.subi %add3A_143, %sub3A : i32
      %mul3A_158 = arith.constant 128 : i32
      %mul3A_159 = arith.muli %sub3A_157, %mul3A_158 : i32
      %add3A_160 = arith.addi %mul3A_2, %mul3A_159 : i32
      %dma_wait3A_161 = arith.constant 0 : i32
      %dma_wait3A_162 = tpu.memref_slice %arg4[%add3A_160, %dma_wait3A_161] : memref<204800x128xf32, #tpu.memory_space<hbm>> -> memref<128x128xf32, #tpu.memory_space<hbm>>
      %dma_wait3A_163 = arith.constant 0 : i32
      %dma_wait3A_164 = tpu.memref_slice %arg4[%add3A_160, %dma_wait3A_163] : memref<204800x128xf32, #tpu.memory_space<hbm>> -> memref<128x128xf32, #tpu.memory_space<hbm>>
      tpu.wait_dma2 semaphore(%arg14 : memref<!tpu.dma_semaphore, #tpu.memory_space<semaphore_mem>>) src(%arg6 : memref<128x128xf32, #tpu.memory_space<vmem>>) dst(%dma_wait3A_164 : memref<128x128xf32, #tpu.memory_space<hbm>>)
      %add3A_165 = arith.constant 2 : i32
      %add3A_166 = arith.addi %add3A_143, %add3A_165 : i32
      %mul3A_167 = arith.constant 128 : i32
      %mul3A_168 = arith.muli %add3A_166, %mul3A_167 : i32
      %dma_start3A_169 = tpu.memref_slice %arg5[%mul3A_168] : memref<6400xi32, #tpu.memory_space<vmem>> -> memref<128xi32, #tpu.memory_space<vmem>>
      %dma_start3A_170 = arith.constant 0 : i32
      %dma_start3A_171 = arith.constant 0 : i32
      %dma_start3A_172 = tpu.memref_slice %arg3[%dma_start3A_170, %dma_start3A_171] : memref<100000x128xf32, #tpu.memory_space<hbm>> -> memref<100000x128xf32, #tpu.memory_space<hbm>>
      tpu.enqueue_indirect_dma source(%dma_start3A_172 : memref<100000x128xf32, #tpu.memory_space<hbm>>) target(%arg6 : memref<128x128xf32, #tpu.memory_space<vmem>>) offsets(%dma_start3A_169 : memref<128xi32, #tpu.memory_space<vmem>>) semaphore(%arg10 : memref<!tpu.dma_semaphore, #tpu.memory_space<semaphore_mem>>)
      %add3A_173 = arith.constant 1 : i32
      %add3A_174 = arith.addi %add3A_141, %add3A_173 : i32
      %mul3A_175 = arith.constant 128 : i32
      %mul3A_176 = arith.muli %add3A_174, %mul3A_175 : i32
      %dma_wait3A_177 = tpu.memref_slice %arg5[%mul3A_176] : memref<6400xi32, #tpu.memory_space<vmem>> -> memref<128xi32, #tpu.memory_space<vmem>>
      %dma_wait3A_178 = arith.constant 0 : i32
      %dma_wait3A_179 = arith.constant 0 : i32
      %dma_wait3A_180 = tpu.memref_slice %arg3[%dma_wait3A_178, %dma_wait3A_179] : memref<100000x128xf32, #tpu.memory_space<hbm>> -> memref<100000x128xf32, #tpu.memory_space<hbm>>
      tpu.wait_indirect_dma semaphore(%arg13 : memref<!tpu.dma_semaphore, #tpu.memory_space<semaphore_mem>>) src(%dma_wait3A_180 : memref<100000x128xf32, #tpu.memory_space<hbm>>) dst(%arg9 : memref<128x128xf32, #tpu.memory_space<vmem>>)
      %mul3A_181 = arith.constant 128 : i32
      %mul3A_182 = arith.muli %add3A_174, %mul3A_181 : i32
      %add3A_183 = arith.addi %mul3A_2, %mul3A_182 : i32
      %dma_start3A_184 = arith.constant 0 : i32
      %dma_start3A_185 = tpu.memref_slice %arg4[%add3A_183, %dma_start3A_184] : memref<204800x128xf32, #tpu.memory_space<hbm>> -> memref<128x128xf32, #tpu.memory_space<hbm>>
      %dma_start3A_186 = arith.constant 0 : i32
      %dma_start3A_187 = tpu.memref_slice %arg4[%add3A_183, %dma_start3A_186] : memref<204800x128xf32, #tpu.memory_space<hbm>> -> memref<128x128xf32, #tpu.memory_space<hbm>>
      tpu.enqueue_dma source(%arg9 : memref<128x128xf32, #tpu.memory_space<vmem>>) target(%dma_start3A_187 : memref<128x128xf32, #tpu.memory_space<hbm>>) target_semaphore(%arg17 : memref<!tpu.dma_semaphore, #tpu.memory_space<semaphore_mem>>)
      %sub3A_188 = arith.constant 2 : i32
      %sub3A_189 = arith.subi %add3A_174, %sub3A_188 : i32
      %mul3A_190 = arith.constant 128 : i32
      %mul3A_191 = arith.muli %sub3A_189, %mul3A_190 : i32
      %add3A_192 = arith.addi %mul3A_2, %mul3A_191 : i32
      %dma_wait3A_193 = arith.constant 0 : i32
      %dma_wait3A_194 = tpu.memref_slice %arg4[%add3A_192, %dma_wait3A_193] : memref<204800x128xf32, #tpu.memory_space<hbm>> -> memref<128x128xf32, #tpu.memory_space<hbm>>
      %dma_wait3A_195 = arith.constant 0 : i32
      %dma_wait3A_196 = tpu.memref_slice %arg4[%add3A_192, %dma_wait3A_195] : memref<204800x128xf32, #tpu.memory_space<hbm>> -> memref<128x128xf32, #tpu.memory_space<hbm>>
      tpu.wait_dma2 semaphore(%arg15 : memref<!tpu.dma_semaphore, #tpu.memory_space<semaphore_mem>>) src(%arg7 : memref<128x128xf32, #tpu.memory_space<vmem>>) dst(%dma_wait3A_196 : memref<128x128xf32, #tpu.memory_space<hbm>>)
      %add3A_197 = arith.constant 2 : i32
      %add3A_198 = arith.addi %add3A_174, %add3A_197 : i32
      %mul3A_199 = arith.constant 128 : i32
      %mul3A_200 = arith.muli %add3A_198, %mul3A_199 : i32
      %dma_start3A_201 = tpu.memref_slice %arg5[%mul3A_200] : memref<6400xi32, #tpu.memory_space<vmem>> -> memref<128xi32, #tpu.memory_space<vmem>>
      %dma_start3A_202 = arith.constant 0 : i32
      %dma_start3A_203 = arith.constant 0 : i32
      %dma_start3A_204 = tpu.memref_slice %arg3[%dma_start3A_202, %dma_start3A_203] : memref<100000x128xf32, #tpu.memory_space<hbm>> -> memref<100000x128xf32, #tpu.memory_space<hbm>>
      tpu.enqueue_indirect_dma source(%dma_start3A_204 : memref<100000x128xf32, #tpu.memory_space<hbm>>) target(%arg7 : memref<128x128xf32, #tpu.memory_space<vmem>>) offsets(%dma_start3A_201 : memref<128xi32, #tpu.memory_space<vmem>>) semaphore(%arg11 : memref<!tpu.dma_semaphore, #tpu.memory_space<semaphore_mem>>)
      %add3A_205 = arith.constant 2 : i32
      %add3A_206 = arith.addi %add3A_141, %add3A_205 : i32
      %mul3A_207 = arith.constant 128 : i32
      %mul3A_208 = arith.muli %add3A_206, %mul3A_207 : i32
      %dma_wait3A_209 = tpu.memref_slice %arg5[%mul3A_208] : memref<6400xi32, #tpu.memory_space<vmem>> -> memref<128xi32, #tpu.memory_space<vmem>>
      %dma_wait3A_210 = arith.constant 0 : i32
      %dma_wait3A_211 = arith.constant 0 : i32
      %dma_wait3A_212 = tpu.memref_slice %arg3[%dma_wait3A_210, %dma_wait3A_211] : memref<100000x128xf32, #tpu.memory_space<hbm>> -> memref<100000x128xf32, #tpu.memory_space<hbm>>
      tpu.wait_indirect_dma semaphore(%arg10 : memref<!tpu.dma_semaphore, #tpu.memory_space<semaphore_mem>>) src(%dma_wait3A_212 : memref<100000x128xf32, #tpu.memory_space<hbm>>) dst(%arg6 : memref<128x128xf32, #tpu.memory_space<vmem>>)
      %mul3A_213 = arith.constant 128 : i32
      %mul3A_214 = arith.muli %add3A_206, %mul3A_213 : i32
      %add3A_215 = arith.addi %mul3A_2, %mul3A_214 : i32
      %dma_start3A_216 = arith.constant 0 : i32
      %dma_start3A_217 = tpu.memref_slice %arg4[%add3A_215, %dma_start3A_216] : memref<204800x128xf32, #tpu.memory_space<hbm>> -> memref<128x128xf32, #tpu.memory_space<hbm>>
      %dma_start3A_218 = arith.constant 0 : i32
      %dma_start3A_219 = tpu.memref_slice %arg4[%add3A_215, %dma_start3A_218] : memref<204800x128xf32, #tpu.memory_space<hbm>> -> memref<128x128xf32, #tpu.memory_space<hbm>>
      tpu.enqueue_dma source(%arg6 : memref<128x128xf32, #tpu.memory_space<vmem>>) target(%dma_start3A_219 : memref<128x128xf32, #tpu.memory_space<hbm>>) target_semaphore(%arg14 : memref<!tpu.dma_semaphore, #tpu.memory_space<semaphore_mem>>)
      %sub3A_220 = arith.constant 2 : i32
      %sub3A_221 = arith.subi %add3A_206, %sub3A_220 : i32
      %mul3A_222 = arith.constant 128 : i32
      %mul3A_223 = arith.muli %sub3A_221, %mul3A_222 : i32
      %add3A_224 = arith.addi %mul3A_2, %mul3A_223 : i32
      %dma_wait3A_225 = arith.constant 0 : i32
      %dma_wait3A_226 = tpu.memref_slice %arg4[%add3A_224, %dma_wait3A_225] : memref<204800x128xf32, #tpu.memory_space<hbm>> -> memref<128x128xf32, #tpu.memory_space<hbm>>
      %dma_wait3A_227 = arith.constant 0 : i32
      %dma_wait3A_228 = tpu.memref_slice %arg4[%add3A_224, %dma_wait3A_227] : memref<204800x128xf32, #tpu.memory_space<hbm>> -> memref<128x128xf32, #tpu.memory_space<hbm>>
      tpu.wait_dma2 semaphore(%arg16 : memref<!tpu.dma_semaphore, #tpu.memory_space<semaphore_mem>>) src(%arg8 : memref<128x128xf32, #tpu.memory_space<vmem>>) dst(%dma_wait3A_228 : memref<128x128xf32, #tpu.memory_space<hbm>>)
      %add3A_229 = arith.constant 2 : i32
      %add3A_230 = arith.addi %add3A_206, %add3A_229 : i32
      %mul3A_231 = arith.constant 128 : i32
      %mul3A_232 = arith.muli %add3A_230, %mul3A_231 : i32
      %dma_start3A_233 = tpu.memref_slice %arg5[%mul3A_232] : memref<6400xi32, #tpu.memory_space<vmem>> -> memref<128xi32, #tpu.memory_space<vmem>>
      %dma_start3A_234 = arith.constant 0 : i32
      %dma_start3A_235 = arith.constant 0 : i32
      %dma_start3A_236 = tpu.memref_slice %arg3[%dma_start3A_234, %dma_start3A_235] : memref<100000x128xf32, #tpu.memory_space<hbm>> -> memref<100000x128xf32, #tpu.memory_space<hbm>>
      tpu.enqueue_indirect_dma source(%dma_start3A_236 : memref<100000x128xf32, #tpu.memory_space<hbm>>) target(%arg8 : memref<128x128xf32, #tpu.memory_space<vmem>>) offsets(%dma_start3A_233 : memref<128xi32, #tpu.memory_space<vmem>>) semaphore(%arg12 : memref<!tpu.dma_semaphore, #tpu.memory_space<semaphore_mem>>)
      %add3A_237 = arith.constant 3 : i32
      %add3A_238 = arith.addi %add3A_141, %add3A_237 : i32
      %mul3A_239 = arith.constant 128 : i32
      %mul3A_240 = arith.muli %add3A_238, %mul3A_239 : i32
      %dma_wait3A_241 = tpu.memref_slice %arg5[%mul3A_240] : memref<6400xi32, #tpu.memory_space<vmem>> -> memref<128xi32, #tpu.memory_space<vmem>>
      %dma_wait3A_242 = arith.constant 0 : i32
      %dma_wait3A_243 = arith.constant 0 : i32
      %dma_wait3A_244 = tpu.memref_slice %arg3[%dma_wait3A_242, %dma_wait3A_243] : memref<100000x128xf32, #tpu.memory_space<hbm>> -> memref<100000x128xf32, #tpu.memory_space<hbm>>
      tpu.wait_indirect_dma semaphore(%arg11 : memref<!tpu.dma_semaphore, #tpu.memory_space<semaphore_mem>>) src(%dma_wait3A_244 : memref<100000x128xf32, #tpu.memory_space<hbm>>) dst(%arg7 : memref<128x128xf32, #tpu.memory_space<vmem>>)
      %mul3A_245 = arith.constant 128 : i32
      %mul3A_246 = arith.muli %add3A_238, %mul3A_245 : i32
      %add3A_247 = arith.addi %mul3A_2, %mul3A_246 : i32
      %dma_start3A_248 = arith.constant 0 : i32
      %dma_start3A_249 = tpu.memref_slice %arg4[%add3A_247, %dma_start3A_248] : memref<204800x128xf32, #tpu.memory_space<hbm>> -> memref<128x128xf32, #tpu.memory_space<hbm>>
      %dma_start3A_250 = arith.constant 0 : i32
      %dma_start3A_251 = tpu.memref_slice %arg4[%add3A_247, %dma_start3A_250] : memref<204800x128xf32, #tpu.memory_space<hbm>> -> memref<128x128xf32, #tpu.memory_space<hbm>>
      tpu.enqueue_dma source(%arg7 : memref<128x128xf32, #tpu.memory_space<vmem>>) target(%dma_start3A_251 : memref<128x128xf32, #tpu.memory_space<hbm>>) target_semaphore(%arg15 : memref<!tpu.dma_semaphore, #tpu.memory_space<semaphore_mem>>)
      %sub3A_252 = arith.constant 2 : i32
      %sub3A_253 = arith.subi %add3A_238, %sub3A_252 : i32
      %mul3A_254 = arith.constant 128 : i32
      %mul3A_255 = arith.muli %sub3A_253, %mul3A_254 : i32
      %add3A_256 = arith.addi %mul3A_2, %mul3A_255 : i32
      %dma_wait3A_257 = arith.constant 0 : i32
      %dma_wait3A_258 = tpu.memref_slice %arg4[%add3A_256, %dma_wait3A_257] : memref<204800x128xf32, #tpu.memory_space<hbm>> -> memref<128x128xf32, #tpu.memory_space<hbm>>
      %dma_wait3A_259 = arith.constant 0 : i32
      %dma_wait3A_260 = tpu.memref_slice %arg4[%add3A_256, %dma_wait3A_259] : memref<204800x128xf32, #tpu.memory_space<hbm>> -> memref<128x128xf32, #tpu.memory_space<hbm>>
      tpu.wait_dma2 semaphore(%arg17 : memref<!tpu.dma_semaphore, #tpu.memory_space<semaphore_mem>>) src(%arg9 : memref<128x128xf32, #tpu.memory_space<vmem>>) dst(%dma_wait3A_260 : memref<128x128xf32, #tpu.memory_space<hbm>>)
      %add3A_261 = arith.constant 2 : i32
      %add3A_262 = arith.addi %add3A_238, %add3A_261 : i32
      %mul3A_263 = arith.constant 128 : i32
      %mul3A_264 = arith.muli %add3A_262, %mul3A_263 : i32
      %dma_start3A_265 = tpu.memref_slice %arg5[%mul3A_264] : memref<6400xi32, #tpu.memory_space<vmem>> -> memref<128xi32, #tpu.memory_space<vmem>>
      %dma_start3A_266 = arith.constant 0 : i32
      %dma_start3A_267 = arith.constant 0 : i32
      %dma_start3A_268 = tpu.memref_slice %arg3[%dma_start3A_266, %dma_start3A_267] : memref<100000x128xf32, #tpu.memory_space<hbm>> -> memref<100000x128xf32, #tpu.memory_space<hbm>>
      tpu.enqueue_indirect_dma source(%dma_start3A_268 : memref<100000x128xf32, #tpu.memory_space<hbm>>) target(%arg9 : memref<128x128xf32, #tpu.memory_space<vmem>>) offsets(%dma_start3A_265 : memref<128xi32, #tpu.memory_space<vmem>>) semaphore(%arg13 : memref<!tpu.dma_semaphore, #tpu.memory_space<semaphore_mem>>)
    }
    %scan3A_46 = arith.constant 11 : i32
    %dma_wait3A_47 = arith.constant 5888 : i32
    %dma_wait3A_48 = tpu.memref_slice %arg5[%dma_wait3A_47] : memref<6400xi32, #tpu.memory_space<vmem>> -> memref<128xi32, #tpu.memory_space<vmem>>
    %dma_wait3A_49 = arith.constant 0 : i32
    %dma_wait3A_50 = arith.constant 0 : i32
    %dma_wait3A_51 = tpu.memref_slice %arg3[%dma_wait3A_49, %dma_wait3A_50] : memref<100000x128xf32, #tpu.memory_space<hbm>> -> memref<100000x128xf32, #tpu.memory_space<hbm>>
    tpu.wait_indirect_dma semaphore(%arg12 : memref<!tpu.dma_semaphore, #tpu.memory_space<semaphore_mem>>) src(%dma_wait3A_51 : memref<100000x128xf32, #tpu.memory_space<hbm>>) dst(%arg8 : memref<128x128xf32, #tpu.memory_space<vmem>>)
    %add3A_52 = arith.constant 5632 : i32
    %add3A_53 = arith.addi %mul3A_2, %add3A_52 : i32
    %dma_wait3A_54 = arith.constant 0 : i32
    %dma_wait3A_55 = tpu.memref_slice %arg4[%add3A_53, %dma_wait3A_54] : memref<204800x128xf32, #tpu.memory_space<hbm>> -> memref<128x128xf32, #tpu.memory_space<hbm>>
    %dma_wait3A_56 = arith.constant 0 : i32
    %dma_wait3A_57 = tpu.memref_slice %arg4[%add3A_53, %dma_wait3A_56] : memref<204800x128xf32, #tpu.memory_space<hbm>> -> memref<128x128xf32, #tpu.memory_space<hbm>>
    tpu.wait_dma2 semaphore(%arg14 : memref<!tpu.dma_semaphore, #tpu.memory_space<semaphore_mem>>) src(%arg6 : memref<128x128xf32, #tpu.memory_space<vmem>>) dst(%dma_wait3A_57 : memref<128x128xf32, #tpu.memory_space<hbm>>)
    %dma_start3A_58 = arith.constant 6144 : i32
    %dma_start3A_59 = tpu.memref_slice %arg5[%dma_start3A_58] : memref<6400xi32, #tpu.memory_space<vmem>> -> memref<128xi32, #tpu.memory_space<vmem>>
    %dma_start3A_60 = arith.constant 0 : i32
    %dma_start3A_61 = arith.constant 0 : i32
    %dma_start3A_62 = tpu.memref_slice %arg3[%dma_start3A_60, %dma_start3A_61] : memref<100000x128xf32, #tpu.memory_space<hbm>> -> memref<100000x128xf32, #tpu.memory_space<hbm>>
    tpu.enqueue_indirect_dma source(%dma_start3A_62 : memref<100000x128xf32, #tpu.memory_space<hbm>>) target(%arg6 : memref<128x128xf32, #tpu.memory_space<vmem>>) offsets(%dma_start3A_59 : memref<128xi32, #tpu.memory_space<vmem>>) semaphore(%arg10 : memref<!tpu.dma_semaphore, #tpu.memory_space<semaphore_mem>>)
    %add3A_63 = arith.constant 5888 : i32
    %add3A_64 = arith.addi %mul3A_2, %add3A_63 : i32
    %dma_start3A_65 = arith.constant 0 : i32
    %dma_start3A_66 = tpu.memref_slice %arg4[%add3A_64, %dma_start3A_65] : memref<204800x128xf32, #tpu.memory_space<hbm>> -> memref<128x128xf32, #tpu.memory_space<hbm>>
    %dma_start3A_67 = arith.constant 0 : i32
    %dma_start3A_68 = tpu.memref_slice %arg4[%add3A_64, %dma_start3A_67] : memref<204800x128xf32, #tpu.memory_space<hbm>> -> memref<128x128xf32, #tpu.memory_space<hbm>>
    tpu.enqueue_dma source(%arg8 : memref<128x128xf32, #tpu.memory_space<vmem>>) target(%dma_start3A_68 : memref<128x128xf32, #tpu.memory_space<hbm>>) target_semaphore(%arg16 : memref<!tpu.dma_semaphore, #tpu.memory_space<semaphore_mem>>)
    %dma_wait3A_69 = arith.constant 6016 : i32
    %dma_wait3A_70 = tpu.memref_slice %arg5[%dma_wait3A_69] : memref<6400xi32, #tpu.memory_space<vmem>> -> memref<128xi32, #tpu.memory_space<vmem>>
    %dma_wait3A_71 = arith.constant 0 : i32
    %dma_wait3A_72 = arith.constant 0 : i32
    %dma_wait3A_73 = tpu.memref_slice %arg3[%dma_wait3A_71, %dma_wait3A_72] : memref<100000x128xf32, #tpu.memory_space<hbm>> -> memref<100000x128xf32, #tpu.memory_space<hbm>>
    tpu.wait_indirect_dma semaphore(%arg13 : memref<!tpu.dma_semaphore, #tpu.memory_space<semaphore_mem>>) src(%dma_wait3A_73 : memref<100000x128xf32, #tpu.memory_space<hbm>>) dst(%arg9 : memref<128x128xf32, #tpu.memory_space<vmem>>)
    %add3A_74 = arith.constant 5760 : i32
    %add3A_75 = arith.addi %mul3A_2, %add3A_74 : i32
    %dma_wait3A_76 = arith.constant 0 : i32
    %dma_wait3A_77 = tpu.memref_slice %arg4[%add3A_75, %dma_wait3A_76] : memref<204800x128xf32, #tpu.memory_space<hbm>> -> memref<128x128xf32, #tpu.memory_space<hbm>>
    %dma_wait3A_78 = arith.constant 0 : i32
    %dma_wait3A_79 = tpu.memref_slice %arg4[%add3A_75, %dma_wait3A_78] : memref<204800x128xf32, #tpu.memory_space<hbm>> -> memref<128x128xf32, #tpu.memory_space<hbm>>
    tpu.wait_dma2 semaphore(%arg15 : memref<!tpu.dma_semaphore, #tpu.memory_space<semaphore_mem>>) src(%arg7 : memref<128x128xf32, #tpu.memory_space<vmem>>) dst(%dma_wait3A_79 : memref<128x128xf32, #tpu.memory_space<hbm>>)
    %dma_start3A_80 = arith.constant 6272 : i32
    %dma_start3A_81 = tpu.memref_slice %arg5[%dma_start3A_80] : memref<6400xi32, #tpu.memory_space<vmem>> -> memref<128xi32, #tpu.memory_space<vmem>>
    %dma_start3A_82 = arith.constant 0 : i32
    %dma_start3A_83 = arith.constant 0 : i32
    %dma_start3A_84 = tpu.memref_slice %arg3[%dma_start3A_82, %dma_start3A_83] : memref<100000x128xf32, #tpu.memory_space<hbm>> -> memref<100000x128xf32, #tpu.memory_space<hbm>>
    tpu.enqueue_indirect_dma source(%dma_start3A_84 : memref<100000x128xf32, #tpu.memory_space<hbm>>) target(%arg7 : memref<128x128xf32, #tpu.memory_space<vmem>>) offsets(%dma_start3A_81 : memref<128xi32, #tpu.memory_space<vmem>>) semaphore(%arg11 : memref<!tpu.dma_semaphore, #tpu.memory_space<semaphore_mem>>)
    %add3A_85 = arith.constant 6016 : i32
    %add3A_86 = arith.addi %mul3A_2, %add3A_85 : i32
    %dma_start3A_87 = arith.constant 0 : i32
    %dma_start3A_88 = tpu.memref_slice %arg4[%add3A_86, %dma_start3A_87] : memref<204800x128xf32, #tpu.memory_space<hbm>> -> memref<128x128xf32, #tpu.memory_space<hbm>>
    %dma_start3A_89 = arith.constant 0 : i32
    %dma_start3A_90 = tpu.memref_slice %arg4[%add3A_86, %dma_start3A_89] : memref<204800x128xf32, #tpu.memory_space<hbm>> -> memref<128x128xf32, #tpu.memory_space<hbm>>
    tpu.enqueue_dma source(%arg9 : memref<128x128xf32, #tpu.memory_space<vmem>>) target(%dma_start3A_90 : memref<128x128xf32, #tpu.memory_space<hbm>>) target_semaphore(%arg17 : memref<!tpu.dma_semaphore, #tpu.memory_space<semaphore_mem>>)
    %dma_wait3A_91 = arith.constant 6144 : i32
    %dma_wait3A_92 = tpu.memref_slice %arg5[%dma_wait3A_91] : memref<6400xi32, #tpu.memory_space<vmem>> -> memref<128xi32, #tpu.memory_space<vmem>>
    %dma_wait3A_93 = arith.constant 0 : i32
    %dma_wait3A_94 = arith.constant 0 : i32
    %dma_wait3A_95 = tpu.memref_slice %arg3[%dma_wait3A_93, %dma_wait3A_94] : memref<100000x128xf32, #tpu.memory_space<hbm>> -> memref<100000x128xf32, #tpu.memory_space<hbm>>
    tpu.wait_indirect_dma semaphore(%arg10 : memref<!tpu.dma_semaphore, #tpu.memory_space<semaphore_mem>>) src(%dma_wait3A_95 : memref<100000x128xf32, #tpu.memory_space<hbm>>) dst(%arg6 : memref<128x128xf32, #tpu.memory_space<vmem>>)
    %add3A_96 = arith.constant 5888 : i32
    %add3A_97 = arith.addi %mul3A_2, %add3A_96 : i32
    %dma_wait3A_98 = arith.constant 0 : i32
    %dma_wait3A_99 = tpu.memref_slice %arg4[%add3A_97, %dma_wait3A_98] : memref<204800x128xf32, #tpu.memory_space<hbm>> -> memref<128x128xf32, #tpu.memory_space<hbm>>
    %dma_wait3A_100 = arith.constant 0 : i32
    %dma_wait3A_101 = tpu.memref_slice %arg4[%add3A_97, %dma_wait3A_100] : memref<204800x128xf32, #tpu.memory_space<hbm>> -> memref<128x128xf32, #tpu.memory_space<hbm>>
    tpu.wait_dma2 semaphore(%arg16 : memref<!tpu.dma_semaphore, #tpu.memory_space<semaphore_mem>>) src(%arg8 : memref<128x128xf32, #tpu.memory_space<vmem>>) dst(%dma_wait3A_101 : memref<128x128xf32, #tpu.memory_space<hbm>>)
    %add3A_102 = arith.constant 6144 : i32
    %add3A_103 = arith.addi %mul3A_2, %add3A_102 : i32
    %dma_start3A_104 = arith.constant 0 : i32
    %dma_start3A_105 = tpu.memref_slice %arg4[%add3A_103, %dma_start3A_104] : memref<204800x128xf32, #tpu.memory_space<hbm>> -> memref<128x128xf32, #tpu.memory_space<hbm>>
    %dma_start3A_106 = arith.constant 0 : i32
    %dma_start3A_107 = tpu.memref_slice %arg4[%add3A_103, %dma_start3A_106] : memref<204800x128xf32, #tpu.memory_space<hbm>> -> memref<128x128xf32, #tpu.memory_space<hbm>>
    tpu.enqueue_dma source(%arg6 : memref<128x128xf32, #tpu.memory_space<vmem>>) target(%dma_start3A_107 : memref<128x128xf32, #tpu.memory_space<hbm>>) target_semaphore(%arg14 : memref<!tpu.dma_semaphore, #tpu.memory_space<semaphore_mem>>)
    %dma_wait3A_108 = arith.constant 6272 : i32
    %dma_wait3A_109 = tpu.memref_slice %arg5[%dma_wait3A_108] : memref<6400xi32, #tpu.memory_space<vmem>> -> memref<128xi32, #tpu.memory_space<vmem>>
    %dma_wait3A_110 = arith.constant 0 : i32
    %dma_wait3A_111 = arith.constant 0 : i32
    %dma_wait3A_112 = tpu.memref_slice %arg3[%dma_wait3A_110, %dma_wait3A_111] : memref<100000x128xf32, #tpu.memory_space<hbm>> -> memref<100000x128xf32, #tpu.memory_space<hbm>>
    tpu.wait_indirect_dma semaphore(%arg11 : memref<!tpu.dma_semaphore, #tpu.memory_space<semaphore_mem>>) src(%dma_wait3A_112 : memref<100000x128xf32, #tpu.memory_space<hbm>>) dst(%arg7 : memref<128x128xf32, #tpu.memory_space<vmem>>)
    %add3A_113 = arith.constant 6016 : i32
    %add3A_114 = arith.addi %mul3A_2, %add3A_113 : i32
    %dma_wait3A_115 = arith.constant 0 : i32
    %dma_wait3A_116 = tpu.memref_slice %arg4[%add3A_114, %dma_wait3A_115] : memref<204800x128xf32, #tpu.memory_space<hbm>> -> memref<128x128xf32, #tpu.memory_space<hbm>>
    %dma_wait3A_117 = arith.constant 0 : i32
    %dma_wait3A_118 = tpu.memref_slice %arg4[%add3A_114, %dma_wait3A_117] : memref<204800x128xf32, #tpu.memory_space<hbm>> -> memref<128x128xf32, #tpu.memory_space<hbm>>
    tpu.wait_dma2 semaphore(%arg17 : memref<!tpu.dma_semaphore, #tpu.memory_space<semaphore_mem>>) src(%arg9 : memref<128x128xf32, #tpu.memory_space<vmem>>) dst(%dma_wait3A_118 : memref<128x128xf32, #tpu.memory_space<hbm>>)
    %add3A_119 = arith.constant 6272 : i32
    %add3A_120 = arith.addi %mul3A_2, %add3A_119 : i32
    %dma_start3A_121 = arith.constant 0 : i32
    %dma_start3A_122 = tpu.memref_slice %arg4[%add3A_120, %dma_start3A_121] : memref<204800x128xf32, #tpu.memory_space<hbm>> -> memref<128x128xf32, #tpu.memory_space<hbm>>
    %dma_start3A_123 = arith.constant 0 : i32
    %dma_start3A_124 = tpu.memref_slice %arg4[%add3A_120, %dma_start3A_123] : memref<204800x128xf32, #tpu.memory_space<hbm>> -> memref<128x128xf32, #tpu.memory_space<hbm>>
    tpu.enqueue_dma source(%arg7 : memref<128x128xf32, #tpu.memory_space<vmem>>) target(%dma_start3A_124 : memref<128x128xf32, #tpu.memory_space<hbm>>) target_semaphore(%arg15 : memref<!tpu.dma_semaphore, #tpu.memory_space<semaphore_mem>>)
    %add3A_125 = arith.constant 6144 : i32
    %add3A_126 = arith.addi %mul3A_2, %add3A_125 : i32
    %dma_wait3A_127 = arith.constant 0 : i32
    %dma_wait3A_128 = tpu.memref_slice %arg4[%add3A_126, %dma_wait3A_127] : memref<204800x128xf32, #tpu.memory_space<hbm>> -> memref<128x128xf32, #tpu.memory_space<hbm>>
    %dma_wait3A_129 = arith.constant 0 : i32
    %dma_wait3A_130 = tpu.memref_slice %arg4[%add3A_126, %dma_wait3A_129] : memref<204800x128xf32, #tpu.memory_space<hbm>> -> memref<128x128xf32, #tpu.memory_space<hbm>>
    tpu.wait_dma2 semaphore(%arg14 : memref<!tpu.dma_semaphore, #tpu.memory_space<semaphore_mem>>) src(%arg6 : memref<128x128xf32, #tpu.memory_space<vmem>>) dst(%dma_wait3A_130 : memref<128x128xf32, #tpu.memory_space<hbm>>)
    %add3A_131 = arith.constant 6272 : i32
    %add3A_132 = arith.addi %mul3A_2, %add3A_131 : i32
    %dma_wait3A_133 = arith.constant 0 : i32
    %dma_wait3A_134 = tpu.memref_slice %arg4[%add3A_132, %dma_wait3A_133] : memref<204800x128xf32, #tpu.memory_space<hbm>> -> memref<128x128xf32, #tpu.memory_space<hbm>>
    %dma_wait3A_135 = arith.constant 0 : i32
    %dma_wait3A_136 = tpu.memref_slice %arg4[%add3A_132, %dma_wait3A_135] : memref<204800x128xf32, #tpu.memory_space<hbm>> -> memref<128x128xf32, #tpu.memory_space<hbm>>
    tpu.wait_dma2 semaphore(%arg15 : memref<!tpu.dma_semaphore, #tpu.memory_space<semaphore_mem>>) src(%arg7 : memref<128x128xf32, #tpu.memory_space<vmem>>) dst(%dma_wait3A_136 : memref<128x128xf32, #tpu.memory_space<hbm>>)
    return
  }
}

#map = affine_map<(d0, d1) -> (0)>
#map1 = affine_map<(d0, d1) -> (0, 0)>
module attributes {stable_mosaic.version = 14 : i64} {
  func.func @body(%arg0: i32, %arg1: i32, %arg2: memref<204800xi32, #tpu.memory_space<hbm>>, %arg3: memref<100000x128xf32, #tpu.memory_space<hbm>>, %arg4: memref<204800x128xf32, #tpu.memory_space<hbm>>, %arg5: memref<6400xi32, #tpu.memory_space<vmem>>, %arg6: memref<128x128xf32, #tpu.memory_space<vmem>>, %arg7: memref<128x128xf32, #tpu.memory_space<vmem>>, %arg8: memref<128x128xf32, #tpu.memory_space<vmem>>, %arg9: memref<128x128xf32, #tpu.memory_space<vmem>>, %arg10: memref<!tpu.dma_semaphore, #tpu.memory_space<semaphore_mem>>, %arg11: memref<!tpu.dma_semaphore, #tpu.memory_space<semaphore_mem>>, %arg12: memref<!tpu.dma_semaphore, #tpu.memory_space<semaphore_mem>>, %arg13: memref<!tpu.dma_semaphore, #tpu.memory_space<semaphore_mem>>, %arg14: memref<!tpu.dma_semaphore, #tpu.memory_space<semaphore_mem>>, %arg15: memref<!tpu.dma_semaphore, #tpu.memory_space<semaphore_mem>>, %arg16: memref<!tpu.dma_semaphore, #tpu.memory_space<semaphore_mem>>, %arg17: memref<!tpu.dma_semaphore, #tpu.memory_space<semaphore_mem>>) attributes {dimension_semantics = [#tpu.dimension_semantics<core_parallel>, #tpu.dimension_semantics<subcore_parallel>], iteration_bounds = array<i64: 2, 16>, scalar_prefetch = 0 : i64, scratch_operands = 13 : i64, tpu.core_type = #tpu.core_type<sc_vector_subcore>, window_params = [{transform_indices = #map}, {transform_indices = #map1}, {transform_indices = #map1}]} {
    %mul3A = arith.constant 2 : i32
    %mul3A_0 = arith.muli %arg1, %mul3A : i32
    %add3A = arith.addi %mul3A_0, %arg0 : i32
    %mul3A_1 = arith.constant 6400 : i32
    %mul3A_2 = arith.muli %add3A, %mul3A_1 : i32
    "tpu.region"() ({
      %run_scoped3A = tpu.sem_alloc : memref<!tpu.dma_semaphore, #tpu.memory_space<semaphore_mem>>
      %dma_start3A_137 = tpu.memref_slice %arg2[%mul3A_2] : memref<204800xi32, #tpu.memory_space<hbm>> -> memref<6400xi32, #tpu.memory_space<hbm>>
      %dma_start3A_138 = tpu.memref_slice %arg2[%mul3A_2] : memref<204800xi32, #tpu.memory_space<hbm>> -> memref<6400xi32, #tpu.memory_space<hbm>>
      tpu.enqueue_dma source(%dma_start3A_138 : memref<6400xi32, #tpu.memory_space<hbm>>) target(%arg5 : memref<6400xi32, #tpu.memory_space<vmem>>) target_semaphore(%run_scoped3A : memref<!tpu.dma_semaphore, #tpu.memory_space<semaphore_mem>>)
      %dma_wait3A_139 = tpu.memref_slice %arg2[%mul3A_2] : memref<204800xi32, #tpu.memory_space<hbm>> -> memref<6400xi32, #tpu.memory_space<hbm>>
      %dma_wait3A_140 = tpu.memref_slice %arg2[%mul3A_2] : memref<204800xi32, #tpu.memory_space<hbm>> -> memref<6400xi32, #tpu.memory_space<hbm>>
      tpu.wait_dma2 semaphore(%run_scoped3A : memref<!tpu.dma_semaphore, #tpu.memory_space<semaphore_mem>>) src(%dma_wait3A_140 : memref<6400xi32, #tpu.memory_space<hbm>>) dst(%arg5 : memref<6400xi32, #tpu.memory_space<vmem>>)
      tpu.yield
    }) : () -> ()
    %dma_start3A = arith.constant 0 : i32
    %dma_start3A_3 = tpu.memref_slice %arg5[%dma_start3A] : memref<6400xi32, #tpu.memory_space<vmem>> -> memref<128xi32, #tpu.memory_space<vmem>>
    %dma_start3A_4 = arith.constant 0 : i32
    %dma_start3A_5 = arith.constant 0 : i32
    %dma_start3A_6 = tpu.memref_slice %arg3[%dma_start3A_4, %dma_start3A_5] : memref<100000x128xf32, #tpu.memory_space<hbm>> -> memref<100000x128xf32, #tpu.memory_space<hbm>>
    tpu.enqueue_indirect_dma source(%dma_start3A_6 : memref<100000x128xf32, #tpu.memory_space<hbm>>) target(%arg6 : memref<128x128xf32, #tpu.memory_space<vmem>>) offsets(%dma_start3A_3 : memref<128xi32, #tpu.memory_space<vmem>>) semaphore(%arg10 : memref<!tpu.dma_semaphore, #tpu.memory_space<semaphore_mem>>)
    %dma_start3A_7 = arith.constant 128 : i32
    %dma_start3A_8 = tpu.memref_slice %arg5[%dma_start3A_7] : memref<6400xi32, #tpu.memory_space<vmem>> -> memref<128xi32, #tpu.memory_space<vmem>>
    %dma_start3A_9 = arith.constant 0 : i32
    %dma_start3A_10 = arith.constant 0 : i32
    %dma_start3A_11 = tpu.memref_slice %arg3[%dma_start3A_9, %dma_start3A_10] : memref<100000x128xf32, #tpu.memory_space<hbm>> -> memref<100000x128xf32, #tpu.memory_space<hbm>>
    tpu.enqueue_indirect_dma source(%dma_start3A_11 : memref<100000x128xf32, #tpu.memory_space<hbm>>) target(%arg7 : memref<128x128xf32, #tpu.memory_space<vmem>>) offsets(%dma_start3A_8 : memref<128xi32, #tpu.memory_space<vmem>>) semaphore(%arg11 : memref<!tpu.dma_semaphore, #tpu.memory_space<semaphore_mem>>)
    %dma_wait3A = arith.constant 0 : i32
    %dma_wait3A_12 = tpu.memref_slice %arg5[%dma_wait3A] : memref<6400xi32, #tpu.memory_space<vmem>> -> memref<128xi32, #tpu.memory_space<vmem>>
    %dma_wait3A_13 = arith.constant 0 : i32
    %dma_wait3A_14 = arith.constant 0 : i32
    %dma_wait3A_15 = tpu.memref_slice %arg3[%dma_wait3A_13, %dma_wait3A_14] : memref<100000x128xf32, #tpu.memory_space<hbm>> -> memref<100000x128xf32, #tpu.memory_space<hbm>>
    tpu.wait_indirect_dma semaphore(%arg10 : memref<!tpu.dma_semaphore, #tpu.memory_space<semaphore_mem>>) src(%dma_wait3A_15 : memref<100000x128xf32, #tpu.memory_space<hbm>>) dst(%arg6 : memref<128x128xf32, #tpu.memory_space<vmem>>)
    %add3A_16 = arith.constant 0 : i32
    %add3A_17 = arith.addi %mul3A_2, %add3A_16 : i32
    %dma_start3A_18 = arith.constant 0 : i32
    %dma_start3A_19 = tpu.memref_slice %arg4[%add3A_17, %dma_start3A_18] : memref<204800x128xf32, #tpu.memory_space<hbm>> -> memref<128x128xf32, #tpu.memory_space<hbm>>
    %dma_start3A_20 = arith.constant 0 : i32
    %dma_start3A_21 = tpu.memref_slice %arg4[%add3A_17, %dma_start3A_20] : memref<204800x128xf32, #tpu.memory_space<hbm>> -> memref<128x128xf32, #tpu.memory_space<hbm>>
    tpu.enqueue_dma source(%arg6 : memref<128x128xf32, #tpu.memory_space<vmem>>) target(%dma_start3A_21 : memref<128x128xf32, #tpu.memory_space<hbm>>) target_semaphore(%arg14 : memref<!tpu.dma_semaphore, #tpu.memory_space<semaphore_mem>>)
    %dma_start3A_22 = arith.constant 256 : i32
    %dma_start3A_23 = tpu.memref_slice %arg5[%dma_start3A_22] : memref<6400xi32, #tpu.memory_space<vmem>> -> memref<128xi32, #tpu.memory_space<vmem>>
    %dma_start3A_24 = arith.constant 0 : i32
    %dma_start3A_25 = arith.constant 0 : i32
    %dma_start3A_26 = tpu.memref_slice %arg3[%dma_start3A_24, %dma_start3A_25] : memref<100000x128xf32, #tpu.memory_space<hbm>> -> memref<100000x128xf32, #tpu.memory_space<hbm>>
    tpu.enqueue_indirect_dma source(%dma_start3A_26 : memref<100000x128xf32, #tpu.memory_space<hbm>>) target(%arg8 : memref<128x128xf32, #tpu.memory_space<vmem>>) offsets(%dma_start3A_23 : memref<128xi32, #tpu.memory_space<vmem>>) semaphore(%arg12 : memref<!tpu.dma_semaphore, #tpu.memory_space<semaphore_mem>>)
    %dma_wait3A_27 = arith.constant 128 : i32
    %dma_wait3A_28 = tpu.memref_slice %arg5[%dma_wait3A_27] : memref<6400xi32, #tpu.memory_space<vmem>> -> memref<128xi32, #tpu.memory_space<vmem>>
    %dma_wait3A_29 = arith.constant 0 : i32
    %dma_wait3A_30 = arith.constant 0 : i32
    %dma_wait3A_31 = tpu.memref_slice %arg3[%dma_wait3A_29, %dma_wait3A_30] : memref<100000x128xf32, #tpu.memory_space<hbm>> -> memref<100000x128xf32, #tpu.memory_space<hbm>>
    tpu.wait_indirect_dma semaphore(%arg11 : memref<!tpu.dma_semaphore, #tpu.memory_space<semaphore_mem>>) src(%dma_wait3A_31 : memref<100000x128xf32, #tpu.memory_space<hbm>>) dst(%arg7 : memref<128x128xf32, #tpu.memory_space<vmem>>)
    %add3A_32 = arith.constant 128 : i32
    %add3A_33 = arith.addi %mul3A_2, %add3A_32 : i32
    %dma_start3A_34 = arith.constant 0 : i32
    %dma_start3A_35 = tpu.memref_slice %arg4[%add3A_33, %dma_start3A_34] : memref<204800x128xf32, #tpu.memory_space<hbm>> -> memref<128x128xf32, #tpu.memory_space<hbm>>
    %dma_start3A_36 = arith.constant 0 : i32
    %dma_start3A_37 = tpu.memref_slice %arg4[%add3A_33, %dma_start3A_36] : memref<204800x128xf32, #tpu.memory_space<hbm>> -> memref<128x128xf32, #tpu.memory_space<hbm>>
    tpu.enqueue_dma source(%arg7 : memref<128x128xf32, #tpu.memory_space<vmem>>) target(%dma_start3A_37 : memref<128x128xf32, #tpu.memory_space<hbm>>) target_semaphore(%arg15 : memref<!tpu.dma_semaphore, #tpu.memory_space<semaphore_mem>>)
    %dma_start3A_38 = arith.constant 384 : i32
    %dma_start3A_39 = tpu.memref_slice %arg5[%dma_start3A_38] : memref<6400xi32, #tpu.memory_space<vmem>> -> memref<128xi32, #tpu.memory_space<vmem>>
    %dma_start3A_40 = arith.constant 0 : i32
    %dma_start3A_41 = arith.constant 0 : i32
    %dma_start3A_42 = tpu.memref_slice %arg3[%dma_start3A_40, %dma_start3A_41] : memref<100000x128xf32, #tpu.memory_space<hbm>> -> memref<100000x128xf32, #tpu.memory_space<hbm>>
    tpu.enqueue_indirect_dma source(%dma_start3A_42 : memref<100000x128xf32, #tpu.memory_space<hbm>>) target(%arg9 : memref<128x128xf32, #tpu.memory_space<vmem>>) offsets(%dma_start3A_39 : memref<128xi32, #tpu.memory_space<vmem>>) semaphore(%arg13 : memref<!tpu.dma_semaphore, #tpu.memory_space<semaphore_mem>>)
    %scan3A = arith.constant 0 : i32
    %scan3A_43 = arith.constant 11 : i32
    %scan3A_44 = arith.addi %scan3A, %scan3A_43 : i32
    %scan3A_45 = arith.constant 1 : i32
    scf.for %scan3A_137 = %scan3A to %scan3A_44 step %scan3A_45  : i32 {
      %mul3A_138 = arith.constant 4 : i32
      %mul3A_139 = arith.muli %scan3A_137, %mul3A_138 : i32
      %add3A_140 = arith.constant 2 : i32
      %add3A_141 = arith.addi %add3A_140, %mul3A_139 : i32
      %add3A_142 = arith.constant 0 : i32
      %add3A_143 = arith.addi %add3A_141, %add3A_142 : i32
      %mul3A_144 = arith.constant 128 : i32
      %mul3A_145 = arith.muli %add3A_143, %mul3A_144 : i32
      %dma_wait3A_146 = tpu.memref_slice %arg5[%mul3A_145] : memref<6400xi32, #tpu.memory_space<vmem>> -> memref<128xi32, #tpu.memory_space<vmem>>
      %dma_wait3A_147 = arith.constant 0 : i32
      %dma_wait3A_148 = arith.constant 0 : i32
      %dma_wait3A_149 = tpu.memref_slice %arg3[%dma_wait3A_147, %dma_wait3A_148] : memref<100000x128xf32, #tpu.memory_space<hbm>> -> memref<100000x128xf32, #tpu.memory_space<hbm>>
      tpu.wait_indirect_dma semaphore(%arg12 : memref<!tpu.dma_semaphore, #tpu.memory_space<semaphore_mem>>) src(%dma_wait3A_149 : memref<100000x128xf32, #tpu.memory_space<hbm>>) dst(%arg8 : memref<128x128xf32, #tpu.memory_space<vmem>>)
      %mul3A_150 = arith.constant 128 : i32
      %mul3A_151 = arith.muli %add3A_143, %mul3A_150 : i32
      %add3A_152 = arith.addi %mul3A_2, %mul3A_151 : i32
      %dma_start3A_153 = arith.constant 0 : i32
      %dma_start3A_154 = tpu.memref_slice %arg4[%add3A_152, %dma_start3A_153] : memref<204800x128xf32, #tpu.memory_space<hbm>> -> memref<128x128xf32, #tpu.memory_space<hbm>>
      %dma_start3A_155 = arith.constant 0 : i32
      %dma_start3A_156 = tpu.memref_slice %arg4[%add3A_152, %dma_start3A_155] : memref<204800x128xf32, #tpu.memory_space<hbm>> -> memref<128x128xf32, #tpu.memory_space<hbm>>
      tpu.enqueue_dma source(%arg8 : memref<128x128xf32, #tpu.memory_space<vmem>>) target(%dma_start3A_156 : memref<128x128xf32, #tpu.memory_space<hbm>>) target_semaphore(%arg16 : memref<!tpu.dma_semaphore, #tpu.memory_space<semaphore_mem>>)
      %sub3A = arith.constant 2 : i32
      %sub3A_157 = arith.subi %add3A_143, %sub3A : i32
      %mul3A_158 = arith.constant 128 : i32
      %mul3A_159 = arith.muli %sub3A_157, %mul3A_158 : i32
      %add3A_160 = arith.addi %mul3A_2, %mul3A_159 : i32
      %dma_wait3A_161 = arith.constant 0 : i32
      %dma_wait3A_162 = tpu.memref_slice %arg4[%add3A_160, %dma_wait3A_161] : memref<204800x128xf32, #tpu.memory_space<hbm>> -> memref<128x128xf32, #tpu.memory_space<hbm>>
      %dma_wait3A_163 = arith.constant 0 : i32
      %dma_wait3A_164 = tpu.memref_slice %arg4[%add3A_160, %dma_wait3A_163] : memref<204800x128xf32, #tpu.memory_space<hbm>> -> memref<128x128xf32, #tpu.memory_space<hbm>>
      tpu.wait_dma2 semaphore(%arg14 : memref<!tpu.dma_semaphore, #tpu.memory_space<semaphore_mem>>) src(%arg6 : memref<128x128xf32, #tpu.memory_space<vmem>>) dst(%dma_wait3A_164 : memref<128x128xf32, #tpu.memory_space<hbm>>)
      %add3A_165 = arith.constant 2 : i32
      %add3A_166 = arith.addi %add3A_143, %add3A_165 : i32
      %mul3A_167 = arith.constant 128 : i32
      %mul3A_168 = arith.muli %add3A_166, %mul3A_167 : i32
      %dma_start3A_169 = tpu.memref_slice %arg5[%mul3A_168] : memref<6400xi32, #tpu.memory_space<vmem>> -> memref<128xi32, #tpu.memory_space<vmem>>
      %dma_start3A_170 = arith.constant 0 : i32
      %dma_start3A_171 = arith.constant 0 : i32
      %dma_start3A_172 = tpu.memref_slice %arg3[%dma_start3A_170, %dma_start3A_171] : memref<100000x128xf32, #tpu.memory_space<hbm>> -> memref<100000x128xf32, #tpu.memory_space<hbm>>
      tpu.enqueue_indirect_dma source(%dma_start3A_172 : memref<100000x128xf32, #tpu.memory_space<hbm>>) target(%arg6 : memref<128x128xf32, #tpu.memory_space<vmem>>) offsets(%dma_start3A_169 : memref<128xi32, #tpu.memory_space<vmem>>) semaphore(%arg10 : memref<!tpu.dma_semaphore, #tpu.memory_space<semaphore_mem>>)
      %add3A_173 = arith.constant 1 : i32
      %add3A_174 = arith.addi %add3A_141, %add3A_173 : i32
      %mul3A_175 = arith.constant 128 : i32
      %mul3A_176 = arith.muli %add3A_174, %mul3A_175 : i32
      %dma_wait3A_177 = tpu.memref_slice %arg5[%mul3A_176] : memref<6400xi32, #tpu.memory_space<vmem>> -> memref<128xi32, #tpu.memory_space<vmem>>
      %dma_wait3A_178 = arith.constant 0 : i32
      %dma_wait3A_179 = arith.constant 0 : i32
      %dma_wait3A_180 = tpu.memref_slice %arg3[%dma_wait3A_178, %dma_wait3A_179] : memref<100000x128xf32, #tpu.memory_space<hbm>> -> memref<100000x128xf32, #tpu.memory_space<hbm>>
      tpu.wait_indirect_dma semaphore(%arg13 : memref<!tpu.dma_semaphore, #tpu.memory_space<semaphore_mem>>) src(%dma_wait3A_180 : memref<100000x128xf32, #tpu.memory_space<hbm>>) dst(%arg9 : memref<128x128xf32, #tpu.memory_space<vmem>>)
      %mul3A_181 = arith.constant 128 : i32
      %mul3A_182 = arith.muli %add3A_174, %mul3A_181 : i32
      %add3A_183 = arith.addi %mul3A_2, %mul3A_182 : i32
      %dma_start3A_184 = arith.constant 0 : i32
      %dma_start3A_185 = tpu.memref_slice %arg4[%add3A_183, %dma_start3A_184] : memref<204800x128xf32, #tpu.memory_space<hbm>> -> memref<128x128xf32, #tpu.memory_space<hbm>>
      %dma_start3A_186 = arith.constant 0 : i32
      %dma_start3A_187 = tpu.memref_slice %arg4[%add3A_183, %dma_start3A_186] : memref<204800x128xf32, #tpu.memory_space<hbm>> -> memref<128x128xf32, #tpu.memory_space<hbm>>
      tpu.enqueue_dma source(%arg9 : memref<128x128xf32, #tpu.memory_space<vmem>>) target(%dma_start3A_187 : memref<128x128xf32, #tpu.memory_space<hbm>>) target_semaphore(%arg17 : memref<!tpu.dma_semaphore, #tpu.memory_space<semaphore_mem>>)
      %sub3A_188 = arith.constant 2 : i32
      %sub3A_189 = arith.subi %add3A_174, %sub3A_188 : i32
      %mul3A_190 = arith.constant 128 : i32
      %mul3A_191 = arith.muli %sub3A_189, %mul3A_190 : i32
      %add3A_192 = arith.addi %mul3A_2, %mul3A_191 : i32
      %dma_wait3A_193 = arith.constant 0 : i32
      %dma_wait3A_194 = tpu.memref_slice %arg4[%add3A_192, %dma_wait3A_193] : memref<204800x128xf32, #tpu.memory_space<hbm>> -> memref<128x128xf32, #tpu.memory_space<hbm>>
      %dma_wait3A_195 = arith.constant 0 : i32
      %dma_wait3A_196 = tpu.memref_slice %arg4[%add3A_192, %dma_wait3A_195] : memref<204800x128xf32, #tpu.memory_space<hbm>> -> memref<128x128xf32, #tpu.memory_space<hbm>>
      tpu.wait_dma2 semaphore(%arg15 : memref<!tpu.dma_semaphore, #tpu.memory_space<semaphore_mem>>) src(%arg7 : memref<128x128xf32, #tpu.memory_space<vmem>>) dst(%dma_wait3A_196 : memref<128x128xf32, #tpu.memory_space<hbm>>)
      %add3A_197 = arith.constant 2 : i32
      %add3A_198 = arith.addi %add3A_174, %add3A_197 : i32
      %mul3A_199 = arith.constant 128 : i32
      %mul3A_200 = arith.muli %add3A_198, %mul3A_199 : i32
      %dma_start3A_201 = tpu.memref_slice %arg5[%mul3A_200] : memref<6400xi32, #tpu.memory_space<vmem>> -> memref<128xi32, #tpu.memory_space<vmem>>
      %dma_start3A_202 = arith.constant 0 : i32
      %dma_start3A_203 = arith.constant 0 : i32
      %dma_start3A_204 = tpu.memref_slice %arg3[%dma_start3A_202, %dma_start3A_203] : memref<100000x128xf32, #tpu.memory_space<hbm>> -> memref<100000x128xf32, #tpu.memory_space<hbm>>
      tpu.enqueue_indirect_dma source(%dma_start3A_204 : memref<100000x128xf32, #tpu.memory_space<hbm>>) target(%arg7 : memref<128x128xf32, #tpu.memory_space<vmem>>) offsets(%dma_start3A_201 : memref<128xi32, #tpu.memory_space<vmem>>) semaphore(%arg11 : memref<!tpu.dma_semaphore, #tpu.memory_space<semaphore_mem>>)
      %add3A_205 = arith.constant 2 : i32
      %add3A_206 = arith.addi %add3A_141, %add3A_205 : i32
      %mul3A_207 = arith.constant 128 : i32
      %mul3A_208 = arith.muli %add3A_206, %mul3A_207 : i32
      %dma_wait3A_209 = tpu.memref_slice %arg5[%mul3A_208] : memref<6400xi32, #tpu.memory_space<vmem>> -> memref<128xi32, #tpu.memory_space<vmem>>
      %dma_wait3A_210 = arith.constant 0 : i32
      %dma_wait3A_211 = arith.constant 0 : i32
      %dma_wait3A_212 = tpu.memref_slice %arg3[%dma_wait3A_210, %dma_wait3A_211] : memref<100000x128xf32, #tpu.memory_space<hbm>> -> memref<100000x128xf32, #tpu.memory_space<hbm>>
      tpu.wait_indirect_dma semaphore(%arg10 : memref<!tpu.dma_semaphore, #tpu.memory_space<semaphore_mem>>) src(%dma_wait3A_212 : memref<100000x128xf32, #tpu.memory_space<hbm>>) dst(%arg6 : memref<128x128xf32, #tpu.memory_space<vmem>>)
      %mul3A_213 = arith.constant 128 : i32
      %mul3A_214 = arith.muli %add3A_206, %mul3A_213 : i32
      %add3A_215 = arith.addi %mul3A_2, %mul3A_214 : i32
      %dma_start3A_216 = arith.constant 0 : i32
      %dma_start3A_217 = tpu.memref_slice %arg4[%add3A_215, %dma_start3A_216] : memref<204800x128xf32, #tpu.memory_space<hbm>> -> memref<128x128xf32, #tpu.memory_space<hbm>>
      %dma_start3A_218 = arith.constant 0 : i32
      %dma_start3A_219 = tpu.memref_slice %arg4[%add3A_215, %dma_start3A_218] : memref<204800x128xf32, #tpu.memory_space<hbm>> -> memref<128x128xf32, #tpu.memory_space<hbm>>
      tpu.enqueue_dma source(%arg6 : memref<128x128xf32, #tpu.memory_space<vmem>>) target(%dma_start3A_219 : memref<128x128xf32, #tpu.memory_space<hbm>>) target_semaphore(%arg14 : memref<!tpu.dma_semaphore, #tpu.memory_space<semaphore_mem>>)
      %sub3A_220 = arith.constant 2 : i32
      %sub3A_221 = arith.subi %add3A_206, %sub3A_220 : i32
      %mul3A_222 = arith.constant 128 : i32
      %mul3A_223 = arith.muli %sub3A_221, %mul3A_222 : i32
      %add3A_224 = arith.addi %mul3A_2, %mul3A_223 : i32
      %dma_wait3A_225 = arith.constant 0 : i32
      %dma_wait3A_226 = tpu.memref_slice %arg4[%add3A_224, %dma_wait3A_225] : memref<204800x128xf32, #tpu.memory_space<hbm>> -> memref<128x128xf32, #tpu.memory_space<hbm>>
      %dma_wait3A_227 = arith.constant 0 : i32
      %dma_wait3A_228 = tpu.memref_slice %arg4[%add3A_224, %dma_wait3A_227] : memref<204800x128xf32, #tpu.memory_space<hbm>> -> memref<128x128xf32, #tpu.memory_space<hbm>>
      tpu.wait_dma2 semaphore(%arg16 : memref<!tpu.dma_semaphore, #tpu.memory_space<semaphore_mem>>) src(%arg8 : memref<128x128xf32, #tpu.memory_space<vmem>>) dst(%dma_wait3A_228 : memref<128x128xf32, #tpu.memory_space<hbm>>)
      %add3A_229 = arith.constant 2 : i32
      %add3A_230 = arith.addi %add3A_206, %add3A_229 : i32
      %mul3A_231 = arith.constant 128 : i32
      %mul3A_232 = arith.muli %add3A_230, %mul3A_231 : i32
      %dma_start3A_233 = tpu.memref_slice %arg5[%mul3A_232] : memref<6400xi32, #tpu.memory_space<vmem>> -> memref<128xi32, #tpu.memory_space<vmem>>
      %dma_start3A_234 = arith.constant 0 : i32
      %dma_start3A_235 = arith.constant 0 : i32
      %dma_start3A_236 = tpu.memref_slice %arg3[%dma_start3A_234, %dma_start3A_235] : memref<100000x128xf32, #tpu.memory_space<hbm>> -> memref<100000x128xf32, #tpu.memory_space<hbm>>
      tpu.enqueue_indirect_dma source(%dma_start3A_236 : memref<100000x128xf32, #tpu.memory_space<hbm>>) target(%arg8 : memref<128x128xf32, #tpu.memory_space<vmem>>) offsets(%dma_start3A_233 : memref<128xi32, #tpu.memory_space<vmem>>) semaphore(%arg12 : memref<!tpu.dma_semaphore, #tpu.memory_space<semaphore_mem>>)
      %add3A_237 = arith.constant 3 : i32
      %add3A_238 = arith.addi %add3A_141, %add3A_237 : i32
      %mul3A_239 = arith.constant 128 : i32
      %mul3A_240 = arith.muli %add3A_238, %mul3A_239 : i32
      %dma_wait3A_241 = tpu.memref_slice %arg5[%mul3A_240] : memref<6400xi32, #tpu.memory_space<vmem>> -> memref<128xi32, #tpu.memory_space<vmem>>
      %dma_wait3A_242 = arith.constant 0 : i32
      %dma_wait3A_243 = arith.constant 0 : i32
      %dma_wait3A_244 = tpu.memref_slice %arg3[%dma_wait3A_242, %dma_wait3A_243] : memref<100000x128xf32, #tpu.memory_space<hbm>> -> memref<100000x128xf32, #tpu.memory_space<hbm>>
      tpu.wait_indirect_dma semaphore(%arg11 : memref<!tpu.dma_semaphore, #tpu.memory_space<semaphore_mem>>) src(%dma_wait3A_244 : memref<100000x128xf32, #tpu.memory_space<hbm>>) dst(%arg7 : memref<128x128xf32, #tpu.memory_space<vmem>>)
      %mul3A_245 = arith.constant 128 : i32
      %mul3A_246 = arith.muli %add3A_238, %mul3A_245 : i32
      %add3A_247 = arith.addi %mul3A_2, %mul3A_246 : i32
      %dma_start3A_248 = arith.constant 0 : i32
      %dma_start3A_249 = tpu.memref_slice %arg4[%add3A_247, %dma_start3A_248] : memref<204800x128xf32, #tpu.memory_space<hbm>> -> memref<128x128xf32, #tpu.memory_space<hbm>>
      %dma_start3A_250 = arith.constant 0 : i32
      %dma_start3A_251 = tpu.memref_slice %arg4[%add3A_247, %dma_start3A_250] : memref<204800x128xf32, #tpu.memory_space<hbm>> -> memref<128x128xf32, #tpu.memory_space<hbm>>
      tpu.enqueue_dma source(%arg7 : memref<128x128xf32, #tpu.memory_space<vmem>>) target(%dma_start3A_251 : memref<128x128xf32, #tpu.memory_space<hbm>>) target_semaphore(%arg15 : memref<!tpu.dma_semaphore, #tpu.memory_space<semaphore_mem>>)
      %sub3A_252 = arith.constant 2 : i32
      %sub3A_253 = arith.subi %add3A_238, %sub3A_252 : i32
      %mul3A_254 = arith.constant 128 : i32
      %mul3A_255 = arith.muli %sub3A_253, %mul3A_254 : i32
      %add3A_256 = arith.addi %mul3A_2, %mul3A_255 : i32
      %dma_wait3A_257 = arith.constant 0 : i32
      %dma_wait3A_258 = tpu.memref_slice %arg4[%add3A_256, %dma_wait3A_257] : memref<204800x128xf32, #tpu.memory_space<hbm>> -> memref<128x128xf32, #tpu.memory_space<hbm>>
      %dma_wait3A_259 = arith.constant 0 : i32
      %dma_wait3A_260 = tpu.memref_slice %arg4[%add3A_256, %dma_wait3A_259] : memref<204800x128xf32, #tpu.memory_space<hbm>> -> memref<128x128xf32, #tpu.memory_space<hbm>>
      tpu.wait_dma2 semaphore(%arg17 : memref<!tpu.dma_semaphore, #tpu.memory_space<semaphore_mem>>) src(%arg9 : memref<128x128xf32, #tpu.memory_space<vmem>>) dst(%dma_wait3A_260 : memref<128x128xf32, #tpu.memory_space<hbm>>)
      %add3A_261 = arith.constant 2 : i32
      %add3A_262 = arith.addi %add3A_238, %add3A_261 : i32
      %mul3A_263 = arith.constant 128 : i32
      %mul3A_264 = arith.muli %add3A_262, %mul3A_263 : i32
      %dma_start3A_265 = tpu.memref_slice %arg5[%mul3A_264] : memref<6400xi32, #tpu.memory_space<vmem>> -> memref<128xi32, #tpu.memory_space<vmem>>
      %dma_start3A_266 = arith.constant 0 : i32
      %dma_start3A_267 = arith.constant 0 : i32
      %dma_start3A_268 = tpu.memref_slice %arg3[%dma_start3A_266, %dma_start3A_267] : memref<100000x128xf32, #tpu.memory_space<hbm>> -> memref<100000x128xf32, #tpu.memory_space<hbm>>
      tpu.enqueue_indirect_dma source(%dma_start3A_268 : memref<100000x128xf32, #tpu.memory_space<hbm>>) target(%arg9 : memref<128x128xf32, #tpu.memory_space<vmem>>) offsets(%dma_start3A_265 : memref<128xi32, #tpu.memory_space<vmem>>) semaphore(%arg13 : memref<!tpu.dma_semaphore, #tpu.memory_space<semaphore_mem>>)
    }
    %scan3A_46 = arith.constant 11 : i32
    %dma_wait3A_47 = arith.constant 5888 : i32
    %dma_wait3A_48 = tpu.memref_slice %arg5[%dma_wait3A_47] : memref<6400xi32, #tpu.memory_space<vmem>> -> memref<128xi32, #tpu.memory_space<vmem>>
    %dma_wait3A_49 = arith.constant 0 : i32
    %dma_wait3A_50 = arith.constant 0 : i32
    %dma_wait3A_51 = tpu.memref_slice %arg3[%dma_wait3A_49, %dma_wait3A_50] : memref<100000x128xf32, #tpu.memory_space<hbm>> -> memref<100000x128xf32, #tpu.memory_space<hbm>>
    tpu.wait_indirect_dma semaphore(%arg12 : memref<!tpu.dma_semaphore, #tpu.memory_space<semaphore_mem>>) src(%dma_wait3A_51 : memref<100000x128xf32, #tpu.memory_space<hbm>>) dst(%arg8 : memref<128x128xf32, #tpu.memory_space<vmem>>)
    %add3A_52 = arith.constant 5632 : i32
    %add3A_53 = arith.addi %mul3A_2, %add3A_52 : i32
    %dma_wait3A_54 = arith.constant 0 : i32
    %dma_wait3A_55 = tpu.memref_slice %arg4[%add3A_53, %dma_wait3A_54] : memref<204800x128xf32, #tpu.memory_space<hbm>> -> memref<128x128xf32, #tpu.memory_space<hbm>>
    %dma_wait3A_56 = arith.constant 0 : i32
    %dma_wait3A_57 = tpu.memref_slice %arg4[%add3A_53, %dma_wait3A_56] : memref<204800x128xf32, #tpu.memory_space<hbm>> -> memref<128x128xf32, #tpu.memory_space<hbm>>
    tpu.wait_dma2 semaphore(%arg14 : memref<!tpu.dma_semaphore, #tpu.memory_space<semaphore_mem>>) src(%arg6 : memref<128x128xf32, #tpu.memory_space<vmem>>) dst(%dma_wait3A_57 : memref<128x128xf32, #tpu.memory_space<hbm>>)
    %dma_start3A_58 = arith.constant 6144 : i32
    %dma_start3A_59 = tpu.memref_slice %arg5[%dma_start3A_58] : memref<6400xi32, #tpu.memory_space<vmem>> -> memref<128xi32, #tpu.memory_space<vmem>>
    %dma_start3A_60 = arith.constant 0 : i32
    %dma_start3A_61 = arith.constant 0 : i32
    %dma_start3A_62 = tpu.memref_slice %arg3[%dma_start3A_60, %dma_start3A_61] : memref<100000x128xf32, #tpu.memory_space<hbm>> -> memref<100000x128xf32, #tpu.memory_space<hbm>>
    tpu.enqueue_indirect_dma source(%dma_start3A_62 : memref<100000x128xf32, #tpu.memory_space<hbm>>) target(%arg6 : memref<128x128xf32, #tpu.memory_space<vmem>>) offsets(%dma_start3A_59 : memref<128xi32, #tpu.memory_space<vmem>>) semaphore(%arg10 : memref<!tpu.dma_semaphore, #tpu.memory_space<semaphore_mem>>)
    %add3A_63 = arith.constant 5888 : i32
    %add3A_64 = arith.addi %mul3A_2, %add3A_63 : i32
    %dma_start3A_65 = arith.constant 0 : i32
    %dma_start3A_66 = tpu.memref_slice %arg4[%add3A_64, %dma_start3A_65] : memref<204800x128xf32, #tpu.memory_space<hbm>> -> memref<128x128xf32, #tpu.memory_space<hbm>>
    %dma_start3A_67 = arith.constant 0 : i32
    %dma_start3A_68 = tpu.memref_slice %arg4[%add3A_64, %dma_start3A_67] : memref<204800x128xf32, #tpu.memory_space<hbm>> -> memref<128x128xf32, #tpu.memory_space<hbm>>
    tpu.enqueue_dma source(%arg8 : memref<128x128xf32, #tpu.memory_space<vmem>>) target(%dma_start3A_68 : memref<128x128xf32, #tpu.memory_space<hbm>>) target_semaphore(%arg16 : memref<!tpu.dma_semaphore, #tpu.memory_space<semaphore_mem>>)
    %dma_wait3A_69 = arith.constant 6016 : i32
    %dma_wait3A_70 = tpu.memref_slice %arg5[%dma_wait3A_69] : memref<6400xi32, #tpu.memory_space<vmem>> -> memref<128xi32, #tpu.memory_space<vmem>>
    %dma_wait3A_71 = arith.constant 0 : i32
    %dma_wait3A_72 = arith.constant 0 : i32
    %dma_wait3A_73 = tpu.memref_slice %arg3[%dma_wait3A_71, %dma_wait3A_72] : memref<100000x128xf32, #tpu.memory_space<hbm>> -> memref<100000x128xf32, #tpu.memory_space<hbm>>
    tpu.wait_indirect_dma semaphore(%arg13 : memref<!tpu.dma_semaphore, #tpu.memory_space<semaphore_mem>>) src(%dma_wait3A_73 : memref<100000x128xf32, #tpu.memory_space<hbm>>) dst(%arg9 : memref<128x128xf32, #tpu.memory_space<vmem>>)
    %add3A_74 = arith.constant 5760 : i32
    %add3A_75 = arith.addi %mul3A_2, %add3A_74 : i32
    %dma_wait3A_76 = arith.constant 0 : i32
    %dma_wait3A_77 = tpu.memref_slice %arg4[%add3A_75, %dma_wait3A_76] : memref<204800x128xf32, #tpu.memory_space<hbm>> -> memref<128x128xf32, #tpu.memory_space<hbm>>
    %dma_wait3A_78 = arith.constant 0 : i32
    %dma_wait3A_79 = tpu.memref_slice %arg4[%add3A_75, %dma_wait3A_78] : memref<204800x128xf32, #tpu.memory_space<hbm>> -> memref<128x128xf32, #tpu.memory_space<hbm>>
    tpu.wait_dma2 semaphore(%arg15 : memref<!tpu.dma_semaphore, #tpu.memory_space<semaphore_mem>>) src(%arg7 : memref<128x128xf32, #tpu.memory_space<vmem>>) dst(%dma_wait3A_79 : memref<128x128xf32, #tpu.memory_space<hbm>>)
    %dma_start3A_80 = arith.constant 6272 : i32
    %dma_start3A_81 = tpu.memref_slice %arg5[%dma_start3A_80] : memref<6400xi32, #tpu.memory_space<vmem>> -> memref<128xi32, #tpu.memory_space<vmem>>
    %dma_start3A_82 = arith.constant 0 : i32
    %dma_start3A_83 = arith.constant 0 : i32
    %dma_start3A_84 = tpu.memref_slice %arg3[%dma_start3A_82, %dma_start3A_83] : memref<100000x128xf32, #tpu.memory_space<hbm>> -> memref<100000x128xf32, #tpu.memory_space<hbm>>
    tpu.enqueue_indirect_dma source(%dma_start3A_84 : memref<100000x128xf32, #tpu.memory_space<hbm>>) target(%arg7 : memref<128x128xf32, #tpu.memory_space<vmem>>) offsets(%dma_start3A_81 : memref<128xi32, #tpu.memory_space<vmem>>) semaphore(%arg11 : memref<!tpu.dma_semaphore, #tpu.memory_space<semaphore_mem>>)
    %add3A_85 = arith.constant 6016 : i32
    %add3A_86 = arith.addi %mul3A_2, %add3A_85 : i32
    %dma_start3A_87 = arith.constant 0 : i32
    %dma_start3A_88 = tpu.memref_slice %arg4[%add3A_86, %dma_start3A_87] : memref<204800x128xf32, #tpu.memory_space<hbm>> -> memref<128x128xf32, #tpu.memory_space<hbm>>
    %dma_start3A_89 = arith.constant 0 : i32
    %dma_start3A_90 = tpu.memref_slice %arg4[%add3A_86, %dma_start3A_89] : memref<204800x128xf32, #tpu.memory_space<hbm>> -> memref<128x128xf32, #tpu.memory_space<hbm>>
    tpu.enqueue_dma source(%arg9 : memref<128x128xf32, #tpu.memory_space<vmem>>) target(%dma_start3A_90 : memref<128x128xf32, #tpu.memory_space<hbm>>) target_semaphore(%arg17 : memref<!tpu.dma_semaphore, #tpu.memory_space<semaphore_mem>>)
    %dma_wait3A_91 = arith.constant 6144 : i32
    %dma_wait3A_92 = tpu.memref_slice %arg5[%dma_wait3A_91] : memref<6400xi32, #tpu.memory_space<vmem>> -> memref<128xi32, #tpu.memory_space<vmem>>
    %dma_wait3A_93 = arith.constant 0 : i32
    %dma_wait3A_94 = arith.constant 0 : i32
    %dma_wait3A_95 = tpu.memref_slice %arg3[%dma_wait3A_93, %dma_wait3A_94] : memref<100000x128xf32, #tpu.memory_space<hbm>> -> memref<100000x128xf32, #tpu.memory_space<hbm>>
    tpu.wait_indirect_dma semaphore(%arg10 : memref<!tpu.dma_semaphore, #tpu.memory_space<semaphore_mem>>) src(%dma_wait3A_95 : memref<100000x128xf32, #tpu.memory_space<hbm>>) dst(%arg6 : memref<128x128xf32, #tpu.memory_space<vmem>>)
    %add3A_96 = arith.constant 5888 : i32
    %add3A_97 = arith.addi %mul3A_2, %add3A_96 : i32
    %dma_wait3A_98 = arith.constant 0 : i32
    %dma_wait3A_99 = tpu.memref_slice %arg4[%add3A_97, %dma_wait3A_98] : memref<204800x128xf32, #tpu.memory_space<hbm>> -> memref<128x128xf32, #tpu.memory_space<hbm>>
    %dma_wait3A_100 = arith.constant 0 : i32
    %dma_wait3A_101 = tpu.memref_slice %arg4[%add3A_97, %dma_wait3A_100] : memref<204800x128xf32, #tpu.memory_space<hbm>> -> memref<128x128xf32, #tpu.memory_space<hbm>>
    tpu.wait_dma2 semaphore(%arg16 : memref<!tpu.dma_semaphore, #tpu.memory_space<semaphore_mem>>) src(%arg8 : memref<128x128xf32, #tpu.memory_space<vmem>>) dst(%dma_wait3A_101 : memref<128x128xf32, #tpu.memory_space<hbm>>)
    %add3A_102 = arith.constant 6144 : i32
    %add3A_103 = arith.addi %mul3A_2, %add3A_102 : i32
    %dma_start3A_104 = arith.constant 0 : i32
    %dma_start3A_105 = tpu.memref_slice %arg4[%add3A_103, %dma_start3A_104] : memref<204800x128xf32, #tpu.memory_space<hbm>> -> memref<128x128xf32, #tpu.memory_space<hbm>>
    %dma_start3A_106 = arith.constant 0 : i32
    %dma_start3A_107 = tpu.memref_slice %arg4[%add3A_103, %dma_start3A_106] : memref<204800x128xf32, #tpu.memory_space<hbm>> -> memref<128x128xf32, #tpu.memory_space<hbm>>
    tpu.enqueue_dma source(%arg6 : memref<128x128xf32, #tpu.memory_space<vmem>>) target(%dma_start3A_107 : memref<128x128xf32, #tpu.memory_space<hbm>>) target_semaphore(%arg14 : memref<!tpu.dma_semaphore, #tpu.memory_space<semaphore_mem>>)
    %dma_wait3A_108 = arith.constant 6272 : i32
    %dma_wait3A_109 = tpu.memref_slice %arg5[%dma_wait3A_108] : memref<6400xi32, #tpu.memory_space<vmem>> -> memref<128xi32, #tpu.memory_space<vmem>>
    %dma_wait3A_110 = arith.constant 0 : i32
    %dma_wait3A_111 = arith.constant 0 : i32
    %dma_wait3A_112 = tpu.memref_slice %arg3[%dma_wait3A_110, %dma_wait3A_111] : memref<100000x128xf32, #tpu.memory_space<hbm>> -> memref<100000x128xf32, #tpu.memory_space<hbm>>
    tpu.wait_indirect_dma semaphore(%arg11 : memref<!tpu.dma_semaphore, #tpu.memory_space<semaphore_mem>>) src(%dma_wait3A_112 : memref<100000x128xf32, #tpu.memory_space<hbm>>) dst(%arg7 : memref<128x128xf32, #tpu.memory_space<vmem>>)
    %add3A_113 = arith.constant 6016 : i32
    %add3A_114 = arith.addi %mul3A_2, %add3A_113 : i32
    %dma_wait3A_115 = arith.constant 0 : i32
    %dma_wait3A_116 = tpu.memref_slice %arg4[%add3A_114, %dma_wait3A_115] : memref<204800x128xf32, #tpu.memory_space<hbm>> -> memref<128x128xf32, #tpu.memory_space<hbm>>
    %dma_wait3A_117 = arith.constant 0 : i32
    %dma_wait3A_118 = tpu.memref_slice %arg4[%add3A_114, %dma_wait3A_117] : memref<204800x128xf32, #tpu.memory_space<hbm>> -> memref<128x128xf32, #tpu.memory_space<hbm>>
    tpu.wait_dma2 semaphore(%arg17 : memref<!tpu.dma_semaphore, #tpu.memory_space<semaphore_mem>>) src(%arg9 : memref<128x128xf32, #tpu.memory_space<vmem>>) dst(%dma_wait3A_118 : memref<128x128xf32, #tpu.memory_space<hbm>>)
    %add3A_119 = arith.constant 6272 : i32
    %add3A_120 = arith.addi %mul3A_2, %add3A_119 : i32
    %dma_start3A_121 = arith.constant 0 : i32
    %dma_start3A_122 = tpu.memref_slice %arg4[%add3A_120, %dma_start3A_121] : memref<204800x128xf32, #tpu.memory_space<hbm>> -> memref<128x128xf32, #tpu.memory_space<hbm>>
    %dma_start3A_123 = arith.constant 0 : i32
    %dma_start3A_124 = tpu.memref_slice %arg4[%add3A_120, %dma_start3A_123] : memref<204800x128xf32, #tpu.memory_space<hbm>> -> memref<128x128xf32, #tpu.memory_space<hbm>>
    tpu.enqueue_dma source(%arg7 : memref<128x128xf32, #tpu.memory_space<vmem>>) target(%dma_start3A_124 : memref<128x128xf32, #tpu.memory_space<hbm>>) target_semaphore(%arg15 : memref<!tpu.dma_semaphore, #tpu.memory_space<semaphore_mem>>)
    %add3A_125 = arith.constant 6144 : i32
    %add3A_126 = arith.addi %mul3A_2, %add3A_125 : i32
    %dma_wait3A_127 = arith.constant 0 : i32
    %dma_wait3A_128 = tpu.memref_slice %arg4[%add3A_126, %dma_wait3A_127] : memref<204800x128xf32, #tpu.memory_space<hbm>> -> memref<128x128xf32, #tpu.memory_space<hbm>>
    %dma_wait3A_129 = arith.constant 0 : i32
    %dma_wait3A_130 = tpu.memref_slice %arg4[%add3A_126, %dma_wait3A_129] : memref<204800x128xf32, #tpu.memory_space<hbm>> -> memref<128x128xf32, #tpu.memory_space<hbm>>
    tpu.wait_dma2 semaphore(%arg14 : memref<!tpu.dma_semaphore, #tpu.memory_space<semaphore_mem>>) src(%arg6 : memref<128x128xf32, #tpu.memory_space<vmem>>) dst(%dma_wait3A_130 : memref<128x128xf32, #tpu.memory_space<hbm>>)
    %add3A_131 = arith.constant 6272 : i32
    %add3A_132 = arith.addi %mul3A_2, %add3A_131 : i32
    %dma_wait3A_133 = arith.constant 0 : i32
    %dma_wait3A_134 = tpu.memref_slice %arg4[%add3A_132, %dma_wait3A_133] : memref<204800x128xf32, #tpu.memory_space<hbm>> -> memref<128x128xf32, #tpu.memory_space<hbm>>
    %dma_wait3A_135 = arith.constant 0 : i32
    %dma_wait3A_136 = tpu.memref_slice %arg4[%add3A_132, %dma_wait3A_135] : memref<204800x128xf32, #tpu.memory_space<hbm>> -> memref<128x128xf32, #tpu.memory_space<hbm>>
    tpu.wait_dma2 semaphore(%arg15 : memref<!tpu.dma_semaphore, #tpu.memory_space<semaphore_mem>>) src(%arg7 : memref<128x128xf32, #tpu.memory_space<vmem>>) dst(%dma_wait3A_136 : memref<128x128xf32, #tpu.memory_space<hbm>>)
    return
  }
}

#map = affine_map<(d0, d1) -> (0)>
#map1 = affine_map<(d0, d1) -> (0, 0)>
module attributes {stable_mosaic.version = 14 : i64} {
  func.func @body(%arg0: i32, %arg1: i32, %arg2: memref<204800xi32, #tpu.memory_space<hbm>>, %arg3: memref<100000x128xf32, #tpu.memory_space<hbm>>, %arg4: memref<204800x128xf32, #tpu.memory_space<hbm>>, %arg5: memref<6400xi32, #tpu.memory_space<vmem>>, %arg6: memref<128x128xf32, #tpu.memory_space<vmem>>, %arg7: memref<128x128xf32, #tpu.memory_space<vmem>>, %arg8: memref<128x128xf32, #tpu.memory_space<vmem>>, %arg9: memref<128x128xf32, #tpu.memory_space<vmem>>, %arg10: memref<!tpu.dma_semaphore, #tpu.memory_space<semaphore_mem>>, %arg11: memref<!tpu.dma_semaphore, #tpu.memory_space<semaphore_mem>>, %arg12: memref<!tpu.dma_semaphore, #tpu.memory_space<semaphore_mem>>, %arg13: memref<!tpu.dma_semaphore, #tpu.memory_space<semaphore_mem>>, %arg14: memref<!tpu.dma_semaphore, #tpu.memory_space<semaphore_mem>>, %arg15: memref<!tpu.dma_semaphore, #tpu.memory_space<semaphore_mem>>, %arg16: memref<!tpu.dma_semaphore, #tpu.memory_space<semaphore_mem>>, %arg17: memref<!tpu.dma_semaphore, #tpu.memory_space<semaphore_mem>>) attributes {dimension_semantics = [#tpu.dimension_semantics<core_parallel>, #tpu.dimension_semantics<subcore_parallel>], iteration_bounds = array<i64: 2, 16>, scalar_prefetch = 0 : i64, scratch_operands = 13 : i64, tpu.core_type = #tpu.core_type<sc_vector_subcore>, window_params = [{transform_indices = #map}, {transform_indices = #map1}, {transform_indices = #map1}]} {
    %mul3A = arith.constant 2 : i32
    %mul3A_0 = arith.muli %arg1, %mul3A : i32
    %add3A = arith.addi %mul3A_0, %arg0 : i32
    %mul3A_1 = arith.constant 6400 : i32
    %mul3A_2 = arith.muli %add3A, %mul3A_1 : i32
    "tpu.region"() ({
      %run_scoped3A = tpu.sem_alloc : memref<!tpu.dma_semaphore, #tpu.memory_space<semaphore_mem>>
      %dma_start3A_137 = tpu.memref_slice %arg2[%mul3A_2] : memref<204800xi32, #tpu.memory_space<hbm>> -> memref<6400xi32, #tpu.memory_space<hbm>>
      %dma_start3A_138 = tpu.memref_slice %arg2[%mul3A_2] : memref<204800xi32, #tpu.memory_space<hbm>> -> memref<6400xi32, #tpu.memory_space<hbm>>
      tpu.enqueue_dma source(%dma_start3A_138 : memref<6400xi32, #tpu.memory_space<hbm>>) target(%arg5 : memref<6400xi32, #tpu.memory_space<vmem>>) target_semaphore(%run_scoped3A : memref<!tpu.dma_semaphore, #tpu.memory_space<semaphore_mem>>)
      %dma_wait3A_139 = tpu.memref_slice %arg2[%mul3A_2] : memref<204800xi32, #tpu.memory_space<hbm>> -> memref<6400xi32, #tpu.memory_space<hbm>>
      %dma_wait3A_140 = tpu.memref_slice %arg2[%mul3A_2] : memref<204800xi32, #tpu.memory_space<hbm>> -> memref<6400xi32, #tpu.memory_space<hbm>>
      tpu.wait_dma2 semaphore(%run_scoped3A : memref<!tpu.dma_semaphore, #tpu.memory_space<semaphore_mem>>) src(%dma_wait3A_140 : memref<6400xi32, #tpu.memory_space<hbm>>) dst(%arg5 : memref<6400xi32, #tpu.memory_space<vmem>>)
      tpu.yield
    }) : () -> ()
    %dma_start3A = arith.constant 0 : i32
    %dma_start3A_3 = tpu.memref_slice %arg5[%dma_start3A] : memref<6400xi32, #tpu.memory_space<vmem>> -> memref<128xi32, #tpu.memory_space<vmem>>
    %dma_start3A_4 = arith.constant 0 : i32
    %dma_start3A_5 = arith.constant 0 : i32
    %dma_start3A_6 = tpu.memref_slice %arg3[%dma_start3A_4, %dma_start3A_5] : memref<100000x128xf32, #tpu.memory_space<hbm>> -> memref<100000x128xf32, #tpu.memory_space<hbm>>
    tpu.enqueue_indirect_dma source(%dma_start3A_6 : memref<100000x128xf32, #tpu.memory_space<hbm>>) target(%arg6 : memref<128x128xf32, #tpu.memory_space<vmem>>) offsets(%dma_start3A_3 : memref<128xi32, #tpu.memory_space<vmem>>) semaphore(%arg10 : memref<!tpu.dma_semaphore, #tpu.memory_space<semaphore_mem>>)
    %dma_start3A_7 = arith.constant 128 : i32
    %dma_start3A_8 = tpu.memref_slice %arg5[%dma_start3A_7] : memref<6400xi32, #tpu.memory_space<vmem>> -> memref<128xi32, #tpu.memory_space<vmem>>
    %dma_start3A_9 = arith.constant 0 : i32
    %dma_start3A_10 = arith.constant 0 : i32
    %dma_start3A_11 = tpu.memref_slice %arg3[%dma_start3A_9, %dma_start3A_10] : memref<100000x128xf32, #tpu.memory_space<hbm>> -> memref<100000x128xf32, #tpu.memory_space<hbm>>
    tpu.enqueue_indirect_dma source(%dma_start3A_11 : memref<100000x128xf32, #tpu.memory_space<hbm>>) target(%arg7 : memref<128x128xf32, #tpu.memory_space<vmem>>) offsets(%dma_start3A_8 : memref<128xi32, #tpu.memory_space<vmem>>) semaphore(%arg11 : memref<!tpu.dma_semaphore, #tpu.memory_space<semaphore_mem>>)
    %dma_wait3A = arith.constant 0 : i32
    %dma_wait3A_12 = tpu.memref_slice %arg5[%dma_wait3A] : memref<6400xi32, #tpu.memory_space<vmem>> -> memref<128xi32, #tpu.memory_space<vmem>>
    %dma_wait3A_13 = arith.constant 0 : i32
    %dma_wait3A_14 = arith.constant 0 : i32
    %dma_wait3A_15 = tpu.memref_slice %arg3[%dma_wait3A_13, %dma_wait3A_14] : memref<100000x128xf32, #tpu.memory_space<hbm>> -> memref<100000x128xf32, #tpu.memory_space<hbm>>
    tpu.wait_indirect_dma semaphore(%arg10 : memref<!tpu.dma_semaphore, #tpu.memory_space<semaphore_mem>>) src(%dma_wait3A_15 : memref<100000x128xf32, #tpu.memory_space<hbm>>) dst(%arg6 : memref<128x128xf32, #tpu.memory_space<vmem>>)
    %add3A_16 = arith.constant 0 : i32
    %add3A_17 = arith.addi %mul3A_2, %add3A_16 : i32
    %dma_start3A_18 = arith.constant 0 : i32
    %dma_start3A_19 = tpu.memref_slice %arg4[%add3A_17, %dma_start3A_18] : memref<204800x128xf32, #tpu.memory_space<hbm>> -> memref<128x128xf32, #tpu.memory_space<hbm>>
    %dma_start3A_20 = arith.constant 0 : i32
    %dma_start3A_21 = tpu.memref_slice %arg4[%add3A_17, %dma_start3A_20] : memref<204800x128xf32, #tpu.memory_space<hbm>> -> memref<128x128xf32, #tpu.memory_space<hbm>>
    tpu.enqueue_dma source(%arg6 : memref<128x128xf32, #tpu.memory_space<vmem>>) target(%dma_start3A_21 : memref<128x128xf32, #tpu.memory_space<hbm>>) target_semaphore(%arg14 : memref<!tpu.dma_semaphore, #tpu.memory_space<semaphore_mem>>)
    %dma_start3A_22 = arith.constant 256 : i32
    %dma_start3A_23 = tpu.memref_slice %arg5[%dma_start3A_22] : memref<6400xi32, #tpu.memory_space<vmem>> -> memref<128xi32, #tpu.memory_space<vmem>>
    %dma_start3A_24 = arith.constant 0 : i32
    %dma_start3A_25 = arith.constant 0 : i32
    %dma_start3A_26 = tpu.memref_slice %arg3[%dma_start3A_24, %dma_start3A_25] : memref<100000x128xf32, #tpu.memory_space<hbm>> -> memref<100000x128xf32, #tpu.memory_space<hbm>>
    tpu.enqueue_indirect_dma source(%dma_start3A_26 : memref<100000x128xf32, #tpu.memory_space<hbm>>) target(%arg8 : memref<128x128xf32, #tpu.memory_space<vmem>>) offsets(%dma_start3A_23 : memref<128xi32, #tpu.memory_space<vmem>>) semaphore(%arg12 : memref<!tpu.dma_semaphore, #tpu.memory_space<semaphore_mem>>)
    %dma_wait3A_27 = arith.constant 128 : i32
    %dma_wait3A_28 = tpu.memref_slice %arg5[%dma_wait3A_27] : memref<6400xi32, #tpu.memory_space<vmem>> -> memref<128xi32, #tpu.memory_space<vmem>>
    %dma_wait3A_29 = arith.constant 0 : i32
    %dma_wait3A_30 = arith.constant 0 : i32
    %dma_wait3A_31 = tpu.memref_slice %arg3[%dma_wait3A_29, %dma_wait3A_30] : memref<100000x128xf32, #tpu.memory_space<hbm>> -> memref<100000x128xf32, #tpu.memory_space<hbm>>
    tpu.wait_indirect_dma semaphore(%arg11 : memref<!tpu.dma_semaphore, #tpu.memory_space<semaphore_mem>>) src(%dma_wait3A_31 : memref<100000x128xf32, #tpu.memory_space<hbm>>) dst(%arg7 : memref<128x128xf32, #tpu.memory_space<vmem>>)
    %add3A_32 = arith.constant 128 : i32
    %add3A_33 = arith.addi %mul3A_2, %add3A_32 : i32
    %dma_start3A_34 = arith.constant 0 : i32
    %dma_start3A_35 = tpu.memref_slice %arg4[%add3A_33, %dma_start3A_34] : memref<204800x128xf32, #tpu.memory_space<hbm>> -> memref<128x128xf32, #tpu.memory_space<hbm>>
    %dma_start3A_36 = arith.constant 0 : i32
    %dma_start3A_37 = tpu.memref_slice %arg4[%add3A_33, %dma_start3A_36] : memref<204800x128xf32, #tpu.memory_space<hbm>> -> memref<128x128xf32, #tpu.memory_space<hbm>>
    tpu.enqueue_dma source(%arg7 : memref<128x128xf32, #tpu.memory_space<vmem>>) target(%dma_start3A_37 : memref<128x128xf32, #tpu.memory_space<hbm>>) target_semaphore(%arg15 : memref<!tpu.dma_semaphore, #tpu.memory_space<semaphore_mem>>)
    %dma_start3A_38 = arith.constant 384 : i32
    %dma_start3A_39 = tpu.memref_slice %arg5[%dma_start3A_38] : memref<6400xi32, #tpu.memory_space<vmem>> -> memref<128xi32, #tpu.memory_space<vmem>>
    %dma_start3A_40 = arith.constant 0 : i32
    %dma_start3A_41 = arith.constant 0 : i32
    %dma_start3A_42 = tpu.memref_slice %arg3[%dma_start3A_40, %dma_start3A_41] : memref<100000x128xf32, #tpu.memory_space<hbm>> -> memref<100000x128xf32, #tpu.memory_space<hbm>>
    tpu.enqueue_indirect_dma source(%dma_start3A_42 : memref<100000x128xf32, #tpu.memory_space<hbm>>) target(%arg9 : memref<128x128xf32, #tpu.memory_space<vmem>>) offsets(%dma_start3A_39 : memref<128xi32, #tpu.memory_space<vmem>>) semaphore(%arg13 : memref<!tpu.dma_semaphore, #tpu.memory_space<semaphore_mem>>)
    %scan3A = arith.constant 0 : i32
    %scan3A_43 = arith.constant 11 : i32
    %scan3A_44 = arith.addi %scan3A, %scan3A_43 : i32
    %scan3A_45 = arith.constant 1 : i32
    scf.for %scan3A_137 = %scan3A to %scan3A_44 step %scan3A_45  : i32 {
      %mul3A_138 = arith.constant 4 : i32
      %mul3A_139 = arith.muli %scan3A_137, %mul3A_138 : i32
      %add3A_140 = arith.constant 2 : i32
      %add3A_141 = arith.addi %add3A_140, %mul3A_139 : i32
      %add3A_142 = arith.constant 0 : i32
      %add3A_143 = arith.addi %add3A_141, %add3A_142 : i32
      %mul3A_144 = arith.constant 128 : i32
      %mul3A_145 = arith.muli %add3A_143, %mul3A_144 : i32
      %dma_wait3A_146 = tpu.memref_slice %arg5[%mul3A_145] : memref<6400xi32, #tpu.memory_space<vmem>> -> memref<128xi32, #tpu.memory_space<vmem>>
      %dma_wait3A_147 = arith.constant 0 : i32
      %dma_wait3A_148 = arith.constant 0 : i32
      %dma_wait3A_149 = tpu.memref_slice %arg3[%dma_wait3A_147, %dma_wait3A_148] : memref<100000x128xf32, #tpu.memory_space<hbm>> -> memref<100000x128xf32, #tpu.memory_space<hbm>>
      tpu.wait_indirect_dma semaphore(%arg12 : memref<!tpu.dma_semaphore, #tpu.memory_space<semaphore_mem>>) src(%dma_wait3A_149 : memref<100000x128xf32, #tpu.memory_space<hbm>>) dst(%arg8 : memref<128x128xf32, #tpu.memory_space<vmem>>)
      %mul3A_150 = arith.constant 128 : i32
      %mul3A_151 = arith.muli %add3A_143, %mul3A_150 : i32
      %add3A_152 = arith.addi %mul3A_2, %mul3A_151 : i32
      %dma_start3A_153 = arith.constant 0 : i32
      %dma_start3A_154 = tpu.memref_slice %arg4[%add3A_152, %dma_start3A_153] : memref<204800x128xf32, #tpu.memory_space<hbm>> -> memref<128x128xf32, #tpu.memory_space<hbm>>
      %dma_start3A_155 = arith.constant 0 : i32
      %dma_start3A_156 = tpu.memref_slice %arg4[%add3A_152, %dma_start3A_155] : memref<204800x128xf32, #tpu.memory_space<hbm>> -> memref<128x128xf32, #tpu.memory_space<hbm>>
      tpu.enqueue_dma source(%arg8 : memref<128x128xf32, #tpu.memory_space<vmem>>) target(%dma_start3A_156 : memref<128x128xf32, #tpu.memory_space<hbm>>) target_semaphore(%arg16 : memref<!tpu.dma_semaphore, #tpu.memory_space<semaphore_mem>>)
      %sub3A = arith.constant 2 : i32
      %sub3A_157 = arith.subi %add3A_143, %sub3A : i32
      %mul3A_158 = arith.constant 128 : i32
      %mul3A_159 = arith.muli %sub3A_157, %mul3A_158 : i32
      %add3A_160 = arith.addi %mul3A_2, %mul3A_159 : i32
      %dma_wait3A_161 = arith.constant 0 : i32
      %dma_wait3A_162 = tpu.memref_slice %arg4[%add3A_160, %dma_wait3A_161] : memref<204800x128xf32, #tpu.memory_space<hbm>> -> memref<128x128xf32, #tpu.memory_space<hbm>>
      %dma_wait3A_163 = arith.constant 0 : i32
      %dma_wait3A_164 = tpu.memref_slice %arg4[%add3A_160, %dma_wait3A_163] : memref<204800x128xf32, #tpu.memory_space<hbm>> -> memref<128x128xf32, #tpu.memory_space<hbm>>
      tpu.wait_dma2 semaphore(%arg14 : memref<!tpu.dma_semaphore, #tpu.memory_space<semaphore_mem>>) src(%arg6 : memref<128x128xf32, #tpu.memory_space<vmem>>) dst(%dma_wait3A_164 : memref<128x128xf32, #tpu.memory_space<hbm>>)
      %add3A_165 = arith.constant 2 : i32
      %add3A_166 = arith.addi %add3A_143, %add3A_165 : i32
      %mul3A_167 = arith.constant 128 : i32
      %mul3A_168 = arith.muli %add3A_166, %mul3A_167 : i32
      %dma_start3A_169 = tpu.memref_slice %arg5[%mul3A_168] : memref<6400xi32, #tpu.memory_space<vmem>> -> memref<128xi32, #tpu.memory_space<vmem>>
      %dma_start3A_170 = arith.constant 0 : i32
      %dma_start3A_171 = arith.constant 0 : i32
      %dma_start3A_172 = tpu.memref_slice %arg3[%dma_start3A_170, %dma_start3A_171] : memref<100000x128xf32, #tpu.memory_space<hbm>> -> memref<100000x128xf32, #tpu.memory_space<hbm>>
      tpu.enqueue_indirect_dma source(%dma_start3A_172 : memref<100000x128xf32, #tpu.memory_space<hbm>>) target(%arg6 : memref<128x128xf32, #tpu.memory_space<vmem>>) offsets(%dma_start3A_169 : memref<128xi32, #tpu.memory_space<vmem>>) semaphore(%arg10 : memref<!tpu.dma_semaphore, #tpu.memory_space<semaphore_mem>>)
      %add3A_173 = arith.constant 1 : i32
      %add3A_174 = arith.addi %add3A_141, %add3A_173 : i32
      %mul3A_175 = arith.constant 128 : i32
      %mul3A_176 = arith.muli %add3A_174, %mul3A_175 : i32
      %dma_wait3A_177 = tpu.memref_slice %arg5[%mul3A_176] : memref<6400xi32, #tpu.memory_space<vmem>> -> memref<128xi32, #tpu.memory_space<vmem>>
      %dma_wait3A_178 = arith.constant 0 : i32
      %dma_wait3A_179 = arith.constant 0 : i32
      %dma_wait3A_180 = tpu.memref_slice %arg3[%dma_wait3A_178, %dma_wait3A_179] : memref<100000x128xf32, #tpu.memory_space<hbm>> -> memref<100000x128xf32, #tpu.memory_space<hbm>>
      tpu.wait_indirect_dma semaphore(%arg13 : memref<!tpu.dma_semaphore, #tpu.memory_space<semaphore_mem>>) src(%dma_wait3A_180 : memref<100000x128xf32, #tpu.memory_space<hbm>>) dst(%arg9 : memref<128x128xf32, #tpu.memory_space<vmem>>)
      %mul3A_181 = arith.constant 128 : i32
      %mul3A_182 = arith.muli %add3A_174, %mul3A_181 : i32
      %add3A_183 = arith.addi %mul3A_2, %mul3A_182 : i32
      %dma_start3A_184 = arith.constant 0 : i32
      %dma_start3A_185 = tpu.memref_slice %arg4[%add3A_183, %dma_start3A_184] : memref<204800x128xf32, #tpu.memory_space<hbm>> -> memref<128x128xf32, #tpu.memory_space<hbm>>
      %dma_start3A_186 = arith.constant 0 : i32
      %dma_start3A_187 = tpu.memref_slice %arg4[%add3A_183, %dma_start3A_186] : memref<204800x128xf32, #tpu.memory_space<hbm>> -> memref<128x128xf32, #tpu.memory_space<hbm>>
      tpu.enqueue_dma source(%arg9 : memref<128x128xf32, #tpu.memory_space<vmem>>) target(%dma_start3A_187 : memref<128x128xf32, #tpu.memory_space<hbm>>) target_semaphore(%arg17 : memref<!tpu.dma_semaphore, #tpu.memory_space<semaphore_mem>>)
      %sub3A_188 = arith.constant 2 : i32
      %sub3A_189 = arith.subi %add3A_174, %sub3A_188 : i32
      %mul3A_190 = arith.constant 128 : i32
      %mul3A_191 = arith.muli %sub3A_189, %mul3A_190 : i32
      %add3A_192 = arith.addi %mul3A_2, %mul3A_191 : i32
      %dma_wait3A_193 = arith.constant 0 : i32
      %dma_wait3A_194 = tpu.memref_slice %arg4[%add3A_192, %dma_wait3A_193] : memref<204800x128xf32, #tpu.memory_space<hbm>> -> memref<128x128xf32, #tpu.memory_space<hbm>>
      %dma_wait3A_195 = arith.constant 0 : i32
      %dma_wait3A_196 = tpu.memref_slice %arg4[%add3A_192, %dma_wait3A_195] : memref<204800x128xf32, #tpu.memory_space<hbm>> -> memref<128x128xf32, #tpu.memory_space<hbm>>
      tpu.wait_dma2 semaphore(%arg15 : memref<!tpu.dma_semaphore, #tpu.memory_space<semaphore_mem>>) src(%arg7 : memref<128x128xf32, #tpu.memory_space<vmem>>) dst(%dma_wait3A_196 : memref<128x128xf32, #tpu.memory_space<hbm>>)
      %add3A_197 = arith.constant 2 : i32
      %add3A_198 = arith.addi %add3A_174, %add3A_197 : i32
      %mul3A_199 = arith.constant 128 : i32
      %mul3A_200 = arith.muli %add3A_198, %mul3A_199 : i32
      %dma_start3A_201 = tpu.memref_slice %arg5[%mul3A_200] : memref<6400xi32, #tpu.memory_space<vmem>> -> memref<128xi32, #tpu.memory_space<vmem>>
      %dma_start3A_202 = arith.constant 0 : i32
      %dma_start3A_203 = arith.constant 0 : i32
      %dma_start3A_204 = tpu.memref_slice %arg3[%dma_start3A_202, %dma_start3A_203] : memref<100000x128xf32, #tpu.memory_space<hbm>> -> memref<100000x128xf32, #tpu.memory_space<hbm>>
      tpu.enqueue_indirect_dma source(%dma_start3A_204 : memref<100000x128xf32, #tpu.memory_space<hbm>>) target(%arg7 : memref<128x128xf32, #tpu.memory_space<vmem>>) offsets(%dma_start3A_201 : memref<128xi32, #tpu.memory_space<vmem>>) semaphore(%arg11 : memref<!tpu.dma_semaphore, #tpu.memory_space<semaphore_mem>>)
      %add3A_205 = arith.constant 2 : i32
      %add3A_206 = arith.addi %add3A_141, %add3A_205 : i32
      %mul3A_207 = arith.constant 128 : i32
      %mul3A_208 = arith.muli %add3A_206, %mul3A_207 : i32
      %dma_wait3A_209 = tpu.memref_slice %arg5[%mul3A_208] : memref<6400xi32, #tpu.memory_space<vmem>> -> memref<128xi32, #tpu.memory_space<vmem>>
      %dma_wait3A_210 = arith.constant 0 : i32
      %dma_wait3A_211 = arith.constant 0 : i32
      %dma_wait3A_212 = tpu.memref_slice %arg3[%dma_wait3A_210, %dma_wait3A_211] : memref<100000x128xf32, #tpu.memory_space<hbm>> -> memref<100000x128xf32, #tpu.memory_space<hbm>>
      tpu.wait_indirect_dma semaphore(%arg10 : memref<!tpu.dma_semaphore, #tpu.memory_space<semaphore_mem>>) src(%dma_wait3A_212 : memref<100000x128xf32, #tpu.memory_space<hbm>>) dst(%arg6 : memref<128x128xf32, #tpu.memory_space<vmem>>)
      %mul3A_213 = arith.constant 128 : i32
      %mul3A_214 = arith.muli %add3A_206, %mul3A_213 : i32
      %add3A_215 = arith.addi %mul3A_2, %mul3A_214 : i32
      %dma_start3A_216 = arith.constant 0 : i32
      %dma_start3A_217 = tpu.memref_slice %arg4[%add3A_215, %dma_start3A_216] : memref<204800x128xf32, #tpu.memory_space<hbm>> -> memref<128x128xf32, #tpu.memory_space<hbm>>
      %dma_start3A_218 = arith.constant 0 : i32
      %dma_start3A_219 = tpu.memref_slice %arg4[%add3A_215, %dma_start3A_218] : memref<204800x128xf32, #tpu.memory_space<hbm>> -> memref<128x128xf32, #tpu.memory_space<hbm>>
      tpu.enqueue_dma source(%arg6 : memref<128x128xf32, #tpu.memory_space<vmem>>) target(%dma_start3A_219 : memref<128x128xf32, #tpu.memory_space<hbm>>) target_semaphore(%arg14 : memref<!tpu.dma_semaphore, #tpu.memory_space<semaphore_mem>>)
      %sub3A_220 = arith.constant 2 : i32
      %sub3A_221 = arith.subi %add3A_206, %sub3A_220 : i32
      %mul3A_222 = arith.constant 128 : i32
      %mul3A_223 = arith.muli %sub3A_221, %mul3A_222 : i32
      %add3A_224 = arith.addi %mul3A_2, %mul3A_223 : i32
      %dma_wait3A_225 = arith.constant 0 : i32
      %dma_wait3A_226 = tpu.memref_slice %arg4[%add3A_224, %dma_wait3A_225] : memref<204800x128xf32, #tpu.memory_space<hbm>> -> memref<128x128xf32, #tpu.memory_space<hbm>>
      %dma_wait3A_227 = arith.constant 0 : i32
      %dma_wait3A_228 = tpu.memref_slice %arg4[%add3A_224, %dma_wait3A_227] : memref<204800x128xf32, #tpu.memory_space<hbm>> -> memref<128x128xf32, #tpu.memory_space<hbm>>
      tpu.wait_dma2 semaphore(%arg16 : memref<!tpu.dma_semaphore, #tpu.memory_space<semaphore_mem>>) src(%arg8 : memref<128x128xf32, #tpu.memory_space<vmem>>) dst(%dma_wait3A_228 : memref<128x128xf32, #tpu.memory_space<hbm>>)
      %add3A_229 = arith.constant 2 : i32
      %add3A_230 = arith.addi %add3A_206, %add3A_229 : i32
      %mul3A_231 = arith.constant 128 : i32
      %mul3A_232 = arith.muli %add3A_230, %mul3A_231 : i32
      %dma_start3A_233 = tpu.memref_slice %arg5[%mul3A_232] : memref<6400xi32, #tpu.memory_space<vmem>> -> memref<128xi32, #tpu.memory_space<vmem>>
      %dma_start3A_234 = arith.constant 0 : i32
      %dma_start3A_235 = arith.constant 0 : i32
      %dma_start3A_236 = tpu.memref_slice %arg3[%dma_start3A_234, %dma_start3A_235] : memref<100000x128xf32, #tpu.memory_space<hbm>> -> memref<100000x128xf32, #tpu.memory_space<hbm>>
      tpu.enqueue_indirect_dma source(%dma_start3A_236 : memref<100000x128xf32, #tpu.memory_space<hbm>>) target(%arg8 : memref<128x128xf32, #tpu.memory_space<vmem>>) offsets(%dma_start3A_233 : memref<128xi32, #tpu.memory_space<vmem>>) semaphore(%arg12 : memref<!tpu.dma_semaphore, #tpu.memory_space<semaphore_mem>>)
      %add3A_237 = arith.constant 3 : i32
      %add3A_238 = arith.addi %add3A_141, %add3A_237 : i32
      %mul3A_239 = arith.constant 128 : i32
      %mul3A_240 = arith.muli %add3A_238, %mul3A_239 : i32
      %dma_wait3A_241 = tpu.memref_slice %arg5[%mul3A_240] : memref<6400xi32, #tpu.memory_space<vmem>> -> memref<128xi32, #tpu.memory_space<vmem>>
      %dma_wait3A_242 = arith.constant 0 : i32
      %dma_wait3A_243 = arith.constant 0 : i32
      %dma_wait3A_244 = tpu.memref_slice %arg3[%dma_wait3A_242, %dma_wait3A_243] : memref<100000x128xf32, #tpu.memory_space<hbm>> -> memref<100000x128xf32, #tpu.memory_space<hbm>>
      tpu.wait_indirect_dma semaphore(%arg11 : memref<!tpu.dma_semaphore, #tpu.memory_space<semaphore_mem>>) src(%dma_wait3A_244 : memref<100000x128xf32, #tpu.memory_space<hbm>>) dst(%arg7 : memref<128x128xf32, #tpu.memory_space<vmem>>)
      %mul3A_245 = arith.constant 128 : i32
      %mul3A_246 = arith.muli %add3A_238, %mul3A_245 : i32
      %add3A_247 = arith.addi %mul3A_2, %mul3A_246 : i32
      %dma_start3A_248 = arith.constant 0 : i32
      %dma_start3A_249 = tpu.memref_slice %arg4[%add3A_247, %dma_start3A_248] : memref<204800x128xf32, #tpu.memory_space<hbm>> -> memref<128x128xf32, #tpu.memory_space<hbm>>
      %dma_start3A_250 = arith.constant 0 : i32
      %dma_start3A_251 = tpu.memref_slice %arg4[%add3A_247, %dma_start3A_250] : memref<204800x128xf32, #tpu.memory_space<hbm>> -> memref<128x128xf32, #tpu.memory_space<hbm>>
      tpu.enqueue_dma source(%arg7 : memref<128x128xf32, #tpu.memory_space<vmem>>) target(%dma_start3A_251 : memref<128x128xf32, #tpu.memory_space<hbm>>) target_semaphore(%arg15 : memref<!tpu.dma_semaphore, #tpu.memory_space<semaphore_mem>>)
      %sub3A_252 = arith.constant 2 : i32
      %sub3A_253 = arith.subi %add3A_238, %sub3A_252 : i32
      %mul3A_254 = arith.constant 128 : i32
      %mul3A_255 = arith.muli %sub3A_253, %mul3A_254 : i32
      %add3A_256 = arith.addi %mul3A_2, %mul3A_255 : i32
      %dma_wait3A_257 = arith.constant 0 : i32
      %dma_wait3A_258 = tpu.memref_slice %arg4[%add3A_256, %dma_wait3A_257] : memref<204800x128xf32, #tpu.memory_space<hbm>> -> memref<128x128xf32, #tpu.memory_space<hbm>>
      %dma_wait3A_259 = arith.constant 0 : i32
      %dma_wait3A_260 = tpu.memref_slice %arg4[%add3A_256, %dma_wait3A_259] : memref<204800x128xf32, #tpu.memory_space<hbm>> -> memref<128x128xf32, #tpu.memory_space<hbm>>
      tpu.wait_dma2 semaphore(%arg17 : memref<!tpu.dma_semaphore, #tpu.memory_space<semaphore_mem>>) src(%arg9 : memref<128x128xf32, #tpu.memory_space<vmem>>) dst(%dma_wait3A_260 : memref<128x128xf32, #tpu.memory_space<hbm>>)
      %add3A_261 = arith.constant 2 : i32
      %add3A_262 = arith.addi %add3A_238, %add3A_261 : i32
      %mul3A_263 = arith.constant 128 : i32
      %mul3A_264 = arith.muli %add3A_262, %mul3A_263 : i32
      %dma_start3A_265 = tpu.memref_slice %arg5[%mul3A_264] : memref<6400xi32, #tpu.memory_space<vmem>> -> memref<128xi32, #tpu.memory_space<vmem>>
      %dma_start3A_266 = arith.constant 0 : i32
      %dma_start3A_267 = arith.constant 0 : i32
      %dma_start3A_268 = tpu.memref_slice %arg3[%dma_start3A_266, %dma_start3A_267] : memref<100000x128xf32, #tpu.memory_space<hbm>> -> memref<100000x128xf32, #tpu.memory_space<hbm>>
      tpu.enqueue_indirect_dma source(%dma_start3A_268 : memref<100000x128xf32, #tpu.memory_space<hbm>>) target(%arg9 : memref<128x128xf32, #tpu.memory_space<vmem>>) offsets(%dma_start3A_265 : memref<128xi32, #tpu.memory_space<vmem>>) semaphore(%arg13 : memref<!tpu.dma_semaphore, #tpu.memory_space<semaphore_mem>>)
    }
    %scan3A_46 = arith.constant 11 : i32
    %dma_wait3A_47 = arith.constant 5888 : i32
    %dma_wait3A_48 = tpu.memref_slice %arg5[%dma_wait3A_47] : memref<6400xi32, #tpu.memory_space<vmem>> -> memref<128xi32, #tpu.memory_space<vmem>>
    %dma_wait3A_49 = arith.constant 0 : i32
    %dma_wait3A_50 = arith.constant 0 : i32
    %dma_wait3A_51 = tpu.memref_slice %arg3[%dma_wait3A_49, %dma_wait3A_50] : memref<100000x128xf32, #tpu.memory_space<hbm>> -> memref<100000x128xf32, #tpu.memory_space<hbm>>
    tpu.wait_indirect_dma semaphore(%arg12 : memref<!tpu.dma_semaphore, #tpu.memory_space<semaphore_mem>>) src(%dma_wait3A_51 : memref<100000x128xf32, #tpu.memory_space<hbm>>) dst(%arg8 : memref<128x128xf32, #tpu.memory_space<vmem>>)
    %add3A_52 = arith.constant 5632 : i32
    %add3A_53 = arith.addi %mul3A_2, %add3A_52 : i32
    %dma_wait3A_54 = arith.constant 0 : i32
    %dma_wait3A_55 = tpu.memref_slice %arg4[%add3A_53, %dma_wait3A_54] : memref<204800x128xf32, #tpu.memory_space<hbm>> -> memref<128x128xf32, #tpu.memory_space<hbm>>
    %dma_wait3A_56 = arith.constant 0 : i32
    %dma_wait3A_57 = tpu.memref_slice %arg4[%add3A_53, %dma_wait3A_56] : memref<204800x128xf32, #tpu.memory_space<hbm>> -> memref<128x128xf32, #tpu.memory_space<hbm>>
    tpu.wait_dma2 semaphore(%arg14 : memref<!tpu.dma_semaphore, #tpu.memory_space<semaphore_mem>>) src(%arg6 : memref<128x128xf32, #tpu.memory_space<vmem>>) dst(%dma_wait3A_57 : memref<128x128xf32, #tpu.memory_space<hbm>>)
    %dma_start3A_58 = arith.constant 6144 : i32
    %dma_start3A_59 = tpu.memref_slice %arg5[%dma_start3A_58] : memref<6400xi32, #tpu.memory_space<vmem>> -> memref<128xi32, #tpu.memory_space<vmem>>
    %dma_start3A_60 = arith.constant 0 : i32
    %dma_start3A_61 = arith.constant 0 : i32
    %dma_start3A_62 = tpu.memref_slice %arg3[%dma_start3A_60, %dma_start3A_61] : memref<100000x128xf32, #tpu.memory_space<hbm>> -> memref<100000x128xf32, #tpu.memory_space<hbm>>
    tpu.enqueue_indirect_dma source(%dma_start3A_62 : memref<100000x128xf32, #tpu.memory_space<hbm>>) target(%arg6 : memref<128x128xf32, #tpu.memory_space<vmem>>) offsets(%dma_start3A_59 : memref<128xi32, #tpu.memory_space<vmem>>) semaphore(%arg10 : memref<!tpu.dma_semaphore, #tpu.memory_space<semaphore_mem>>)
    %add3A_63 = arith.constant 5888 : i32
    %add3A_64 = arith.addi %mul3A_2, %add3A_63 : i32
    %dma_start3A_65 = arith.constant 0 : i32
    %dma_start3A_66 = tpu.memref_slice %arg4[%add3A_64, %dma_start3A_65] : memref<204800x128xf32, #tpu.memory_space<hbm>> -> memref<128x128xf32, #tpu.memory_space<hbm>>
    %dma_start3A_67 = arith.constant 0 : i32
    %dma_start3A_68 = tpu.memref_slice %arg4[%add3A_64, %dma_start3A_67] : memref<204800x128xf32, #tpu.memory_space<hbm>> -> memref<128x128xf32, #tpu.memory_space<hbm>>
    tpu.enqueue_dma source(%arg8 : memref<128x128xf32, #tpu.memory_space<vmem>>) target(%dma_start3A_68 : memref<128x128xf32, #tpu.memory_space<hbm>>) target_semaphore(%arg16 : memref<!tpu.dma_semaphore, #tpu.memory_space<semaphore_mem>>)
    %dma_wait3A_69 = arith.constant 6016 : i32
    %dma_wait3A_70 = tpu.memref_slice %arg5[%dma_wait3A_69] : memref<6400xi32, #tpu.memory_space<vmem>> -> memref<128xi32, #tpu.memory_space<vmem>>
    %dma_wait3A_71 = arith.constant 0 : i32
    %dma_wait3A_72 = arith.constant 0 : i32
    %dma_wait3A_73 = tpu.memref_slice %arg3[%dma_wait3A_71, %dma_wait3A_72] : memref<100000x128xf32, #tpu.memory_space<hbm>> -> memref<100000x128xf32, #tpu.memory_space<hbm>>
    tpu.wait_indirect_dma semaphore(%arg13 : memref<!tpu.dma_semaphore, #tpu.memory_space<semaphore_mem>>) src(%dma_wait3A_73 : memref<100000x128xf32, #tpu.memory_space<hbm>>) dst(%arg9 : memref<128x128xf32, #tpu.memory_space<vmem>>)
    %add3A_74 = arith.constant 5760 : i32
    %add3A_75 = arith.addi %mul3A_2, %add3A_74 : i32
    %dma_wait3A_76 = arith.constant 0 : i32
    %dma_wait3A_77 = tpu.memref_slice %arg4[%add3A_75, %dma_wait3A_76] : memref<204800x128xf32, #tpu.memory_space<hbm>> -> memref<128x128xf32, #tpu.memory_space<hbm>>
    %dma_wait3A_78 = arith.constant 0 : i32
    %dma_wait3A_79 = tpu.memref_slice %arg4[%add3A_75, %dma_wait3A_78] : memref<204800x128xf32, #tpu.memory_space<hbm>> -> memref<128x128xf32, #tpu.memory_space<hbm>>
    tpu.wait_dma2 semaphore(%arg15 : memref<!tpu.dma_semaphore, #tpu.memory_space<semaphore_mem>>) src(%arg7 : memref<128x128xf32, #tpu.memory_space<vmem>>) dst(%dma_wait3A_79 : memref<128x128xf32, #tpu.memory_space<hbm>>)
    %dma_start3A_80 = arith.constant 6272 : i32
    %dma_start3A_81 = tpu.memref_slice %arg5[%dma_start3A_80] : memref<6400xi32, #tpu.memory_space<vmem>> -> memref<128xi32, #tpu.memory_space<vmem>>
    %dma_start3A_82 = arith.constant 0 : i32
    %dma_start3A_83 = arith.constant 0 : i32
    %dma_start3A_84 = tpu.memref_slice %arg3[%dma_start3A_82, %dma_start3A_83] : memref<100000x128xf32, #tpu.memory_space<hbm>> -> memref<100000x128xf32, #tpu.memory_space<hbm>>
    tpu.enqueue_indirect_dma source(%dma_start3A_84 : memref<100000x128xf32, #tpu.memory_space<hbm>>) target(%arg7 : memref<128x128xf32, #tpu.memory_space<vmem>>) offsets(%dma_start3A_81 : memref<128xi32, #tpu.memory_space<vmem>>) semaphore(%arg11 : memref<!tpu.dma_semaphore, #tpu.memory_space<semaphore_mem>>)
    %add3A_85 = arith.constant 6016 : i32
    %add3A_86 = arith.addi %mul3A_2, %add3A_85 : i32
    %dma_start3A_87 = arith.constant 0 : i32
    %dma_start3A_88 = tpu.memref_slice %arg4[%add3A_86, %dma_start3A_87] : memref<204800x128xf32, #tpu.memory_space<hbm>> -> memref<128x128xf32, #tpu.memory_space<hbm>>
    %dma_start3A_89 = arith.constant 0 : i32
    %dma_start3A_90 = tpu.memref_slice %arg4[%add3A_86, %dma_start3A_89] : memref<204800x128xf32, #tpu.memory_space<hbm>> -> memref<128x128xf32, #tpu.memory_space<hbm>>
    tpu.enqueue_dma source(%arg9 : memref<128x128xf32, #tpu.memory_space<vmem>>) target(%dma_start3A_90 : memref<128x128xf32, #tpu.memory_space<hbm>>) target_semaphore(%arg17 : memref<!tpu.dma_semaphore, #tpu.memory_space<semaphore_mem>>)
    %dma_wait3A_91 = arith.constant 6144 : i32
    %dma_wait3A_92 = tpu.memref_slice %arg5[%dma_wait3A_91] : memref<6400xi32, #tpu.memory_space<vmem>> -> memref<128xi32, #tpu.memory_space<vmem>>
    %dma_wait3A_93 = arith.constant 0 : i32
    %dma_wait3A_94 = arith.constant 0 : i32
    %dma_wait3A_95 = tpu.memref_slice %arg3[%dma_wait3A_93, %dma_wait3A_94] : memref<100000x128xf32, #tpu.memory_space<hbm>> -> memref<100000x128xf32, #tpu.memory_space<hbm>>
    tpu.wait_indirect_dma semaphore(%arg10 : memref<!tpu.dma_semaphore, #tpu.memory_space<semaphore_mem>>) src(%dma_wait3A_95 : memref<100000x128xf32, #tpu.memory_space<hbm>>) dst(%arg6 : memref<128x128xf32, #tpu.memory_space<vmem>>)
    %add3A_96 = arith.constant 5888 : i32
    %add3A_97 = arith.addi %mul3A_2, %add3A_96 : i32
    %dma_wait3A_98 = arith.constant 0 : i32
    %dma_wait3A_99 = tpu.memref_slice %arg4[%add3A_97, %dma_wait3A_98] : memref<204800x128xf32, #tpu.memory_space<hbm>> -> memref<128x128xf32, #tpu.memory_space<hbm>>
    %dma_wait3A_100 = arith.constant 0 : i32
    %dma_wait3A_101 = tpu.memref_slice %arg4[%add3A_97, %dma_wait3A_100] : memref<204800x128xf32, #tpu.memory_space<hbm>> -> memref<128x128xf32, #tpu.memory_space<hbm>>
    tpu.wait_dma2 semaphore(%arg16 : memref<!tpu.dma_semaphore, #tpu.memory_space<semaphore_mem>>) src(%arg8 : memref<128x128xf32, #tpu.memory_space<vmem>>) dst(%dma_wait3A_101 : memref<128x128xf32, #tpu.memory_space<hbm>>)
    %add3A_102 = arith.constant 6144 : i32
    %add3A_103 = arith.addi %mul3A_2, %add3A_102 : i32
    %dma_start3A_104 = arith.constant 0 : i32
    %dma_start3A_105 = tpu.memref_slice %arg4[%add3A_103, %dma_start3A_104] : memref<204800x128xf32, #tpu.memory_space<hbm>> -> memref<128x128xf32, #tpu.memory_space<hbm>>
    %dma_start3A_106 = arith.constant 0 : i32
    %dma_start3A_107 = tpu.memref_slice %arg4[%add3A_103, %dma_start3A_106] : memref<204800x128xf32, #tpu.memory_space<hbm>> -> memref<128x128xf32, #tpu.memory_space<hbm>>
    tpu.enqueue_dma source(%arg6 : memref<128x128xf32, #tpu.memory_space<vmem>>) target(%dma_start3A_107 : memref<128x128xf32, #tpu.memory_space<hbm>>) target_semaphore(%arg14 : memref<!tpu.dma_semaphore, #tpu.memory_space<semaphore_mem>>)
    %dma_wait3A_108 = arith.constant 6272 : i32
    %dma_wait3A_109 = tpu.memref_slice %arg5[%dma_wait3A_108] : memref<6400xi32, #tpu.memory_space<vmem>> -> memref<128xi32, #tpu.memory_space<vmem>>
    %dma_wait3A_110 = arith.constant 0 : i32
    %dma_wait3A_111 = arith.constant 0 : i32
    %dma_wait3A_112 = tpu.memref_slice %arg3[%dma_wait3A_110, %dma_wait3A_111] : memref<100000x128xf32, #tpu.memory_space<hbm>> -> memref<100000x128xf32, #tpu.memory_space<hbm>>
    tpu.wait_indirect_dma semaphore(%arg11 : memref<!tpu.dma_semaphore, #tpu.memory_space<semaphore_mem>>) src(%dma_wait3A_112 : memref<100000x128xf32, #tpu.memory_space<hbm>>) dst(%arg7 : memref<128x128xf32, #tpu.memory_space<vmem>>)
    %add3A_113 = arith.constant 6016 : i32
    %add3A_114 = arith.addi %mul3A_2, %add3A_113 : i32
    %dma_wait3A_115 = arith.constant 0 : i32
    %dma_wait3A_116 = tpu.memref_slice %arg4[%add3A_114, %dma_wait3A_115] : memref<204800x128xf32, #tpu.memory_space<hbm>> -> memref<128x128xf32, #tpu.memory_space<hbm>>
    %dma_wait3A_117 = arith.constant 0 : i32
    %dma_wait3A_118 = tpu.memref_slice %arg4[%add3A_114, %dma_wait3A_117] : memref<204800x128xf32, #tpu.memory_space<hbm>> -> memref<128x128xf32, #tpu.memory_space<hbm>>
    tpu.wait_dma2 semaphore(%arg17 : memref<!tpu.dma_semaphore, #tpu.memory_space<semaphore_mem>>) src(%arg9 : memref<128x128xf32, #tpu.memory_space<vmem>>) dst(%dma_wait3A_118 : memref<128x128xf32, #tpu.memory_space<hbm>>)
    %add3A_119 = arith.constant 6272 : i32
    %add3A_120 = arith.addi %mul3A_2, %add3A_119 : i32
    %dma_start3A_121 = arith.constant 0 : i32
    %dma_start3A_122 = tpu.memref_slice %arg4[%add3A_120, %dma_start3A_121] : memref<204800x128xf32, #tpu.memory_space<hbm>> -> memref<128x128xf32, #tpu.memory_space<hbm>>
    %dma_start3A_123 = arith.constant 0 : i32
    %dma_start3A_124 = tpu.memref_slice %arg4[%add3A_120, %dma_start3A_123] : memref<204800x128xf32, #tpu.memory_space<hbm>> -> memref<128x128xf32, #tpu.memory_space<hbm>>
    tpu.enqueue_dma source(%arg7 : memref<128x128xf32, #tpu.memory_space<vmem>>) target(%dma_start3A_124 : memref<128x128xf32, #tpu.memory_space<hbm>>) target_semaphore(%arg15 : memref<!tpu.dma_semaphore, #tpu.memory_space<semaphore_mem>>)
    %add3A_125 = arith.constant 6144 : i32
    %add3A_126 = arith.addi %mul3A_2, %add3A_125 : i32
    %dma_wait3A_127 = arith.constant 0 : i32
    %dma_wait3A_128 = tpu.memref_slice %arg4[%add3A_126, %dma_wait3A_127] : memref<204800x128xf32, #tpu.memory_space<hbm>> -> memref<128x128xf32, #tpu.memory_space<hbm>>
    %dma_wait3A_129 = arith.constant 0 : i32
    %dma_wait3A_130 = tpu.memref_slice %arg4[%add3A_126, %dma_wait3A_129] : memref<204800x128xf32, #tpu.memory_space<hbm>> -> memref<128x128xf32, #tpu.memory_space<hbm>>
    tpu.wait_dma2 semaphore(%arg14 : memref<!tpu.dma_semaphore, #tpu.memory_space<semaphore_mem>>) src(%arg6 : memref<128x128xf32, #tpu.memory_space<vmem>>) dst(%dma_wait3A_130 : memref<128x128xf32, #tpu.memory_space<hbm>>)
    %add3A_131 = arith.constant 6272 : i32
    %add3A_132 = arith.addi %mul3A_2, %add3A_131 : i32
    %dma_wait3A_133 = arith.constant 0 : i32
    %dma_wait3A_134 = tpu.memref_slice %arg4[%add3A_132, %dma_wait3A_133] : memref<204800x128xf32, #tpu.memory_space<hbm>> -> memref<128x128xf32, #tpu.memory_space<hbm>>
    %dma_wait3A_135 = arith.constant 0 : i32
    %dma_wait3A_136 = tpu.memref_slice %arg4[%add3A_132, %dma_wait3A_135] : memref<204800x128xf32, #tpu.memory_space<hbm>> -> memref<128x128xf32, #tpu.memory_space<hbm>>
    tpu.wait_dma2 semaphore(%arg15 : memref<!tpu.dma_semaphore, #tpu.memory_space<semaphore_mem>>) src(%arg7 : memref<128x128xf32, #tpu.memory_space<vmem>>) dst(%dma_wait3A_136 : memref<128x128xf32, #tpu.memory_space<hbm>>)
    return
  }
}

#map = affine_map<(d0, d1) -> (0)>
#map1 = affine_map<(d0, d1) -> (0, 0)>
module attributes {stable_mosaic.version = 14 : i64} {
  func.func @body(%arg0: i32, %arg1: i32, %arg2: memref<204800xi32, #tpu.memory_space<hbm>>, %arg3: memref<100000x128xf32, #tpu.memory_space<hbm>>, %arg4: memref<204800x128xf32, #tpu.memory_space<hbm>>, %arg5: memref<6400xi32, #tpu.memory_space<vmem>>, %arg6: memref<128x128xf32, #tpu.memory_space<vmem>>, %arg7: memref<128x128xf32, #tpu.memory_space<vmem>>, %arg8: memref<128x128xf32, #tpu.memory_space<vmem>>, %arg9: memref<128x128xf32, #tpu.memory_space<vmem>>, %arg10: memref<!tpu.dma_semaphore, #tpu.memory_space<semaphore_mem>>, %arg11: memref<!tpu.dma_semaphore, #tpu.memory_space<semaphore_mem>>, %arg12: memref<!tpu.dma_semaphore, #tpu.memory_space<semaphore_mem>>, %arg13: memref<!tpu.dma_semaphore, #tpu.memory_space<semaphore_mem>>, %arg14: memref<!tpu.dma_semaphore, #tpu.memory_space<semaphore_mem>>, %arg15: memref<!tpu.dma_semaphore, #tpu.memory_space<semaphore_mem>>, %arg16: memref<!tpu.dma_semaphore, #tpu.memory_space<semaphore_mem>>, %arg17: memref<!tpu.dma_semaphore, #tpu.memory_space<semaphore_mem>>) attributes {dimension_semantics = [#tpu.dimension_semantics<core_parallel>, #tpu.dimension_semantics<subcore_parallel>], iteration_bounds = array<i64: 2, 16>, scalar_prefetch = 0 : i64, scratch_operands = 13 : i64, tpu.core_type = #tpu.core_type<sc_vector_subcore>, window_params = [{transform_indices = #map}, {transform_indices = #map1}, {transform_indices = #map1}]} {
    %mul3A = arith.constant 2 : i32
    %mul3A_0 = arith.muli %arg1, %mul3A : i32
    %add3A = arith.addi %mul3A_0, %arg0 : i32
    %mul3A_1 = arith.constant 6400 : i32
    %mul3A_2 = arith.muli %add3A, %mul3A_1 : i32
    "tpu.region"() ({
      %run_scoped3A = tpu.sem_alloc : memref<!tpu.dma_semaphore, #tpu.memory_space<semaphore_mem>>
      %dma_start3A_137 = tpu.memref_slice %arg2[%mul3A_2] : memref<204800xi32, #tpu.memory_space<hbm>> -> memref<6400xi32, #tpu.memory_space<hbm>>
      %dma_start3A_138 = tpu.memref_slice %arg2[%mul3A_2] : memref<204800xi32, #tpu.memory_space<hbm>> -> memref<6400xi32, #tpu.memory_space<hbm>>
      tpu.enqueue_dma source(%dma_start3A_138 : memref<6400xi32, #tpu.memory_space<hbm>>) target(%arg5 : memref<6400xi32, #tpu.memory_space<vmem>>) target_semaphore(%run_scoped3A : memref<!tpu.dma_semaphore, #tpu.memory_space<semaphore_mem>>)
      %dma_wait3A_139 = tpu.memref_slice %arg2[%mul3A_2] : memref<204800xi32, #tpu.memory_space<hbm>> -> memref<6400xi32, #tpu.memory_space<hbm>>
      %dma_wait3A_140 = tpu.memref_slice %arg2[%mul3A_2] : memref<204800xi32, #tpu.memory_space<hbm>> -> memref<6400xi32, #tpu.memory_space<hbm>>
      tpu.wait_dma2 semaphore(%run_scoped3A : memref<!tpu.dma_semaphore, #tpu.memory_space<semaphore_mem>>) src(%dma_wait3A_140 : memref<6400xi32, #tpu.memory_space<hbm>>) dst(%arg5 : memref<6400xi32, #tpu.memory_space<vmem>>)
      tpu.yield
    }) : () -> ()
    %dma_start3A = arith.constant 0 : i32
    %dma_start3A_3 = tpu.memref_slice %arg5[%dma_start3A] : memref<6400xi32, #tpu.memory_space<vmem>> -> memref<128xi32, #tpu.memory_space<vmem>>
    %dma_start3A_4 = arith.constant 0 : i32
    %dma_start3A_5 = arith.constant 0 : i32
    %dma_start3A_6 = tpu.memref_slice %arg3[%dma_start3A_4, %dma_start3A_5] : memref<100000x128xf32, #tpu.memory_space<hbm>> -> memref<100000x128xf32, #tpu.memory_space<hbm>>
    tpu.enqueue_indirect_dma source(%dma_start3A_6 : memref<100000x128xf32, #tpu.memory_space<hbm>>) target(%arg6 : memref<128x128xf32, #tpu.memory_space<vmem>>) offsets(%dma_start3A_3 : memref<128xi32, #tpu.memory_space<vmem>>) semaphore(%arg10 : memref<!tpu.dma_semaphore, #tpu.memory_space<semaphore_mem>>)
    %dma_start3A_7 = arith.constant 128 : i32
    %dma_start3A_8 = tpu.memref_slice %arg5[%dma_start3A_7] : memref<6400xi32, #tpu.memory_space<vmem>> -> memref<128xi32, #tpu.memory_space<vmem>>
    %dma_start3A_9 = arith.constant 0 : i32
    %dma_start3A_10 = arith.constant 0 : i32
    %dma_start3A_11 = tpu.memref_slice %arg3[%dma_start3A_9, %dma_start3A_10] : memref<100000x128xf32, #tpu.memory_space<hbm>> -> memref<100000x128xf32, #tpu.memory_space<hbm>>
    tpu.enqueue_indirect_dma source(%dma_start3A_11 : memref<100000x128xf32, #tpu.memory_space<hbm>>) target(%arg7 : memref<128x128xf32, #tpu.memory_space<vmem>>) offsets(%dma_start3A_8 : memref<128xi32, #tpu.memory_space<vmem>>) semaphore(%arg11 : memref<!tpu.dma_semaphore, #tpu.memory_space<semaphore_mem>>)
    %dma_wait3A = arith.constant 0 : i32
    %dma_wait3A_12 = tpu.memref_slice %arg5[%dma_wait3A] : memref<6400xi32, #tpu.memory_space<vmem>> -> memref<128xi32, #tpu.memory_space<vmem>>
    %dma_wait3A_13 = arith.constant 0 : i32
    %dma_wait3A_14 = arith.constant 0 : i32
    %dma_wait3A_15 = tpu.memref_slice %arg3[%dma_wait3A_13, %dma_wait3A_14] : memref<100000x128xf32, #tpu.memory_space<hbm>> -> memref<100000x128xf32, #tpu.memory_space<hbm>>
    tpu.wait_indirect_dma semaphore(%arg10 : memref<!tpu.dma_semaphore, #tpu.memory_space<semaphore_mem>>) src(%dma_wait3A_15 : memref<100000x128xf32, #tpu.memory_space<hbm>>) dst(%arg6 : memref<128x128xf32, #tpu.memory_space<vmem>>)
    %add3A_16 = arith.constant 0 : i32
    %add3A_17 = arith.addi %mul3A_2, %add3A_16 : i32
    %dma_start3A_18 = arith.constant 0 : i32
    %dma_start3A_19 = tpu.memref_slice %arg4[%add3A_17, %dma_start3A_18] : memref<204800x128xf32, #tpu.memory_space<hbm>> -> memref<128x128xf32, #tpu.memory_space<hbm>>
    %dma_start3A_20 = arith.constant 0 : i32
    %dma_start3A_21 = tpu.memref_slice %arg4[%add3A_17, %dma_start3A_20] : memref<204800x128xf32, #tpu.memory_space<hbm>> -> memref<128x128xf32, #tpu.memory_space<hbm>>
    tpu.enqueue_dma source(%arg6 : memref<128x128xf32, #tpu.memory_space<vmem>>) target(%dma_start3A_21 : memref<128x128xf32, #tpu.memory_space<hbm>>) target_semaphore(%arg14 : memref<!tpu.dma_semaphore, #tpu.memory_space<semaphore_mem>>)
    %dma_start3A_22 = arith.constant 256 : i32
    %dma_start3A_23 = tpu.memref_slice %arg5[%dma_start3A_22] : memref<6400xi32, #tpu.memory_space<vmem>> -> memref<128xi32, #tpu.memory_space<vmem>>
    %dma_start3A_24 = arith.constant 0 : i32
    %dma_start3A_25 = arith.constant 0 : i32
    %dma_start3A_26 = tpu.memref_slice %arg3[%dma_start3A_24, %dma_start3A_25] : memref<100000x128xf32, #tpu.memory_space<hbm>> -> memref<100000x128xf32, #tpu.memory_space<hbm>>
    tpu.enqueue_indirect_dma source(%dma_start3A_26 : memref<100000x128xf32, #tpu.memory_space<hbm>>) target(%arg8 : memref<128x128xf32, #tpu.memory_space<vmem>>) offsets(%dma_start3A_23 : memref<128xi32, #tpu.memory_space<vmem>>) semaphore(%arg12 : memref<!tpu.dma_semaphore, #tpu.memory_space<semaphore_mem>>)
    %dma_wait3A_27 = arith.constant 128 : i32
    %dma_wait3A_28 = tpu.memref_slice %arg5[%dma_wait3A_27] : memref<6400xi32, #tpu.memory_space<vmem>> -> memref<128xi32, #tpu.memory_space<vmem>>
    %dma_wait3A_29 = arith.constant 0 : i32
    %dma_wait3A_30 = arith.constant 0 : i32
    %dma_wait3A_31 = tpu.memref_slice %arg3[%dma_wait3A_29, %dma_wait3A_30] : memref<100000x128xf32, #tpu.memory_space<hbm>> -> memref<100000x128xf32, #tpu.memory_space<hbm>>
    tpu.wait_indirect_dma semaphore(%arg11 : memref<!tpu.dma_semaphore, #tpu.memory_space<semaphore_mem>>) src(%dma_wait3A_31 : memref<100000x128xf32, #tpu.memory_space<hbm>>) dst(%arg7 : memref<128x128xf32, #tpu.memory_space<vmem>>)
    %add3A_32 = arith.constant 128 : i32
    %add3A_33 = arith.addi %mul3A_2, %add3A_32 : i32
    %dma_start3A_34 = arith.constant 0 : i32
    %dma_start3A_35 = tpu.memref_slice %arg4[%add3A_33, %dma_start3A_34] : memref<204800x128xf32, #tpu.memory_space<hbm>> -> memref<128x128xf32, #tpu.memory_space<hbm>>
    %dma_start3A_36 = arith.constant 0 : i32
    %dma_start3A_37 = tpu.memref_slice %arg4[%add3A_33, %dma_start3A_36] : memref<204800x128xf32, #tpu.memory_space<hbm>> -> memref<128x128xf32, #tpu.memory_space<hbm>>
    tpu.enqueue_dma source(%arg7 : memref<128x128xf32, #tpu.memory_space<vmem>>) target(%dma_start3A_37 : memref<128x128xf32, #tpu.memory_space<hbm>>) target_semaphore(%arg15 : memref<!tpu.dma_semaphore, #tpu.memory_space<semaphore_mem>>)
    %dma_start3A_38 = arith.constant 384 : i32
    %dma_start3A_39 = tpu.memref_slice %arg5[%dma_start3A_38] : memref<6400xi32, #tpu.memory_space<vmem>> -> memref<128xi32, #tpu.memory_space<vmem>>
    %dma_start3A_40 = arith.constant 0 : i32
    %dma_start3A_41 = arith.constant 0 : i32
    %dma_start3A_42 = tpu.memref_slice %arg3[%dma_start3A_40, %dma_start3A_41] : memref<100000x128xf32, #tpu.memory_space<hbm>> -> memref<100000x128xf32, #tpu.memory_space<hbm>>
    tpu.enqueue_indirect_dma source(%dma_start3A_42 : memref<100000x128xf32, #tpu.memory_space<hbm>>) target(%arg9 : memref<128x128xf32, #tpu.memory_space<vmem>>) offsets(%dma_start3A_39 : memref<128xi32, #tpu.memory_space<vmem>>) semaphore(%arg13 : memref<!tpu.dma_semaphore, #tpu.memory_space<semaphore_mem>>)
    %scan3A = arith.constant 0 : i32
    %scan3A_43 = arith.constant 11 : i32
    %scan3A_44 = arith.addi %scan3A, %scan3A_43 : i32
    %scan3A_45 = arith.constant 1 : i32
    scf.for %scan3A_137 = %scan3A to %scan3A_44 step %scan3A_45  : i32 {
      %mul3A_138 = arith.constant 4 : i32
      %mul3A_139 = arith.muli %scan3A_137, %mul3A_138 : i32
      %add3A_140 = arith.constant 2 : i32
      %add3A_141 = arith.addi %add3A_140, %mul3A_139 : i32
      %add3A_142 = arith.constant 0 : i32
      %add3A_143 = arith.addi %add3A_141, %add3A_142 : i32
      %mul3A_144 = arith.constant 128 : i32
      %mul3A_145 = arith.muli %add3A_143, %mul3A_144 : i32
      %dma_wait3A_146 = tpu.memref_slice %arg5[%mul3A_145] : memref<6400xi32, #tpu.memory_space<vmem>> -> memref<128xi32, #tpu.memory_space<vmem>>
      %dma_wait3A_147 = arith.constant 0 : i32
      %dma_wait3A_148 = arith.constant 0 : i32
      %dma_wait3A_149 = tpu.memref_slice %arg3[%dma_wait3A_147, %dma_wait3A_148] : memref<100000x128xf32, #tpu.memory_space<hbm>> -> memref<100000x128xf32, #tpu.memory_space<hbm>>
      tpu.wait_indirect_dma semaphore(%arg12 : memref<!tpu.dma_semaphore, #tpu.memory_space<semaphore_mem>>) src(%dma_wait3A_149 : memref<100000x128xf32, #tpu.memory_space<hbm>>) dst(%arg8 : memref<128x128xf32, #tpu.memory_space<vmem>>)
      %mul3A_150 = arith.constant 128 : i32
      %mul3A_151 = arith.muli %add3A_143, %mul3A_150 : i32
      %add3A_152 = arith.addi %mul3A_2, %mul3A_151 : i32
      %dma_start3A_153 = arith.constant 0 : i32
      %dma_start3A_154 = tpu.memref_slice %arg4[%add3A_152, %dma_start3A_153] : memref<204800x128xf32, #tpu.memory_space<hbm>> -> memref<128x128xf32, #tpu.memory_space<hbm>>
      %dma_start3A_155 = arith.constant 0 : i32
      %dma_start3A_156 = tpu.memref_slice %arg4[%add3A_152, %dma_start3A_155] : memref<204800x128xf32, #tpu.memory_space<hbm>> -> memref<128x128xf32, #tpu.memory_space<hbm>>
      tpu.enqueue_dma source(%arg8 : memref<128x128xf32, #tpu.memory_space<vmem>>) target(%dma_start3A_156 : memref<128x128xf32, #tpu.memory_space<hbm>>) target_semaphore(%arg16 : memref<!tpu.dma_semaphore, #tpu.memory_space<semaphore_mem>>)
      %sub3A = arith.constant 2 : i32
      %sub3A_157 = arith.subi %add3A_143, %sub3A : i32
      %mul3A_158 = arith.constant 128 : i32
      %mul3A_159 = arith.muli %sub3A_157, %mul3A_158 : i32
      %add3A_160 = arith.addi %mul3A_2, %mul3A_159 : i32
      %dma_wait3A_161 = arith.constant 0 : i32
      %dma_wait3A_162 = tpu.memref_slice %arg4[%add3A_160, %dma_wait3A_161] : memref<204800x128xf32, #tpu.memory_space<hbm>> -> memref<128x128xf32, #tpu.memory_space<hbm>>
      %dma_wait3A_163 = arith.constant 0 : i32
      %dma_wait3A_164 = tpu.memref_slice %arg4[%add3A_160, %dma_wait3A_163] : memref<204800x128xf32, #tpu.memory_space<hbm>> -> memref<128x128xf32, #tpu.memory_space<hbm>>
      tpu.wait_dma2 semaphore(%arg14 : memref<!tpu.dma_semaphore, #tpu.memory_space<semaphore_mem>>) src(%arg6 : memref<128x128xf32, #tpu.memory_space<vmem>>) dst(%dma_wait3A_164 : memref<128x128xf32, #tpu.memory_space<hbm>>)
      %add3A_165 = arith.constant 2 : i32
      %add3A_166 = arith.addi %add3A_143, %add3A_165 : i32
      %mul3A_167 = arith.constant 128 : i32
      %mul3A_168 = arith.muli %add3A_166, %mul3A_167 : i32
      %dma_start3A_169 = tpu.memref_slice %arg5[%mul3A_168] : memref<6400xi32, #tpu.memory_space<vmem>> -> memref<128xi32, #tpu.memory_space<vmem>>
      %dma_start3A_170 = arith.constant 0 : i32
      %dma_start3A_171 = arith.constant 0 : i32
      %dma_start3A_172 = tpu.memref_slice %arg3[%dma_start3A_170, %dma_start3A_171] : memref<100000x128xf32, #tpu.memory_space<hbm>> -> memref<100000x128xf32, #tpu.memory_space<hbm>>
      tpu.enqueue_indirect_dma source(%dma_start3A_172 : memref<100000x128xf32, #tpu.memory_space<hbm>>) target(%arg6 : memref<128x128xf32, #tpu.memory_space<vmem>>) offsets(%dma_start3A_169 : memref<128xi32, #tpu.memory_space<vmem>>) semaphore(%arg10 : memref<!tpu.dma_semaphore, #tpu.memory_space<semaphore_mem>>)
      %add3A_173 = arith.constant 1 : i32
      %add3A_174 = arith.addi %add3A_141, %add3A_173 : i32
      %mul3A_175 = arith.constant 128 : i32
      %mul3A_176 = arith.muli %add3A_174, %mul3A_175 : i32
      %dma_wait3A_177 = tpu.memref_slice %arg5[%mul3A_176] : memref<6400xi32, #tpu.memory_space<vmem>> -> memref<128xi32, #tpu.memory_space<vmem>>
      %dma_wait3A_178 = arith.constant 0 : i32
      %dma_wait3A_179 = arith.constant 0 : i32
      %dma_wait3A_180 = tpu.memref_slice %arg3[%dma_wait3A_178, %dma_wait3A_179] : memref<100000x128xf32, #tpu.memory_space<hbm>> -> memref<100000x128xf32, #tpu.memory_space<hbm>>
      tpu.wait_indirect_dma semaphore(%arg13 : memref<!tpu.dma_semaphore, #tpu.memory_space<semaphore_mem>>) src(%dma_wait3A_180 : memref<100000x128xf32, #tpu.memory_space<hbm>>) dst(%arg9 : memref<128x128xf32, #tpu.memory_space<vmem>>)
      %mul3A_181 = arith.constant 128 : i32
      %mul3A_182 = arith.muli %add3A_174, %mul3A_181 : i32
      %add3A_183 = arith.addi %mul3A_2, %mul3A_182 : i32
      %dma_start3A_184 = arith.constant 0 : i32
      %dma_start3A_185 = tpu.memref_slice %arg4[%add3A_183, %dma_start3A_184] : memref<204800x128xf32, #tpu.memory_space<hbm>> -> memref<128x128xf32, #tpu.memory_space<hbm>>
      %dma_start3A_186 = arith.constant 0 : i32
      %dma_start3A_187 = tpu.memref_slice %arg4[%add3A_183, %dma_start3A_186] : memref<204800x128xf32, #tpu.memory_space<hbm>> -> memref<128x128xf32, #tpu.memory_space<hbm>>
      tpu.enqueue_dma source(%arg9 : memref<128x128xf32, #tpu.memory_space<vmem>>) target(%dma_start3A_187 : memref<128x128xf32, #tpu.memory_space<hbm>>) target_semaphore(%arg17 : memref<!tpu.dma_semaphore, #tpu.memory_space<semaphore_mem>>)
      %sub3A_188 = arith.constant 2 : i32
      %sub3A_189 = arith.subi %add3A_174, %sub3A_188 : i32
      %mul3A_190 = arith.constant 128 : i32
      %mul3A_191 = arith.muli %sub3A_189, %mul3A_190 : i32
      %add3A_192 = arith.addi %mul3A_2, %mul3A_191 : i32
      %dma_wait3A_193 = arith.constant 0 : i32
      %dma_wait3A_194 = tpu.memref_slice %arg4[%add3A_192, %dma_wait3A_193] : memref<204800x128xf32, #tpu.memory_space<hbm>> -> memref<128x128xf32, #tpu.memory_space<hbm>>
      %dma_wait3A_195 = arith.constant 0 : i32
      %dma_wait3A_196 = tpu.memref_slice %arg4[%add3A_192, %dma_wait3A_195] : memref<204800x128xf32, #tpu.memory_space<hbm>> -> memref<128x128xf32, #tpu.memory_space<hbm>>
      tpu.wait_dma2 semaphore(%arg15 : memref<!tpu.dma_semaphore, #tpu.memory_space<semaphore_mem>>) src(%arg7 : memref<128x128xf32, #tpu.memory_space<vmem>>) dst(%dma_wait3A_196 : memref<128x128xf32, #tpu.memory_space<hbm>>)
      %add3A_197 = arith.constant 2 : i32
      %add3A_198 = arith.addi %add3A_174, %add3A_197 : i32
      %mul3A_199 = arith.constant 128 : i32
      %mul3A_200 = arith.muli %add3A_198, %mul3A_199 : i32
      %dma_start3A_201 = tpu.memref_slice %arg5[%mul3A_200] : memref<6400xi32, #tpu.memory_space<vmem>> -> memref<128xi32, #tpu.memory_space<vmem>>
      %dma_start3A_202 = arith.constant 0 : i32
      %dma_start3A_203 = arith.constant 0 : i32
      %dma_start3A_204 = tpu.memref_slice %arg3[%dma_start3A_202, %dma_start3A_203] : memref<100000x128xf32, #tpu.memory_space<hbm>> -> memref<100000x128xf32, #tpu.memory_space<hbm>>
      tpu.enqueue_indirect_dma source(%dma_start3A_204 : memref<100000x128xf32, #tpu.memory_space<hbm>>) target(%arg7 : memref<128x128xf32, #tpu.memory_space<vmem>>) offsets(%dma_start3A_201 : memref<128xi32, #tpu.memory_space<vmem>>) semaphore(%arg11 : memref<!tpu.dma_semaphore, #tpu.memory_space<semaphore_mem>>)
      %add3A_205 = arith.constant 2 : i32
      %add3A_206 = arith.addi %add3A_141, %add3A_205 : i32
      %mul3A_207 = arith.constant 128 : i32
      %mul3A_208 = arith.muli %add3A_206, %mul3A_207 : i32
      %dma_wait3A_209 = tpu.memref_slice %arg5[%mul3A_208] : memref<6400xi32, #tpu.memory_space<vmem>> -> memref<128xi32, #tpu.memory_space<vmem>>
      %dma_wait3A_210 = arith.constant 0 : i32
      %dma_wait3A_211 = arith.constant 0 : i32
      %dma_wait3A_212 = tpu.memref_slice %arg3[%dma_wait3A_210, %dma_wait3A_211] : memref<100000x128xf32, #tpu.memory_space<hbm>> -> memref<100000x128xf32, #tpu.memory_space<hbm>>
      tpu.wait_indirect_dma semaphore(%arg10 : memref<!tpu.dma_semaphore, #tpu.memory_space<semaphore_mem>>) src(%dma_wait3A_212 : memref<100000x128xf32, #tpu.memory_space<hbm>>) dst(%arg6 : memref<128x128xf32, #tpu.memory_space<vmem>>)
      %mul3A_213 = arith.constant 128 : i32
      %mul3A_214 = arith.muli %add3A_206, %mul3A_213 : i32
      %add3A_215 = arith.addi %mul3A_2, %mul3A_214 : i32
      %dma_start3A_216 = arith.constant 0 : i32
      %dma_start3A_217 = tpu.memref_slice %arg4[%add3A_215, %dma_start3A_216] : memref<204800x128xf32, #tpu.memory_space<hbm>> -> memref<128x128xf32, #tpu.memory_space<hbm>>
      %dma_start3A_218 = arith.constant 0 : i32
      %dma_start3A_219 = tpu.memref_slice %arg4[%add3A_215, %dma_start3A_218] : memref<204800x128xf32, #tpu.memory_space<hbm>> -> memref<128x128xf32, #tpu.memory_space<hbm>>
      tpu.enqueue_dma source(%arg6 : memref<128x128xf32, #tpu.memory_space<vmem>>) target(%dma_start3A_219 : memref<128x128xf32, #tpu.memory_space<hbm>>) target_semaphore(%arg14 : memref<!tpu.dma_semaphore, #tpu.memory_space<semaphore_mem>>)
      %sub3A_220 = arith.constant 2 : i32
      %sub3A_221 = arith.subi %add3A_206, %sub3A_220 : i32
      %mul3A_222 = arith.constant 128 : i32
      %mul3A_223 = arith.muli %sub3A_221, %mul3A_222 : i32
      %add3A_224 = arith.addi %mul3A_2, %mul3A_223 : i32
      %dma_wait3A_225 = arith.constant 0 : i32
      %dma_wait3A_226 = tpu.memref_slice %arg4[%add3A_224, %dma_wait3A_225] : memref<204800x128xf32, #tpu.memory_space<hbm>> -> memref<128x128xf32, #tpu.memory_space<hbm>>
      %dma_wait3A_227 = arith.constant 0 : i32
      %dma_wait3A_228 = tpu.memref_slice %arg4[%add3A_224, %dma_wait3A_227] : memref<204800x128xf32, #tpu.memory_space<hbm>> -> memref<128x128xf32, #tpu.memory_space<hbm>>
      tpu.wait_dma2 semaphore(%arg16 : memref<!tpu.dma_semaphore, #tpu.memory_space<semaphore_mem>>) src(%arg8 : memref<128x128xf32, #tpu.memory_space<vmem>>) dst(%dma_wait3A_228 : memref<128x128xf32, #tpu.memory_space<hbm>>)
      %add3A_229 = arith.constant 2 : i32
      %add3A_230 = arith.addi %add3A_206, %add3A_229 : i32
      %mul3A_231 = arith.constant 128 : i32
      %mul3A_232 = arith.muli %add3A_230, %mul3A_231 : i32
      %dma_start3A_233 = tpu.memref_slice %arg5[%mul3A_232] : memref<6400xi32, #tpu.memory_space<vmem>> -> memref<128xi32, #tpu.memory_space<vmem>>
      %dma_start3A_234 = arith.constant 0 : i32
      %dma_start3A_235 = arith.constant 0 : i32
      %dma_start3A_236 = tpu.memref_slice %arg3[%dma_start3A_234, %dma_start3A_235] : memref<100000x128xf32, #tpu.memory_space<hbm>> -> memref<100000x128xf32, #tpu.memory_space<hbm>>
      tpu.enqueue_indirect_dma source(%dma_start3A_236 : memref<100000x128xf32, #tpu.memory_space<hbm>>) target(%arg8 : memref<128x128xf32, #tpu.memory_space<vmem>>) offsets(%dma_start3A_233 : memref<128xi32, #tpu.memory_space<vmem>>) semaphore(%arg12 : memref<!tpu.dma_semaphore, #tpu.memory_space<semaphore_mem>>)
      %add3A_237 = arith.constant 3 : i32
      %add3A_238 = arith.addi %add3A_141, %add3A_237 : i32
      %mul3A_239 = arith.constant 128 : i32
      %mul3A_240 = arith.muli %add3A_238, %mul3A_239 : i32
      %dma_wait3A_241 = tpu.memref_slice %arg5[%mul3A_240] : memref<6400xi32, #tpu.memory_space<vmem>> -> memref<128xi32, #tpu.memory_space<vmem>>
      %dma_wait3A_242 = arith.constant 0 : i32
      %dma_wait3A_243 = arith.constant 0 : i32
      %dma_wait3A_244 = tpu.memref_slice %arg3[%dma_wait3A_242, %dma_wait3A_243] : memref<100000x128xf32, #tpu.memory_space<hbm>> -> memref<100000x128xf32, #tpu.memory_space<hbm>>
      tpu.wait_indirect_dma semaphore(%arg11 : memref<!tpu.dma_semaphore, #tpu.memory_space<semaphore_mem>>) src(%dma_wait3A_244 : memref<100000x128xf32, #tpu.memory_space<hbm>>) dst(%arg7 : memref<128x128xf32, #tpu.memory_space<vmem>>)
      %mul3A_245 = arith.constant 128 : i32
      %mul3A_246 = arith.muli %add3A_238, %mul3A_245 : i32
      %add3A_247 = arith.addi %mul3A_2, %mul3A_246 : i32
      %dma_start3A_248 = arith.constant 0 : i32
      %dma_start3A_249 = tpu.memref_slice %arg4[%add3A_247, %dma_start3A_248] : memref<204800x128xf32, #tpu.memory_space<hbm>> -> memref<128x128xf32, #tpu.memory_space<hbm>>
      %dma_start3A_250 = arith.constant 0 : i32
      %dma_start3A_251 = tpu.memref_slice %arg4[%add3A_247, %dma_start3A_250] : memref<204800x128xf32, #tpu.memory_space<hbm>> -> memref<128x128xf32, #tpu.memory_space<hbm>>
      tpu.enqueue_dma source(%arg7 : memref<128x128xf32, #tpu.memory_space<vmem>>) target(%dma_start3A_251 : memref<128x128xf32, #tpu.memory_space<hbm>>) target_semaphore(%arg15 : memref<!tpu.dma_semaphore, #tpu.memory_space<semaphore_mem>>)
      %sub3A_252 = arith.constant 2 : i32
      %sub3A_253 = arith.subi %add3A_238, %sub3A_252 : i32
      %mul3A_254 = arith.constant 128 : i32
      %mul3A_255 = arith.muli %sub3A_253, %mul3A_254 : i32
      %add3A_256 = arith.addi %mul3A_2, %mul3A_255 : i32
      %dma_wait3A_257 = arith.constant 0 : i32
      %dma_wait3A_258 = tpu.memref_slice %arg4[%add3A_256, %dma_wait3A_257] : memref<204800x128xf32, #tpu.memory_space<hbm>> -> memref<128x128xf32, #tpu.memory_space<hbm>>
      %dma_wait3A_259 = arith.constant 0 : i32
      %dma_wait3A_260 = tpu.memref_slice %arg4[%add3A_256, %dma_wait3A_259] : memref<204800x128xf32, #tpu.memory_space<hbm>> -> memref<128x128xf32, #tpu.memory_space<hbm>>
      tpu.wait_dma2 semaphore(%arg17 : memref<!tpu.dma_semaphore, #tpu.memory_space<semaphore_mem>>) src(%arg9 : memref<128x128xf32, #tpu.memory_space<vmem>>) dst(%dma_wait3A_260 : memref<128x128xf32, #tpu.memory_space<hbm>>)
      %add3A_261 = arith.constant 2 : i32
      %add3A_262 = arith.addi %add3A_238, %add3A_261 : i32
      %mul3A_263 = arith.constant 128 : i32
      %mul3A_264 = arith.muli %add3A_262, %mul3A_263 : i32
      %dma_start3A_265 = tpu.memref_slice %arg5[%mul3A_264] : memref<6400xi32, #tpu.memory_space<vmem>> -> memref<128xi32, #tpu.memory_space<vmem>>
      %dma_start3A_266 = arith.constant 0 : i32
      %dma_start3A_267 = arith.constant 0 : i32
      %dma_start3A_268 = tpu.memref_slice %arg3[%dma_start3A_266, %dma_start3A_267] : memref<100000x128xf32, #tpu.memory_space<hbm>> -> memref<100000x128xf32, #tpu.memory_space<hbm>>
      tpu.enqueue_indirect_dma source(%dma_start3A_268 : memref<100000x128xf32, #tpu.memory_space<hbm>>) target(%arg9 : memref<128x128xf32, #tpu.memory_space<vmem>>) offsets(%dma_start3A_265 : memref<128xi32, #tpu.memory_space<vmem>>) semaphore(%arg13 : memref<!tpu.dma_semaphore, #tpu.memory_space<semaphore_mem>>)
    }
    %scan3A_46 = arith.constant 11 : i32
    %dma_wait3A_47 = arith.constant 5888 : i32
    %dma_wait3A_48 = tpu.memref_slice %arg5[%dma_wait3A_47] : memref<6400xi32, #tpu.memory_space<vmem>> -> memref<128xi32, #tpu.memory_space<vmem>>
    %dma_wait3A_49 = arith.constant 0 : i32
    %dma_wait3A_50 = arith.constant 0 : i32
    %dma_wait3A_51 = tpu.memref_slice %arg3[%dma_wait3A_49, %dma_wait3A_50] : memref<100000x128xf32, #tpu.memory_space<hbm>> -> memref<100000x128xf32, #tpu.memory_space<hbm>>
    tpu.wait_indirect_dma semaphore(%arg12 : memref<!tpu.dma_semaphore, #tpu.memory_space<semaphore_mem>>) src(%dma_wait3A_51 : memref<100000x128xf32, #tpu.memory_space<hbm>>) dst(%arg8 : memref<128x128xf32, #tpu.memory_space<vmem>>)
    %add3A_52 = arith.constant 5632 : i32
    %add3A_53 = arith.addi %mul3A_2, %add3A_52 : i32
    %dma_wait3A_54 = arith.constant 0 : i32
    %dma_wait3A_55 = tpu.memref_slice %arg4[%add3A_53, %dma_wait3A_54] : memref<204800x128xf32, #tpu.memory_space<hbm>> -> memref<128x128xf32, #tpu.memory_space<hbm>>
    %dma_wait3A_56 = arith.constant 0 : i32
    %dma_wait3A_57 = tpu.memref_slice %arg4[%add3A_53, %dma_wait3A_56] : memref<204800x128xf32, #tpu.memory_space<hbm>> -> memref<128x128xf32, #tpu.memory_space<hbm>>
    tpu.wait_dma2 semaphore(%arg14 : memref<!tpu.dma_semaphore, #tpu.memory_space<semaphore_mem>>) src(%arg6 : memref<128x128xf32, #tpu.memory_space<vmem>>) dst(%dma_wait3A_57 : memref<128x128xf32, #tpu.memory_space<hbm>>)
    %dma_start3A_58 = arith.constant 6144 : i32
    %dma_start3A_59 = tpu.memref_slice %arg5[%dma_start3A_58] : memref<6400xi32, #tpu.memory_space<vmem>> -> memref<128xi32, #tpu.memory_space<vmem>>
    %dma_start3A_60 = arith.constant 0 : i32
    %dma_start3A_61 = arith.constant 0 : i32
    %dma_start3A_62 = tpu.memref_slice %arg3[%dma_start3A_60, %dma_start3A_61] : memref<100000x128xf32, #tpu.memory_space<hbm>> -> memref<100000x128xf32, #tpu.memory_space<hbm>>
    tpu.enqueue_indirect_dma source(%dma_start3A_62 : memref<100000x128xf32, #tpu.memory_space<hbm>>) target(%arg6 : memref<128x128xf32, #tpu.memory_space<vmem>>) offsets(%dma_start3A_59 : memref<128xi32, #tpu.memory_space<vmem>>) semaphore(%arg10 : memref<!tpu.dma_semaphore, #tpu.memory_space<semaphore_mem>>)
    %add3A_63 = arith.constant 5888 : i32
    %add3A_64 = arith.addi %mul3A_2, %add3A_63 : i32
    %dma_start3A_65 = arith.constant 0 : i32
    %dma_start3A_66 = tpu.memref_slice %arg4[%add3A_64, %dma_start3A_65] : memref<204800x128xf32, #tpu.memory_space<hbm>> -> memref<128x128xf32, #tpu.memory_space<hbm>>
    %dma_start3A_67 = arith.constant 0 : i32
    %dma_start3A_68 = tpu.memref_slice %arg4[%add3A_64, %dma_start3A_67] : memref<204800x128xf32, #tpu.memory_space<hbm>> -> memref<128x128xf32, #tpu.memory_space<hbm>>
    tpu.enqueue_dma source(%arg8 : memref<128x128xf32, #tpu.memory_space<vmem>>) target(%dma_start3A_68 : memref<128x128xf32, #tpu.memory_space<hbm>>) target_semaphore(%arg16 : memref<!tpu.dma_semaphore, #tpu.memory_space<semaphore_mem>>)
    %dma_wait3A_69 = arith.constant 6016 : i32
    %dma_wait3A_70 = tpu.memref_slice %arg5[%dma_wait3A_69] : memref<6400xi32, #tpu.memory_space<vmem>> -> memref<128xi32, #tpu.memory_space<vmem>>
    %dma_wait3A_71 = arith.constant 0 : i32
    %dma_wait3A_72 = arith.constant 0 : i32
    %dma_wait3A_73 = tpu.memref_slice %arg3[%dma_wait3A_71, %dma_wait3A_72] : memref<100000x128xf32, #tpu.memory_space<hbm>> -> memref<100000x128xf32, #tpu.memory_space<hbm>>
    tpu.wait_indirect_dma semaphore(%arg13 : memref<!tpu.dma_semaphore, #tpu.memory_space<semaphore_mem>>) src(%dma_wait3A_73 : memref<100000x128xf32, #tpu.memory_space<hbm>>) dst(%arg9 : memref<128x128xf32, #tpu.memory_space<vmem>>)
    %add3A_74 = arith.constant 5760 : i32
    %add3A_75 = arith.addi %mul3A_2, %add3A_74 : i32
    %dma_wait3A_76 = arith.constant 0 : i32
    %dma_wait3A_77 = tpu.memref_slice %arg4[%add3A_75, %dma_wait3A_76] : memref<204800x128xf32, #tpu.memory_space<hbm>> -> memref<128x128xf32, #tpu.memory_space<hbm>>
    %dma_wait3A_78 = arith.constant 0 : i32
    %dma_wait3A_79 = tpu.memref_slice %arg4[%add3A_75, %dma_wait3A_78] : memref<204800x128xf32, #tpu.memory_space<hbm>> -> memref<128x128xf32, #tpu.memory_space<hbm>>
    tpu.wait_dma2 semaphore(%arg15 : memref<!tpu.dma_semaphore, #tpu.memory_space<semaphore_mem>>) src(%arg7 : memref<128x128xf32, #tpu.memory_space<vmem>>) dst(%dma_wait3A_79 : memref<128x128xf32, #tpu.memory_space<hbm>>)
    %dma_start3A_80 = arith.constant 6272 : i32
    %dma_start3A_81 = tpu.memref_slice %arg5[%dma_start3A_80] : memref<6400xi32, #tpu.memory_space<vmem>> -> memref<128xi32, #tpu.memory_space<vmem>>
    %dma_start3A_82 = arith.constant 0 : i32
    %dma_start3A_83 = arith.constant 0 : i32
    %dma_start3A_84 = tpu.memref_slice %arg3[%dma_start3A_82, %dma_start3A_83] : memref<100000x128xf32, #tpu.memory_space<hbm>> -> memref<100000x128xf32, #tpu.memory_space<hbm>>
    tpu.enqueue_indirect_dma source(%dma_start3A_84 : memref<100000x128xf32, #tpu.memory_space<hbm>>) target(%arg7 : memref<128x128xf32, #tpu.memory_space<vmem>>) offsets(%dma_start3A_81 : memref<128xi32, #tpu.memory_space<vmem>>) semaphore(%arg11 : memref<!tpu.dma_semaphore, #tpu.memory_space<semaphore_mem>>)
    %add3A_85 = arith.constant 6016 : i32
    %add3A_86 = arith.addi %mul3A_2, %add3A_85 : i32
    %dma_start3A_87 = arith.constant 0 : i32
    %dma_start3A_88 = tpu.memref_slice %arg4[%add3A_86, %dma_start3A_87] : memref<204800x128xf32, #tpu.memory_space<hbm>> -> memref<128x128xf32, #tpu.memory_space<hbm>>
    %dma_start3A_89 = arith.constant 0 : i32
    %dma_start3A_90 = tpu.memref_slice %arg4[%add3A_86, %dma_start3A_89] : memref<204800x128xf32, #tpu.memory_space<hbm>> -> memref<128x128xf32, #tpu.memory_space<hbm>>
    tpu.enqueue_dma source(%arg9 : memref<128x128xf32, #tpu.memory_space<vmem>>) target(%dma_start3A_90 : memref<128x128xf32, #tpu.memory_space<hbm>>) target_semaphore(%arg17 : memref<!tpu.dma_semaphore, #tpu.memory_space<semaphore_mem>>)
    %dma_wait3A_91 = arith.constant 6144 : i32
    %dma_wait3A_92 = tpu.memref_slice %arg5[%dma_wait3A_91] : memref<6400xi32, #tpu.memory_space<vmem>> -> memref<128xi32, #tpu.memory_space<vmem>>
    %dma_wait3A_93 = arith.constant 0 : i32
    %dma_wait3A_94 = arith.constant 0 : i32
    %dma_wait3A_95 = tpu.memref_slice %arg3[%dma_wait3A_93, %dma_wait3A_94] : memref<100000x128xf32, #tpu.memory_space<hbm>> -> memref<100000x128xf32, #tpu.memory_space<hbm>>
    tpu.wait_indirect_dma semaphore(%arg10 : memref<!tpu.dma_semaphore, #tpu.memory_space<semaphore_mem>>) src(%dma_wait3A_95 : memref<100000x128xf32, #tpu.memory_space<hbm>>) dst(%arg6 : memref<128x128xf32, #tpu.memory_space<vmem>>)
    %add3A_96 = arith.constant 5888 : i32
    %add3A_97 = arith.addi %mul3A_2, %add3A_96 : i32
    %dma_wait3A_98 = arith.constant 0 : i32
    %dma_wait3A_99 = tpu.memref_slice %arg4[%add3A_97, %dma_wait3A_98] : memref<204800x128xf32, #tpu.memory_space<hbm>> -> memref<128x128xf32, #tpu.memory_space<hbm>>
    %dma_wait3A_100 = arith.constant 0 : i32
    %dma_wait3A_101 = tpu.memref_slice %arg4[%add3A_97, %dma_wait3A_100] : memref<204800x128xf32, #tpu.memory_space<hbm>> -> memref<128x128xf32, #tpu.memory_space<hbm>>
    tpu.wait_dma2 semaphore(%arg16 : memref<!tpu.dma_semaphore, #tpu.memory_space<semaphore_mem>>) src(%arg8 : memref<128x128xf32, #tpu.memory_space<vmem>>) dst(%dma_wait3A_101 : memref<128x128xf32, #tpu.memory_space<hbm>>)
    %add3A_102 = arith.constant 6144 : i32
    %add3A_103 = arith.addi %mul3A_2, %add3A_102 : i32
    %dma_start3A_104 = arith.constant 0 : i32
    %dma_start3A_105 = tpu.memref_slice %arg4[%add3A_103, %dma_start3A_104] : memref<204800x128xf32, #tpu.memory_space<hbm>> -> memref<128x128xf32, #tpu.memory_space<hbm>>
    %dma_start3A_106 = arith.constant 0 : i32
    %dma_start3A_107 = tpu.memref_slice %arg4[%add3A_103, %dma_start3A_106] : memref<204800x128xf32, #tpu.memory_space<hbm>> -> memref<128x128xf32, #tpu.memory_space<hbm>>
    tpu.enqueue_dma source(%arg6 : memref<128x128xf32, #tpu.memory_space<vmem>>) target(%dma_start3A_107 : memref<128x128xf32, #tpu.memory_space<hbm>>) target_semaphore(%arg14 : memref<!tpu.dma_semaphore, #tpu.memory_space<semaphore_mem>>)
    %dma_wait3A_108 = arith.constant 6272 : i32
    %dma_wait3A_109 = tpu.memref_slice %arg5[%dma_wait3A_108] : memref<6400xi32, #tpu.memory_space<vmem>> -> memref<128xi32, #tpu.memory_space<vmem>>
    %dma_wait3A_110 = arith.constant 0 : i32
    %dma_wait3A_111 = arith.constant 0 : i32
    %dma_wait3A_112 = tpu.memref_slice %arg3[%dma_wait3A_110, %dma_wait3A_111] : memref<100000x128xf32, #tpu.memory_space<hbm>> -> memref<100000x128xf32, #tpu.memory_space<hbm>>
    tpu.wait_indirect_dma semaphore(%arg11 : memref<!tpu.dma_semaphore, #tpu.memory_space<semaphore_mem>>) src(%dma_wait3A_112 : memref<100000x128xf32, #tpu.memory_space<hbm>>) dst(%arg7 : memref<128x128xf32, #tpu.memory_space<vmem>>)
    %add3A_113 = arith.constant 6016 : i32
    %add3A_114 = arith.addi %mul3A_2, %add3A_113 : i32
    %dma_wait3A_115 = arith.constant 0 : i32
    %dma_wait3A_116 = tpu.memref_slice %arg4[%add3A_114, %dma_wait3A_115] : memref<204800x128xf32, #tpu.memory_space<hbm>> -> memref<128x128xf32, #tpu.memory_space<hbm>>
    %dma_wait3A_117 = arith.constant 0 : i32
    %dma_wait3A_118 = tpu.memref_slice %arg4[%add3A_114, %dma_wait3A_117] : memref<204800x128xf32, #tpu.memory_space<hbm>> -> memref<128x128xf32, #tpu.memory_space<hbm>>
    tpu.wait_dma2 semaphore(%arg17 : memref<!tpu.dma_semaphore, #tpu.memory_space<semaphore_mem>>) src(%arg9 : memref<128x128xf32, #tpu.memory_space<vmem>>) dst(%dma_wait3A_118 : memref<128x128xf32, #tpu.memory_space<hbm>>)
    %add3A_119 = arith.constant 6272 : i32
    %add3A_120 = arith.addi %mul3A_2, %add3A_119 : i32
    %dma_start3A_121 = arith.constant 0 : i32
    %dma_start3A_122 = tpu.memref_slice %arg4[%add3A_120, %dma_start3A_121] : memref<204800x128xf32, #tpu.memory_space<hbm>> -> memref<128x128xf32, #tpu.memory_space<hbm>>
    %dma_start3A_123 = arith.constant 0 : i32
    %dma_start3A_124 = tpu.memref_slice %arg4[%add3A_120, %dma_start3A_123] : memref<204800x128xf32, #tpu.memory_space<hbm>> -> memref<128x128xf32, #tpu.memory_space<hbm>>
    tpu.enqueue_dma source(%arg7 : memref<128x128xf32, #tpu.memory_space<vmem>>) target(%dma_start3A_124 : memref<128x128xf32, #tpu.memory_space<hbm>>) target_semaphore(%arg15 : memref<!tpu.dma_semaphore, #tpu.memory_space<semaphore_mem>>)
    %add3A_125 = arith.constant 6144 : i32
    %add3A_126 = arith.addi %mul3A_2, %add3A_125 : i32
    %dma_wait3A_127 = arith.constant 0 : i32
    %dma_wait3A_128 = tpu.memref_slice %arg4[%add3A_126, %dma_wait3A_127] : memref<204800x128xf32, #tpu.memory_space<hbm>> -> memref<128x128xf32, #tpu.memory_space<hbm>>
    %dma_wait3A_129 = arith.constant 0 : i32
    %dma_wait3A_130 = tpu.memref_slice %arg4[%add3A_126, %dma_wait3A_129] : memref<204800x128xf32, #tpu.memory_space<hbm>> -> memref<128x128xf32, #tpu.memory_space<hbm>>
    tpu.wait_dma2 semaphore(%arg14 : memref<!tpu.dma_semaphore, #tpu.memory_space<semaphore_mem>>) src(%arg6 : memref<128x128xf32, #tpu.memory_space<vmem>>) dst(%dma_wait3A_130 : memref<128x128xf32, #tpu.memory_space<hbm>>)
    %add3A_131 = arith.constant 6272 : i32
    %add3A_132 = arith.addi %mul3A_2, %add3A_131 : i32
    %dma_wait3A_133 = arith.constant 0 : i32
    %dma_wait3A_134 = tpu.memref_slice %arg4[%add3A_132, %dma_wait3A_133] : memref<204800x128xf32, #tpu.memory_space<hbm>> -> memref<128x128xf32, #tpu.memory_space<hbm>>
    %dma_wait3A_135 = arith.constant 0 : i32
    %dma_wait3A_136 = tpu.memref_slice %arg4[%add3A_132, %dma_wait3A_135] : memref<204800x128xf32, #tpu.memory_space<hbm>> -> memref<128x128xf32, #tpu.memory_space<hbm>>
    tpu.wait_dma2 semaphore(%arg15 : memref<!tpu.dma_semaphore, #tpu.memory_space<semaphore_mem>>) src(%arg7 : memref<128x128xf32, #tpu.memory_space<vmem>>) dst(%dma_wait3A_136 : memref<128x128xf32, #tpu.memory_space<hbm>>)
    return
  }
}

module attributes {stable_mosaic.version = 14 : i64} {
  func.func @_ln_body(%arg0: i32, %arg1: memref<8192x128xf32, #tpu.memory_space<vmem>>, %arg2: memref<1x128xf32, #tpu.memory_space<vmem>>, %arg3: memref<1x128xf32, #tpu.memory_space<vmem>>, %arg4: memref<8192x128xf32, #tpu.memory_space<vmem>>) attributes {dimension_semantics = [#tpu.dimension_semantics<arbitrary>], iteration_bounds = array<i64: 25>, scalar_prefetch = 0 : i64, scratch_operands = 0 : i64, tpu.core_type = #tpu.core_type<tc>, window_params = [{transform_indices = @transform_0, window_bounds = array<i64: 8192, 128>}, {pipeline_mode = #tpu.pipeline_mode<synchronous>, transform_indices = @transform_1, window_bounds = array<i64: 1, 128>}, {pipeline_mode = #tpu.pipeline_mode<synchronous>, transform_indices = @transform_2, window_bounds = array<i64: 1, 128>}, {transform_indices = @transform_3, window_bounds = array<i64: 8192, 128>}]} {
    %get3A = arith.constant 0 : index
    %get3A_0 = arith.constant 0 : index
    %get3A_1 = vector.load %arg1[%get3A, %get3A_0] : memref<8192x128xf32, #tpu.memory_space<vmem>>, vector<8192x128xf32>
    %reduce_sum3A = arith.constant dense<0.000000e+00> : vector<8192xf32>
    %reduce_sum3A_2 = vector.multi_reduction <add>, %get3A_1, %reduce_sum3A [1] : vector<8192x128xf32> to vector<8192xf32>
    %broadcast_in_dim3A = vector.shape_cast %reduce_sum3A_2 : vector<8192xf32> to vector<8192x1xf32>
    %div3A = arith.constant 1.280000e+02 : f32
    %div3A_3 = vector.broadcast %div3A : f32 to vector<8192x1xf32>
    %div3A_4 = arith.divf %broadcast_in_dim3A, %div3A_3 : vector<8192x1xf32>
    %sub3A = vector.broadcast %div3A_4 : vector<8192x1xf32> to vector<8192x128xf32>
    %sub3A_5 = arith.subf %get3A_1, %sub3A : vector<8192x128xf32>
    %mul3A = arith.mulf %sub3A_5, %sub3A_5 : vector<8192x128xf32>
    %reduce_sum3A_6 = arith.constant dense<0.000000e+00> : vector<8192xf32>
    %reduce_sum3A_7 = vector.multi_reduction <add>, %mul3A, %reduce_sum3A_6 [1] : vector<8192x128xf32> to vector<8192xf32>
    %broadcast_in_dim3A_8 = vector.shape_cast %reduce_sum3A_7 : vector<8192xf32> to vector<8192x1xf32>
    %div3A_9 = arith.constant 1.280000e+02 : f32
    %div3A_10 = vector.broadcast %div3A_9 : f32 to vector<8192x1xf32>
    %div3A_11 = arith.divf %broadcast_in_dim3A_8, %div3A_10 : vector<8192x1xf32>
    %add3A = arith.constant 9.99999996E-13 : f32
    %add3A_12 = vector.broadcast %add3A : f32 to vector<8192x1xf32>
    %add3A_13 = arith.addf %div3A_11, %add3A_12 : vector<8192x1xf32>
    %rsqrt3A = math.rsqrt %add3A_13 : vector<8192x1xf32>
    %mul3A_14 = vector.broadcast %rsqrt3A : vector<8192x1xf32> to vector<8192x128xf32>
    %mul3A_15 = arith.mulf %sub3A_5, %mul3A_14 : vector<8192x128xf32>
    %get3A_16 = arith.constant 0 : index
    %get3A_17 = arith.constant 0 : index
    %get3A_18 = vector.load %arg2[%get3A_16, %get3A_17] : memref<1x128xf32, #tpu.memory_space<vmem>>, vector<1x128xf32>
    %mul3A_19 = vector.broadcast %get3A_18 : vector<1x128xf32> to vector<8192x128xf32>
    %mul3A_20 = arith.mulf %mul3A_15, %mul3A_19 : vector<8192x128xf32>
    %get3A_21 = arith.constant 0 : index
    %get3A_22 = arith.constant 0 : index
    %get3A_23 = vector.load %arg3[%get3A_21, %get3A_22] : memref<1x128xf32, #tpu.memory_space<vmem>>, vector<1x128xf32>
    %add3A_24 = vector.broadcast %get3A_23 : vector<1x128xf32> to vector<8192x128xf32>
    %add3A_25 = arith.addf %mul3A_20, %add3A_24 : vector<8192x128xf32>
    %swap3A = arith.constant 0 : index
    %swap3A_26 = arith.constant 0 : index
    %swap3A_27 = vector.load %arg4[%swap3A, %swap3A_26] : memref<8192x128xf32, #tpu.memory_space<vmem>>, vector<8192x128xf32>
    tpu.vector_store %arg4[%swap3A, %swap3A_26], %add3A_25 {strides = array<i32>} : memref<8192x128xf32, #tpu.memory_space<vmem>>, vector<8192x128xf32>,
    return
  }
  func.func @transform_0(%arg0: i32) -> (i32, i32) {
    %c0_i32 = arith.constant 0 : i32
    %c0_i32_0 = arith.constant 0 : i32
    return %arg0, %c0_i32 : i32, i32
  }
  func.func @transform_1(%arg0: i32) -> (i32, i32) {
    %c0_i32 = arith.constant 0 : i32
    %c0_i32_0 = arith.constant 0 : i32
    %c0_i32_1 = arith.constant 0 : i32
    return %c0_i32, %c0_i32_0 : i32, i32
  }
  func.func @transform_2(%arg0: i32) -> (i32, i32) {
    %c0_i32 = arith.constant 0 : i32
    %c0_i32_0 = arith.constant 0 : i32
    %c0_i32_1 = arith.constant 0 : i32
    return %c0_i32, %c0_i32_0 : i32, i32
  }
  func.func @transform_3(%arg0: i32) -> (i32, i32) {
    %add3A = arith.constant 0 : i32
    %add3A_0 = arith.addi %add3A, %arg0 : i32
    %c0_i32 = arith.constant 0 : i32
    %c0_i32_1 = arith.constant 0 : i32
    return %add3A_0, %c0_i32 : i32, i32
  }
}

module attributes {stable_mosaic.version = 14 : i64} {
  func.func @_ln_body_acc(%arg0: i32, %arg1: memref<8192x128xf32, #tpu.memory_space<vmem>>, %arg2: memref<1x128xf32, #tpu.memory_space<vmem>>, %arg3: memref<1x128xf32, #tpu.memory_space<vmem>>, %arg4: memref<819200x128xf32, #tpu.memory_space<any>>, %arg5: memref<8192x128xf32, #tpu.memory_space<vmem>>) attributes {dimension_semantics = [#tpu.dimension_semantics<arbitrary>], iteration_bounds = array<i64: 25>, scalar_prefetch = 0 : i64, scratch_operands = 0 : i64, tpu.core_type = #tpu.core_type<tc>, window_params = [{transform_indices = @transform_0, window_bounds = array<i64: 8192, 128>}, {pipeline_mode = #tpu.pipeline_mode<synchronous>, transform_indices = @transform_1, window_bounds = array<i64: 1, 128>}, {pipeline_mode = #tpu.pipeline_mode<synchronous>, transform_indices = @transform_2, window_bounds = array<i64: 1, 128>}, {}, {transform_indices = @transform_4, window_bounds = array<i64: 8192, 128>}]} {
    %get3A = arith.constant 0 : index
    %get3A_0 = arith.constant 0 : index
    %get3A_1 = vector.load %arg1[%get3A, %get3A_0] : memref<8192x128xf32, #tpu.memory_space<vmem>>, vector<8192x128xf32>
    %reduce_sum3A = arith.constant dense<0.000000e+00> : vector<8192xf32>
    %reduce_sum3A_2 = vector.multi_reduction <add>, %get3A_1, %reduce_sum3A [1] : vector<8192x128xf32> to vector<8192xf32>
    %broadcast_in_dim3A = vector.shape_cast %reduce_sum3A_2 : vector<8192xf32> to vector<8192x1xf32>
    %div3A = arith.constant 1.280000e+02 : f32
    %div3A_3 = vector.broadcast %div3A : f32 to vector<8192x1xf32>
    %div3A_4 = arith.divf %broadcast_in_dim3A, %div3A_3 : vector<8192x1xf32>
    %sub3A = vector.broadcast %div3A_4 : vector<8192x1xf32> to vector<8192x128xf32>
    %sub3A_5 = arith.subf %get3A_1, %sub3A : vector<8192x128xf32>
    %mul3A = arith.mulf %sub3A_5, %sub3A_5 : vector<8192x128xf32>
    %reduce_sum3A_6 = arith.constant dense<0.000000e+00> : vector<8192xf32>
    %reduce_sum3A_7 = vector.multi_reduction <add>, %mul3A, %reduce_sum3A_6 [1] : vector<8192x128xf32> to vector<8192xf32>
    %broadcast_in_dim3A_8 = vector.shape_cast %reduce_sum3A_7 : vector<8192xf32> to vector<8192x1xf32>
    %div3A_9 = arith.constant 1.280000e+02 : f32
    %div3A_10 = vector.broadcast %div3A_9 : f32 to vector<8192x1xf32>
    %div3A_11 = arith.divf %broadcast_in_dim3A_8, %div3A_10 : vector<8192x1xf32>
    %add3A = arith.constant 9.99999996E-13 : f32
    %add3A_12 = vector.broadcast %add3A : f32 to vector<8192x1xf32>
    %add3A_13 = arith.addf %div3A_11, %add3A_12 : vector<8192x1xf32>
    %rsqrt3A = math.rsqrt %add3A_13 : vector<8192x1xf32>
    %mul3A_14 = vector.broadcast %rsqrt3A : vector<8192x1xf32> to vector<8192x128xf32>
    %mul3A_15 = arith.mulf %sub3A_5, %mul3A_14 : vector<8192x128xf32>
    %get3A_16 = arith.constant 0 : index
    %get3A_17 = arith.constant 0 : index
    %get3A_18 = vector.load %arg2[%get3A_16, %get3A_17] : memref<1x128xf32, #tpu.memory_space<vmem>>, vector<1x128xf32>
    %mul3A_19 = vector.broadcast %get3A_18 : vector<1x128xf32> to vector<8192x128xf32>
    %mul3A_20 = arith.mulf %mul3A_15, %mul3A_19 : vector<8192x128xf32>
    %get3A_21 = arith.constant 0 : index
    %get3A_22 = arith.constant 0 : index
    %get3A_23 = vector.load %arg3[%get3A_21, %get3A_22] : memref<1x128xf32, #tpu.memory_space<vmem>>, vector<1x128xf32>
    %add3A_24 = vector.broadcast %get3A_23 : vector<1x128xf32> to vector<8192x128xf32>
    %add3A_25 = arith.addf %mul3A_20, %add3A_24 : vector<8192x128xf32>
    %swap3A = arith.constant 0 : index
    %swap3A_26 = arith.constant 0 : index
    %swap3A_27 = vector.load %arg5[%swap3A, %swap3A_26] : memref<8192x128xf32, #tpu.memory_space<vmem>>, vector<8192x128xf32>
    tpu.vector_store %arg5[%swap3A, %swap3A_26], %add3A_25 {strides = array<i32>} : memref<8192x128xf32, #tpu.memory_space<vmem>>, vector<8192x128xf32>,
    return
  }
  func.func @transform_0(%arg0: i32) -> (i32, i32) {
    %c0_i32 = arith.constant 0 : i32
    %c0_i32_0 = arith.constant 0 : i32
    return %arg0, %c0_i32 : i32, i32
  }
  func.func @transform_1(%arg0: i32) -> (i32, i32) {
    %c0_i32 = arith.constant 0 : i32
    %c0_i32_0 = arith.constant 0 : i32
    %c0_i32_1 = arith.constant 0 : i32
    return %c0_i32, %c0_i32_0 : i32, i32
  }
  func.func @transform_2(%arg0: i32) -> (i32, i32) {
    %c0_i32 = arith.constant 0 : i32
    %c0_i32_0 = arith.constant 0 : i32
    %c0_i32_1 = arith.constant 0 : i32
    return %c0_i32, %c0_i32_0 : i32, i32
  }
  func.func @transform_4(%arg0: i32) -> (i32, i32) {
    %add3A = arith.constant 25 : i32
    %add3A_0 = arith.addi %add3A, %arg0 : i32
    %c0_i32 = arith.constant 0 : i32
    %c0_i32_1 = arith.constant 0 : i32
    return %add3A_0, %c0_i32 : i32, i32
  }
}

module attributes {stable_mosaic.version = 14 : i64} {
  func.func @_ln_body_acc(%arg0: i32, %arg1: memref<8192x128xf32, #tpu.memory_space<vmem>>, %arg2: memref<1x128xf32, #tpu.memory_space<vmem>>, %arg3: memref<1x128xf32, #tpu.memory_space<vmem>>, %arg4: memref<819200x128xf32, #tpu.memory_space<any>>, %arg5: memref<8192x128xf32, #tpu.memory_space<vmem>>) attributes {dimension_semantics = [#tpu.dimension_semantics<arbitrary>], iteration_bounds = array<i64: 25>, scalar_prefetch = 0 : i64, scratch_operands = 0 : i64, tpu.core_type = #tpu.core_type<tc>, window_params = [{transform_indices = @transform_0, window_bounds = array<i64: 8192, 128>}, {pipeline_mode = #tpu.pipeline_mode<synchronous>, transform_indices = @transform_1, window_bounds = array<i64: 1, 128>}, {pipeline_mode = #tpu.pipeline_mode<synchronous>, transform_indices = @transform_2, window_bounds = array<i64: 1, 128>}, {}, {transform_indices = @transform_4, window_bounds = array<i64: 8192, 128>}]} {
    %get3A = arith.constant 0 : index
    %get3A_0 = arith.constant 0 : index
    %get3A_1 = vector.load %arg1[%get3A, %get3A_0] : memref<8192x128xf32, #tpu.memory_space<vmem>>, vector<8192x128xf32>
    %reduce_sum3A = arith.constant dense<0.000000e+00> : vector<8192xf32>
    %reduce_sum3A_2 = vector.multi_reduction <add>, %get3A_1, %reduce_sum3A [1] : vector<8192x128xf32> to vector<8192xf32>
    %broadcast_in_dim3A = vector.shape_cast %reduce_sum3A_2 : vector<8192xf32> to vector<8192x1xf32>
    %div3A = arith.constant 1.280000e+02 : f32
    %div3A_3 = vector.broadcast %div3A : f32 to vector<8192x1xf32>
    %div3A_4 = arith.divf %broadcast_in_dim3A, %div3A_3 : vector<8192x1xf32>
    %sub3A = vector.broadcast %div3A_4 : vector<8192x1xf32> to vector<8192x128xf32>
    %sub3A_5 = arith.subf %get3A_1, %sub3A : vector<8192x128xf32>
    %mul3A = arith.mulf %sub3A_5, %sub3A_5 : vector<8192x128xf32>
    %reduce_sum3A_6 = arith.constant dense<0.000000e+00> : vector<8192xf32>
    %reduce_sum3A_7 = vector.multi_reduction <add>, %mul3A, %reduce_sum3A_6 [1] : vector<8192x128xf32> to vector<8192xf32>
    %broadcast_in_dim3A_8 = vector.shape_cast %reduce_sum3A_7 : vector<8192xf32> to vector<8192x1xf32>
    %div3A_9 = arith.constant 1.280000e+02 : f32
    %div3A_10 = vector.broadcast %div3A_9 : f32 to vector<8192x1xf32>
    %div3A_11 = arith.divf %broadcast_in_dim3A_8, %div3A_10 : vector<8192x1xf32>
    %add3A = arith.constant 9.99999996E-13 : f32
    %add3A_12 = vector.broadcast %add3A : f32 to vector<8192x1xf32>
    %add3A_13 = arith.addf %div3A_11, %add3A_12 : vector<8192x1xf32>
    %rsqrt3A = math.rsqrt %add3A_13 : vector<8192x1xf32>
    %mul3A_14 = vector.broadcast %rsqrt3A : vector<8192x1xf32> to vector<8192x128xf32>
    %mul3A_15 = arith.mulf %sub3A_5, %mul3A_14 : vector<8192x128xf32>
    %get3A_16 = arith.constant 0 : index
    %get3A_17 = arith.constant 0 : index
    %get3A_18 = vector.load %arg2[%get3A_16, %get3A_17] : memref<1x128xf32, #tpu.memory_space<vmem>>, vector<1x128xf32>
    %mul3A_19 = vector.broadcast %get3A_18 : vector<1x128xf32> to vector<8192x128xf32>
    %mul3A_20 = arith.mulf %mul3A_15, %mul3A_19 : vector<8192x128xf32>
    %get3A_21 = arith.constant 0 : index
    %get3A_22 = arith.constant 0 : index
    %get3A_23 = vector.load %arg3[%get3A_21, %get3A_22] : memref<1x128xf32, #tpu.memory_space<vmem>>, vector<1x128xf32>
    %add3A_24 = vector.broadcast %get3A_23 : vector<1x128xf32> to vector<8192x128xf32>
    %add3A_25 = arith.addf %mul3A_20, %add3A_24 : vector<8192x128xf32>
    %swap3A = arith.constant 0 : index
    %swap3A_26 = arith.constant 0 : index
    %swap3A_27 = vector.load %arg5[%swap3A, %swap3A_26] : memref<8192x128xf32, #tpu.memory_space<vmem>>, vector<8192x128xf32>
    tpu.vector_store %arg5[%swap3A, %swap3A_26], %add3A_25 {strides = array<i32>} : memref<8192x128xf32, #tpu.memory_space<vmem>>, vector<8192x128xf32>,
    return
  }
  func.func @transform_0(%arg0: i32) -> (i32, i32) {
    %c0_i32 = arith.constant 0 : i32
    %c0_i32_0 = arith.constant 0 : i32
    return %arg0, %c0_i32 : i32, i32
  }
  func.func @transform_1(%arg0: i32) -> (i32, i32) {
    %c0_i32 = arith.constant 0 : i32
    %c0_i32_0 = arith.constant 0 : i32
    %c0_i32_1 = arith.constant 0 : i32
    return %c0_i32, %c0_i32_0 : i32, i32
  }
  func.func @transform_2(%arg0: i32) -> (i32, i32) {
    %c0_i32 = arith.constant 0 : i32
    %c0_i32_0 = arith.constant 0 : i32
    %c0_i32_1 = arith.constant 0 : i32
    return %c0_i32, %c0_i32_0 : i32, i32
  }
  func.func @transform_4(%arg0: i32) -> (i32, i32) {
    %add3A = arith.constant 50 : i32
    %add3A_0 = arith.addi %add3A, %arg0 : i32
    %c0_i32 = arith.constant 0 : i32
    %c0_i32_1 = arith.constant 0 : i32
    return %add3A_0, %c0_i32 : i32, i32
  }
}

module attributes {stable_mosaic.version = 14 : i64} {
  func.func @_ln_body_acc(%arg0: i32, %arg1: memref<8192x128xf32, #tpu.memory_space<vmem>>, %arg2: memref<1x128xf32, #tpu.memory_space<vmem>>, %arg3: memref<1x128xf32, #tpu.memory_space<vmem>>, %arg4: memref<819200x128xf32, #tpu.memory_space<any>>, %arg5: memref<8192x128xf32, #tpu.memory_space<vmem>>) attributes {dimension_semantics = [#tpu.dimension_semantics<arbitrary>], iteration_bounds = array<i64: 25>, scalar_prefetch = 0 : i64, scratch_operands = 0 : i64, tpu.core_type = #tpu.core_type<tc>, window_params = [{transform_indices = @transform_0, window_bounds = array<i64: 8192, 128>}, {pipeline_mode = #tpu.pipeline_mode<synchronous>, transform_indices = @transform_1, window_bounds = array<i64: 1, 128>}, {pipeline_mode = #tpu.pipeline_mode<synchronous>, transform_indices = @transform_2, window_bounds = array<i64: 1, 128>}, {}, {transform_indices = @transform_4, window_bounds = array<i64: 8192, 128>}]} {
    %get3A = arith.constant 0 : index
    %get3A_0 = arith.constant 0 : index
    %get3A_1 = vector.load %arg1[%get3A, %get3A_0] : memref<8192x128xf32, #tpu.memory_space<vmem>>, vector<8192x128xf32>
    %reduce_sum3A = arith.constant dense<0.000000e+00> : vector<8192xf32>
    %reduce_sum3A_2 = vector.multi_reduction <add>, %get3A_1, %reduce_sum3A [1] : vector<8192x128xf32> to vector<8192xf32>
    %broadcast_in_dim3A = vector.shape_cast %reduce_sum3A_2 : vector<8192xf32> to vector<8192x1xf32>
    %div3A = arith.constant 1.280000e+02 : f32
    %div3A_3 = vector.broadcast %div3A : f32 to vector<8192x1xf32>
    %div3A_4 = arith.divf %broadcast_in_dim3A, %div3A_3 : vector<8192x1xf32>
    %sub3A = vector.broadcast %div3A_4 : vector<8192x1xf32> to vector<8192x128xf32>
    %sub3A_5 = arith.subf %get3A_1, %sub3A : vector<8192x128xf32>
    %mul3A = arith.mulf %sub3A_5, %sub3A_5 : vector<8192x128xf32>
    %reduce_sum3A_6 = arith.constant dense<0.000000e+00> : vector<8192xf32>
    %reduce_sum3A_7 = vector.multi_reduction <add>, %mul3A, %reduce_sum3A_6 [1] : vector<8192x128xf32> to vector<8192xf32>
    %broadcast_in_dim3A_8 = vector.shape_cast %reduce_sum3A_7 : vector<8192xf32> to vector<8192x1xf32>
    %div3A_9 = arith.constant 1.280000e+02 : f32
    %div3A_10 = vector.broadcast %div3A_9 : f32 to vector<8192x1xf32>
    %div3A_11 = arith.divf %broadcast_in_dim3A_8, %div3A_10 : vector<8192x1xf32>
    %add3A = arith.constant 9.99999996E-13 : f32
    %add3A_12 = vector.broadcast %add3A : f32 to vector<8192x1xf32>
    %add3A_13 = arith.addf %div3A_11, %add3A_12 : vector<8192x1xf32>
    %rsqrt3A = math.rsqrt %add3A_13 : vector<8192x1xf32>
    %mul3A_14 = vector.broadcast %rsqrt3A : vector<8192x1xf32> to vector<8192x128xf32>
    %mul3A_15 = arith.mulf %sub3A_5, %mul3A_14 : vector<8192x128xf32>
    %get3A_16 = arith.constant 0 : index
    %get3A_17 = arith.constant 0 : index
    %get3A_18 = vector.load %arg2[%get3A_16, %get3A_17] : memref<1x128xf32, #tpu.memory_space<vmem>>, vector<1x128xf32>
    %mul3A_19 = vector.broadcast %get3A_18 : vector<1x128xf32> to vector<8192x128xf32>
    %mul3A_20 = arith.mulf %mul3A_15, %mul3A_19 : vector<8192x128xf32>
    %get3A_21 = arith.constant 0 : index
    %get3A_22 = arith.constant 0 : index
    %get3A_23 = vector.load %arg3[%get3A_21, %get3A_22] : memref<1x128xf32, #tpu.memory_space<vmem>>, vector<1x128xf32>
    %add3A_24 = vector.broadcast %get3A_23 : vector<1x128xf32> to vector<8192x128xf32>
    %add3A_25 = arith.addf %mul3A_20, %add3A_24 : vector<8192x128xf32>
    %swap3A = arith.constant 0 : index
    %swap3A_26 = arith.constant 0 : index
    %swap3A_27 = vector.load %arg5[%swap3A, %swap3A_26] : memref<8192x128xf32, #tpu.memory_space<vmem>>, vector<8192x128xf32>
    tpu.vector_store %arg5[%swap3A, %swap3A_26], %add3A_25 {strides = array<i32>} : memref<8192x128xf32, #tpu.memory_space<vmem>>, vector<8192x128xf32>,
    return
  }
  func.func @transform_0(%arg0: i32) -> (i32, i32) {
    %c0_i32 = arith.constant 0 : i32
    %c0_i32_0 = arith.constant 0 : i32
    return %arg0, %c0_i32 : i32, i32
  }
  func.func @transform_1(%arg0: i32) -> (i32, i32) {
    %c0_i32 = arith.constant 0 : i32
    %c0_i32_0 = arith.constant 0 : i32
    %c0_i32_1 = arith.constant 0 : i32
    return %c0_i32, %c0_i32_0 : i32, i32
  }
  func.func @transform_2(%arg0: i32) -> (i32, i32) {
    %c0_i32 = arith.constant 0 : i32
    %c0_i32_0 = arith.constant 0 : i32
    %c0_i32_1 = arith.constant 0 : i32
    return %c0_i32, %c0_i32_0 : i32, i32
  }
  func.func @transform_4(%arg0: i32) -> (i32, i32) {
    %add3A = arith.constant 75 : i32
    %add3A_0 = arith.addi %add3A, %arg0 : i32
    %c0_i32 = arith.constant 0 : i32
    %c0_i32_1 = arith.constant 0 : i32
    return %add3A_0, %c0_i32 : i32, i32
  }
}

</mosaic_0001>

<sc_bundles>
// kernel: kernel.10.cloned.1.call-start
scs
__scs_entry_jumppad:
0x0: {  	(pc) =	sbr.rel $0x88, $3  }
0x1: {  	(tag) =	ssettag $0x0;
	lr =	simm.s32 $0x1  }
0x2: {  	[smem:$0x3F9D] =	sst lr;
	_ =	strace $0xD0000000  }
0x3: {  	_ = 	snop  }
0x4: {  	_ = 	snop  }
0x5: {  	_ = 	snop  }
0x6: {  	_ = 	snop  }
0x7: {  	_ = 	snop  }
__scs_overlays_trampoline_lowered:
0x8: {  	[smem:$0x3FAC] =	sst s0  }
0x9: {  	[smem:$0x3FAD] =	sst s1  }
0xa: {  	[smem:$0x3FAE] =	sst s2  }
0xb: {  	[smem:$0x3FAF] =	sst s3  }
0xc: {  	[smem:$0x3FB0] =	sst s4  }
0xd: {  	[smem:$0x3FB1] =	sst s5  }
0xe: {  	[smem:$0x3FB2] =	sst s6  }
0xf: {  	[smem:$0x3FB3] =	sst s7  }
0x10: {  	[smem:$0x3FB4] =	sst s8  }
0x11: {  	[smem:$0x3FB5] =	sst s9;
	s0 =	simm.s32 @!p0 $0x0  }
0x12: {  	s1 =	sld [smem:$0x3F9B];
	s0 =	simm.s32 @p0 $0x1  }
0x13: {  	[smem:$0x3FB6] =	sst s0;
	s0 =	simm.s32 @!p1 $0x0  }
0x14: {  	s2 =	sld [smem:$0x3F9A];
	s0 =	simm.s32 @p1 $0x1  }
0x15: {  	[smem:$0x3FB7] =	sst s0;
	s0 =	simm.s32 @!p2 $0x0  }
0x16: {  	s3 =	sld [smem:$0x3FDB];
	s0 =	simm.s32 @p2 $0x1  }
0x17: {  	s4 =	simm.s32 $0x1BF5;
	[smem:$0x3FB9] =	sst s0  }
0x18: {  	s0 =	sld [smem:$0x3F9C];
	_ =	swait.ge [sflag:s4], $0x0  }
0x19: {  	s7 =	sld [smem:$0x3F9D]  }
0x1a: {  	s8 =	sadd.s32 $0xFFFFE003, lr  }
0x1b: {  	s9 =	sadd.s32 $0xFFFFFEF7, lr;
	s5 =	simm.s32 $0xFFFFFFFF;
	p2 =	slt.u32 s8, $0xFFFFF086  }
0x1c: {  	p1 =	slt.u32 s9, $0xF7A;
	s5 =	simm.s32 @!p2 $0x0  }
0x1d: {  	s5 =	simm.s32 @p1 $0x1;
	p0 =	seq.s32 s7, s2  }
0x1e: {  	s7 =	smul.u32 @!p0 $0xF7A, s2;
	p2 =	seq.s32 @!p0 s5, $0x0  }
0x1f: {  	s9 =	smul.u32 $0xF7A, s1;
	s8 =	simm.s32 @!p0 $0x1BF5;
	p2 =	por !p2, p0  }
0x20: {  	[sflag:s8] =	ssyncset.s32 @!p0 $0xFFFFF086;
	s6 =	sadd.s32 @!p0 s3, s7;
	s7 =	simm.s32 @!p0 $0x108  }
0x21: {  	s3 =	sadd.s32 s3, s9;
	s6 =	sadd.s32 @!p0 $0x88, s6;
	s7 =	simm.s32 @p2 $0x1082  }
0x22: {  	[simem:s7], [sflag:s8] =	dma.local @!p0 [hbm:s6], $0xF7A  }
0x23: {  	s9 =	sor.u32 $0xD0000000, s2;
	s6 =	simm.s32 $0x108;
	_ =	swait.ge @!p0 [sflag:s8], $0x0  }
0x24: {  	s3 =	sadd.s32 $0x88, s3;
	s6 =	simm.s32 @!p1 $0x1082;
	[sflag:s4] =	ssyncset.s32 $0xFFFFF086  }
0x25: {  	[simem:s6], [sflag:s4] =	dma.local [hbm:s3], $0xF7A  }
0x26: {  	[smem:$0x3F9D] =	sst s1;
	(tag) =	ssettag s2;
	_ =	strace s9  }
0x27: {  	s1 =	sld [smem:$0x3FAD]  }
0x28: {  	s2 =	sld [smem:$0x3FAE]  }
0x29: {  	s4 =	sld [smem:$0x3FB0]  }
0x2a: {  	p0 =	seq.s32 s5, $0x0;
	s5 =	sld [smem:$0x3FB1]  }
0x2b: {  	s6 =	sld [smem:$0x3FB2]  }
0x2c: {  	s7 =	sld [smem:$0x3FB3]  }
0x2d: {  	s3 =	simm.s32 $0x108;
	s8 =	sld [smem:$0x3FB4]  }
0x2e: {  	s3 =	simm.s32 @!p0 $0x1082;
	s9 =	sld [smem:$0x3FB5]  }
0x2f: {  	lr =	sadd.s32 s0, s3;
	s0 =	sld [smem:$0x3FAC]  }
0x30: {  	s3 =	sld [smem:$0x3FAF]  }
0x31: {  	[smem:$0x3FB8] =	sst s10  }
0x32: {  	s10 =	sld [smem:$0x3FB6];
	_ =	sdelay $0x3  }
0x33: {  	p0 =	seq.s32 s10, $0x1;
	s10 =	sld [smem:$0x3FB8];
	_ =	sdelay $0x3  }
0x34: {  	[smem:$0x3FB8] =	sst s10  }
0x35: {  	s10 =	sld [smem:$0x3FB7];
	_ =	sdelay $0x3  }
0x36: {  	p1 =	seq.s32 s10, $0x1;
	s10 =	sld [smem:$0x3FB8];
	_ =	sdelay $0x3  }
0x37: {  	[smem:$0x3FB8] =	sst s10  }
0x38: {  	s10 =	sld [smem:$0x3FB9]  }
0x39: {  	_ = 	snop;
	(pc) =	sbr.ind lr, $3  }
0x3a: {  	_ = 	snop  }
0x3b: {  	_ = 	snop  }
0x3c: {  	p2 =	seq.s32 s10, $0x1;
	s10 =	sld [smem:$0x3FB8]  }
0x3d: {  	_ =	shalt  }
0x3e: {  	_ =	shalt  }
0x3f: {  	_ =	shalt  }
0x40: {  	_ =	shalt  }
0x41: {  	_ =	shalt  }
0x42: {  	_ =	shalt  }
0x43: {  	_ =	shalt  }
0x44: {  	_ =	shalt  }
0x45: {  	_ =	shalt  }
0x46: {  	_ =	shalt  }
0x47: {  	_ =	shalt  }
0x48: {  	_ =	shalt  }
0x49: {  	_ =	shalt  }
0x4a: {  	_ =	shalt  }
0x4b: {  	_ =	shalt  }
0x4c: {  	_ =	shalt  }
0x4d: {  	_ =	shalt  }
0x4e: {  	_ =	shalt  }
0x4f: {  	_ =	shalt  }
0x50: {  	_ =	shalt  }
0x51: {  	_ =	shalt  }
0x52: {  	_ =	shalt  }
0x53: {  	_ =	shalt  }
0x54: {  	_ =	shalt  }
0x55: {  	_ =	shalt  }
0x56: {  	_ =	shalt  }
0x57: {  	_ =	shalt  }
0x58: {  	_ =	shalt  }
0x59: {  	_ =	shalt  }
0x5a: {  	_ =	shalt  }
0x5b: {  	_ =	shalt  }
0x5c: {  	_ =	shalt  }
0x5d: {  	_ =	shalt  }
0x5e: {  	_ =	shalt  }
0x5f: {  	_ =	shalt  }
0x60: {  	_ =	shalt  }
0x61: {  	_ =	shalt  }
0x62: {  	_ =	shalt  }
0x63: {  	_ =	shalt  }
0x64: {  	_ =	shalt  }
0x65: {  	_ =	shalt  }
0x66: {  	_ =	shalt  }
0x67: {  	_ =	shalt  }
0x68: {  	_ =	shalt  }
0x69: {  	_ =	shalt  }
0x6a: {  	_ =	shalt  }
0x6b: {  	_ =	shalt  }
0x6c: {  	_ =	shalt  }
0x6d: {  	_ =	shalt  }
0x6e: {  	_ =	shalt  }
0x6f: {  	_ =	shalt  }
0x70: {  	_ =	shalt  }
0x71: {  	_ =	shalt  }
0x72: {  	_ =	shalt  }
0x73: {  	_ =	shalt  }
0x74: {  	_ =	shalt  }
0x75: {  	_ =	shalt  }
0x76: {  	_ =	shalt  }
0x77: {  	_ =	shalt  }
0x78: {  	_ =	shalt  }
0x79: {  	_ =	shalt  }
0x7a: {  	_ =	shalt  }
0x7b: {  	_ =	shalt  }
0x7c: {  	_ =	shalt  }
0x7d: {  	_ =	shalt  }
0x7e: {  	_ =	shalt  }
0x7f: {  	_ =	shalt  }
0x80: {  	_ =	shalt  }
0x81: {  	_ =	shalt  }
0x82: {  	_ =	shalt  }
0x83: {  	_ =	shalt  }
0x84: {  	_ =	shalt  }
0x85: {  	_ =	shalt  }
0x86: {  	_ =	shalt  }
0x87: {  	_ =	shalt  }
.Lfunc_end0:
.L_simem_size_0:
called_computation_lowered:
.L_overlay_start_0:
0x88: {  	s2 =	sld [smem:$0x3FD9]  }
0x89: {  	s3 =	sld [smem:$0x3FFE];
	_ =	sdelay $0x1  }
0x8a: {  	s1 =	srdreg.scid  }
0x8b: {  	s0 =	sand.u32 $0x1, s1  }
0x8c: {  	s17 =	sshll.u32 s0, $0xA;
	s2 =	sadd.s32 s3, s2  }
0x8d: {  	s2 =	sadd.s32 s2, s17  }
0x8e: {  	[smem:$0x3FC4] =	sst s2  }
0x8f: {  	_ = 	snop  }
0x90: {  	s2 =	sld [smem:$0x3FC8]  }
0x91: {  	s18 =	sld [smem:$0x3FD0];
	(tm) =	ssettm $0x1  }
0x92: {  	s4 =	sld [smem:$0x3FFB];
	_ =	sdelay $0x3  }
0x93: {  	_ =	strace s4  }
0x94: {  	s4 =	sld [smem:$0x3FFC];
	_ =	sdelay $0x3  }
0x95: {  	_ =	strace s4  }
0x96: {  	s4 =	sld [smem:$0x3FFD];
	_ =	sdelay $0x3  }
0x97: {  	_ =	strace s4  }
0x98: {  	_ =	strace $0x8FFFFFFF  }
0x99: {  	s19 =	sld [smem:$0x3FDB];
	_ =	sdelay $0x1  }
0x9a: {  	s5 =	simm.s32 $_scs_section_size  }
0x9b: {  	s6 =	simm.s32 $_size__tile_overlayer_lowered;
	s7 =	simm.s32 $_tile_overlayer_lowered  }
0x9c: {  	s22 =	simm.s32 $0x1BFF;
	s21 =	sshll.u32 s7, $0x1;
	s4 =	sadd.s32 s5, s19  }
0x9d: {  	s8 =	simm.s32 $0x0;
	s20 =	sshll.u32 s6, $0x1;
	s6 =	sadd.s32 s21, s4  }
0x9e: {  	[timem:s8], [sflag:s22] =	dma.local [hbm:s6], s20  }
0x9f: {  	_ =	swait.ge [sflag:s22], s20  }
0xa0: {  	s5 =	ssub.s32 $0x0, s20;
	[sflag:s22] =	ssyncset.done $0x0  }
0xa1: {  	[sflag:s22] =	ssyncadd.s32 s5;
	_ =	sdelay $0x1  }
0xa2: {  	s23 =	simm.s32 $0x1B8B  }
0xa3: {  	_ =	swait.ge [sflag:s23], $0x1  }
0xa4: {  	[sflag:s23] =	ssyncset.done $0x0  }
0xa5: {  	s25 =	simm.s32 $0x1B8E;
	s24 =	sld [smem:$0x3FFE];
	[sflag:s23] =	ssyncadd.s32 $0xFFFFFFFF  }
0xa6: {  	s26 =	simm.s32 $execute0_lowered;
	[smem:$0x3FD2] =	sst s25  }
0xa7: {  	s6 =	sshll.u32 s26, $0x1;
	_ =	strace $0x80000046;
	[dreg:$0x1] =	wrdreg $0xFFFFFFFF  }
0xa8: {  	s28 =	simm.s32 $_size_execute0_lowered;
	s4 =	sadd.s32 s4, s6;
	[dreg:$0x0] =	wrdreg $0x0  }
0xa9: {  	s6 =	sshll.u32 s28, $0x1;
	[dreg:$0x2] =	wrdreg s4  }
0xaa: {  	[dreg:$0x3] =	wrdreg s6  }
0xab: {  	[dreg:$0x4] =	wrdreg $0xC0  }
0xac: {  	_ =	task [dreg:s8], $0x5FFFF  }
0xad: {  	[dreg:$0x1] =	wrdreg $0xFFFFFFFF  }
0xae: {  	[dreg:$0x0] =	wrdreg $0x60  }
0xaf: {  	[dreg:$0x2] =	wrdreg s18  }
0xb0: {  	[dreg:$0x3] =	wrdreg s2  }
0xb1: {  	[dreg:$0x4] =	wrdreg s24  }
0xb2: {  	[dreg:$0x5] =	wrdreg $0x9  }
0xb3: {  	_ =	task.clear_ibuf [dreg:s8], $0x6FFFF;
	_ =	strace $0x90000046  }
0xb4: {  	s29 =	simm.s32 $0x9;
	_ =	strace $0x80000048  }
0xb5: {  	_ =	swait.ge [sflag:s29], $0x1  }
0xb6: {  	[sflag:s29] =	ssyncadd.s32 $0xFFFFFFFF  }
0xb7: {  	_ =	strace $0x90000048  }
0xb8: {  	_ =	sfence  }
0xb9: {  	s30 =	sld [smem:$0x0];
	_ =	sdelay $0x2  }
0xba: {  	s31 =	sshll.u32 s1, $0xD;
	s1 =	sshrl.u32 s1, $0x2  }
0xbb: {  	s3 =	sand.u32 $0x4000, s31;
	s1 =	sadd.s32 s1, s30  }
0xbc: {  	s0 =	sor.u32 s3, s0;
	s1 =	sshll.u32 s1, $0x11  }
0xbd: {  	s0 =	sor.u32 s1, s0  }
0xbe: {  	s0 =	sadd.s32 $0x8F2B, s0  }
0xbf: {  	[sflag:s0] =	ssyncadd.remote.s32 $0x1  }
0xc0: {  	_ =	sfence.sel $0xFFFF  }
0xc1: {  	[dreg:$0x0] =	wrdreg $0xFFFFFFFF;
	(pc) =	sbr.abs _section_cstart, $3  }
0xc2: {  	[dreg:$0x1] =	wrdreg $0xFFFFFFFF  }
0xc3: {  	_ =	task.clear_ibuf [dreg:s8], $0x2FFFF;
	_ =	strace $0x9FFFFFFF  }
0xc4: {  	(tm) =	ssettm $0x7FFFFFFF  }
0xc5: {  	_ =	shalt  }
tec
execute0_lowered:
.L_overlay_start_1:
0x0: {  	(tag) =	ssettag $0x1  }
0x1: {  	s0 =	rddreg [dreg:$0x0]  }
0x2: {  	s2 =	rddreg [dreg:$0x1];
	s1 =	srdreg.scid  }
0x3: {  	s13 =	stileid.u32;
	s4 =	rddreg [dreg:$0x2]  }
0x4: {  	s3 =	simm.s32 $0x0;
	s14 =	simm.s32 $0x80;
	s15 =	simm.s32 $0x1900  }
0x5: {  	s16 =	simm.s32 $0x5900;
	s17 =	simm.s32 $0x1;
	s19 =	simm.s32 $0x9900  }
0x6: {  	s20 =	simm.s32 $0x2;
	s22 =	simm.s32 $0xD900;
	s23 =	simm.s32 $0x3  }
0x7: {  	s24 =	simm.s32 $0x5;
	s28 =	simm.s32 $0x7;
	s29 =	simm.s32 $0x8  }
0x8: {  	s1 =	sand.u32 $0x1, s1;
	s5 =	sshll.u32 s13, $0x1;
	s26 =	smul.u32 $0x32000, s13  }
0x9: {  	s5 =	sor.u32 s1, s5;
	s7 =	ssub.s32 $0x2, s1;
	s1 =	smul.u32 $0x19000, s1  }
0xa: {  	s31 =	simm.s32 $0x1880;
	[smem:$0x7FF] =	sst s3;
	s6 =	smul.u32 $0x1900, s5  }
0xb: {  	s11 =	sadd.s32 $0x1800, s4;
	s13 =	simm.s32 $0x9;
	s8 =	smul.u32 $0x19000, s5  }
0xc: {  	_ =	strace $0x80000047;
	s9 =	sshrl.u32 s7, $0x1;
	s10 =	smul.u32 $0xC8000, s5  }
0xd: {  	s12 =	ssub.s32 s7, s9;
	s6 =	sshrl.u32 s6, $0x3;
	s5 =	sadd.s32 s11, s8  }
0xe: {  	s25 =	sshrl.u32 s10, $0x3;
	s4 =	sadd.s32 s0, s6;
	s6 =	sadd.s32 $0x800, s5  }
0xf: {  	s0 =	sadd.s32 s11, s25;
	s11 =	sadd.s32 s26, s11;
	s25 =	simm.s32 $0x4  }
0x10: {  	s26 =	simm.s32 $0x6;
	s7 =	sadd.s32 $0x17000, s0;
	s8 =	sadd.s32 $0x17800, s0  }
0x11: {  	s9 =	sadd.s32 $0x18000, s0;
	s10 =	sadd.s32 $0x18800, s0;
	s30 =	sadd.s32 s1, s11  }
0x12: {  	s11 =	smax.u32 s12, $0x1;
	s1 =	simm.s32 $0x0;
	s12 =	sadd.s32 $0x1800, s30  }
.LBB2_1:
0x13: {  	[tilespmem:s3], [sflag:$0x9] =	stream.linear.gather [hbm4b:s4+s3], $0x1900, $0x38;
	[tilespmem:$0x11900] =	vst v63  }
0x14: {  	_ =	swait.ge [sflag:s13], $0x1900  }
0x15: {  	[sflag:s13] =	ssyncset.done $0x0  }
0x16: {  	[sflag:s13] =	ssyncadd.s32 $0xFFFFE700  }
0x17: {  	[tilespmem:s15], [sflag:$0x1] =	stream.indirect.gather [hbm4b:s2+s14], $0x80, s3, s14, $0xb8;
	[tilespmem:$0x11900] =	vst v63  }
0x18: {  	_ = 	snop  }
0x19: {  	[tilespmem:s16], [sflag:$0x2] =	stream.indirect.gather [hbm4b:s2+s14], $0x80, s14, s14, $0xb8;
	[tilespmem:$0x11900] =	vst v63  }
0x1a: {  	_ =	swait.ge [sflag:s17], $0x4000  }
0x1b: {  	[sflag:s17] =	ssyncset.done $0x0  }
0x1c: {  	[sflag:s17] =	ssyncadd.s32 $0xFFFFC000  }
0x1d: {  	[hbm4b:s5+s3] =	stream.linear.scatter [tilespmem:s15], [sflag:$0x5], $0x4000, $0x38;
	[tilespmem:$0x11900] =	vst v63  }
0x1e: {  	s0 =	simm.s32 $0x100  }
0x1f: {  	[tilespmem:s19], [sflag:$0x3] =	stream.indirect.gather [hbm4b:s2+s14], $0x80, s0, s14, $0xb8;
	[tilespmem:$0x11900] =	vst v63  }
0x20: {  	_ =	swait.ge [sflag:s20], $0x4000  }
0x21: {  	[sflag:s20] =	ssyncset.done $0x0  }
0x22: {  	[sflag:s20] =	ssyncadd.s32 $0xFFFFC000  }
0x23: {  	[hbm4b:s6+s3] =	stream.linear.scatter [tilespmem:s16], [sflag:$0x6], $0x4000, $0x38;
	[tilespmem:$0x11900] =	vst v63  }
0x24: {  	s30 =	simm.s32 $0x180  }
0x25: {  	[tilespmem:s22], [sflag:$0x4] =	stream.indirect.gather [hbm4b:s2+s14], $0x80, s30, s14, $0xb8;
	[tilespmem:$0x11900] =	vst v63  }
0x26: {  	_ =	swait.ge [sflag:s23], $0x4000  }
0x27: {  	[sflag:s23] =	ssyncset.done $0x0  }
0x28: {  	s18 =	sadd.s32 $0xFFFFF800, s12;
	[sflag:s23] =	ssyncadd.s32 $0xFFFFC000  }
0x29: {  	[hbm4b:s18+s3] =	stream.linear.scatter [tilespmem:s19], [sflag:$0x7], $0x4000, $0x38;
	[tilespmem:$0x11900] =	vst v63  }
0x2a: {  	_ =	swait.ge [sflag:s24], $0x4000  }
0x2b: {  	[sflag:s24] =	ssyncset.done $0x0  }
0x2c: {  	s21 =	simm.s32 $0x200;
	[sflag:s24] =	ssyncadd.s32 $0xFFFFC000  }
0x2d: {  	[tilespmem:s15], [sflag:$0x1] =	stream.indirect.gather [hbm4b:s2+s14], $0x80, s21, s14, $0xb8;
	[tilespmem:$0x11900] =	vst v63  }
0x2e: {  	_ =	swait.ge [sflag:s25], $0x4000  }
0x2f: {  	[sflag:s25] =	ssyncset.done $0x0  }
0x30: {  	[sflag:s25] =	ssyncadd.s32 $0xFFFFC000  }
0x31: {  	[hbm4b:s12+s3] =	stream.linear.scatter [tilespmem:s22], [sflag:$0x8], $0x4000, $0x38;
	[tilespmem:$0x11900] =	vst v63  }
0x32: {  	_ =	swait.ge [sflag:s26], $0x4000  }
0x33: {  	[sflag:s26] =	ssyncset.done $0x0  }
0x34: {  	s30 =	simm.s32 $0x280;
	[sflag:s26] =	ssyncadd.s32 $0xFFFFC000  }
0x35: {  	[tilespmem:s16], [sflag:$0x2] =	stream.indirect.gather [hbm4b:s2+s14], $0x80, s30, s14, $0xb8;
	[tilespmem:$0x11900] =	vst v63  }
0x36: {  	_ =	swait.ge [sflag:s17], $0x4000  }
0x37: {  	[sflag:s17] =	ssyncset.done $0x0  }
0x38: {  	s18 =	sadd.s32 $0x800, s12;
	[sflag:s17] =	ssyncadd.s32 $0xFFFFC000  }
0x39: {  	[hbm4b:s18+s3] =	stream.linear.scatter [tilespmem:s15], [sflag:$0x5], $0x4000, $0x38;
	[tilespmem:$0x11900] =	vst v63  }
0x3a: {  	_ =	swait.ge [sflag:s28], $0x4000  }
0x3b: {  	[sflag:s28] =	ssyncset.done $0x0  }
0x3c: {  	s21 =	simm.s32 $0x300;
	[sflag:s28] =	ssyncadd.s32 $0xFFFFC000  }
0x3d: {  	[tilespmem:s19], [sflag:$0x3] =	stream.indirect.gather [hbm4b:s2+s14], $0x80, s21, s14, $0xb8;
	[tilespmem:$0x11900] =	vst v63  }
0x3e: {  	_ =	swait.ge [sflag:s20], $0x4000  }
0x3f: {  	[sflag:s20] =	ssyncset.done $0x0  }
0x40: {  	s30 =	sadd.s32 $0x1000, s12;
	[sflag:s20] =	ssyncadd.s32 $0xFFFFC000  }
0x41: {  	[hbm4b:s30+s3] =	stream.linear.scatter [tilespmem:s16], [sflag:$0x6], $0x4000, $0x38;
	[tilespmem:$0x11900] =	vst v63  }
0x42: {  	_ =	swait.ge [sflag:s29], $0x4000  }
0x43: {  	s0 =	simm.s32 $0x800;
	[sflag:s29] =	ssyncset.done $0x0  }
0x44: {  	s18 =	sadd.s32 $0x2000, s12;
	s21 =	simm.s32 $0x380;
	[sflag:s29] =	ssyncadd.s32 $0xFFFFC000  }
.LBB2_2:
0x45: {  	[tilespmem:s22], [sflag:$0x4] =	stream.indirect.gather [hbm4b:s2+s14], $0x80, s21, s14, $0xb8;
	[tilespmem:$0x11900] =	vst v63  }
0x46: {  	s21 =	smov.u32 s0  }
0x47: {  	p0 =	sne.s32 s0, $0x5000;
	s0 =	sadd.s32 $0x800, s0;
	_ =	swait.ge [sflag:s23], $0x4000  }
0x48: {  	[sflag:s23] =	ssyncset.done $0x0  }
0x49: {  	s30 =	sadd.s32 $0xFFFFF800, s18;
	[sflag:s23] =	ssyncadd.s32 $0xFFFFC000  }
0x4a: {  	[hbm4b:s30+s3] =	stream.linear.scatter [tilespmem:s19], [sflag:$0x7], $0x4000, $0x38;
	[tilespmem:$0x11900] =	vst v63  }
0x4b: {  	_ =	swait.ge [sflag:s24], $0x4000  }
0x4c: {  	s21 =	sshra.s32 s21, $0x2;
	[sflag:s24] =	ssyncset.done $0x0  }
0x4d: {  	s30 =	sadd.s32 $0x200, s21;
	[sflag:s24] =	ssyncadd.s32 $0xFFFFC000  }
0x4e: {  	[tilespmem:s15], [sflag:$0x1] =	stream.indirect.gather [hbm4b:s2+s14], $0x80, s30, s14, $0xb8;
	[tilespmem:$0x11900] =	vst v63  }
0x4f: {  	_ =	swait.ge [sflag:s25], $0x4000  }
0x50: {  	[sflag:s25] =	ssyncset.done $0x0  }
0x51: {  	[sflag:s25] =	ssyncadd.s32 $0xFFFFC000  }
0x52: {  	[hbm4b:s18+s3] =	stream.linear.scatter [tilespmem:s22], [sflag:$0x8], $0x4000, $0x38;
	[tilespmem:$0x11900] =	vst v63  }
0x53: {  	_ =	swait.ge [sflag:s26], $0x4000  }
0x54: {  	[sflag:s26] =	ssyncset.done $0x0  }
0x55: {  	s30 =	sadd.s32 $0x280, s21;
	[sflag:s26] =	ssyncadd.s32 $0xFFFFC000  }
0x56: {  	[tilespmem:s16], [sflag:$0x2] =	stream.indirect.gather [hbm4b:s2+s14], $0x80, s30, s14, $0xb8;
	[tilespmem:$0x11900] =	vst v63  }
0x57: {  	_ =	swait.ge [sflag:s17], $0x4000  }
0x58: {  	[sflag:s17] =	ssyncset.done $0x0  }
0x59: {  	s30 =	sadd.s32 $0x800, s18;
	[sflag:s17] =	ssyncadd.s32 $0xFFFFC000  }
0x5a: {  	[hbm4b:s30+s3] =	stream.linear.scatter [tilespmem:s15], [sflag:$0x5], $0x4000, $0x38;
	[tilespmem:$0x11900] =	vst v63  }
0x5b: {  	_ =	swait.ge [sflag:s28], $0x4000  }
0x5c: {  	[sflag:s28] =	ssyncset.done $0x0  }
0x5d: {  	s30 =	sadd.s32 $0x300, s21;
	[sflag:s28] =	ssyncadd.s32 $0xFFFFC000  }
0x5e: {  	[tilespmem:s19], [sflag:$0x3] =	stream.indirect.gather [hbm4b:s2+s14], $0x80, s30, s14, $0xb8;
	[tilespmem:$0x11900] =	vst v63  }
0x5f: {  	_ =	swait.ge [sflag:s20], $0x4000  }
0x60: {  	[sflag:s20] =	ssyncset.done $0x0  }
.Ltmp0:
0x61: {  	s30 =	sadd.s32 $0x1000, s18;
	[sflag:s20] =	ssyncadd.s32 $0xFFFFC000;
	(pc) =	sbr.rel @p0 .LBB2_2-.Ltmp0, $4  }
0x62: {  	[hbm4b:s30+s3] =	stream.linear.scatter [tilespmem:s16], [sflag:$0x6], $0x4000, $0x38;
	[tilespmem:$0x11900] =	vst v63  }
0x63: {  	_ =	swait.ge [sflag:s29], $0x4000  }
0x64: {  	[sflag:s29] =	ssyncset.done $0x0  }
0x65: {  	s21 =	sadd.s32 $0x380, s21;
	s18 =	sadd.s32 $0x2000, s18;
	[sflag:s29] =	ssyncadd.s32 $0xFFFFC000  }
0x66: {  	[tilespmem:s22], [sflag:$0x4] =	stream.indirect.gather [hbm4b:s2+s14], $0x80, s21, s14, $0xb8;
	[tilespmem:$0x11900] =	vst v63  }
0x67: {  	_ =	swait.ge [sflag:s23], $0x4000  }
0x68: {  	[sflag:s23] =	ssyncset.done $0x0  }
0x69: {  	[sflag:s23] =	ssyncadd.s32 $0xFFFFC000  }
0x6a: {  	_ =	swait.ge [sflag:s24], $0x4000  }
0x6b: {  	[sflag:s24] =	ssyncset.done $0x0  }
0x6c: {  	s0 =	simm.s32 $0x1800;
	[sflag:s24] =	ssyncadd.s32 $0xFFFFC000  }
0x6d: {  	[tilespmem:s15], [sflag:$0x1] =	stream.indirect.gather [hbm4b:s2+s14], $0x80, s0, s14, $0xb8;
	[tilespmem:$0x11900] =	vst v63  }
0x6e: {  	_ = 	snop  }
0x6f: {  	[hbm4b:s7+s3] =	stream.linear.scatter [tilespmem:s19], [sflag:$0x7], $0x4000, $0x38;
	[tilespmem:$0x11900] =	vst v63  }
0x70: {  	_ =	swait.ge [sflag:s25], $0x4000  }
0x71: {  	[sflag:s25] =	ssyncset.done $0x0  }
0x72: {  	[sflag:s25] =	ssyncadd.s32 $0xFFFFC000  }
0x73: {  	_ =	swait.ge [sflag:s26], $0x4000  }
0x74: {  	[sflag:s26] =	ssyncset.done $0x0  }
0x75: {  	[sflag:s26] =	ssyncadd.s32 $0xFFFFC000  }
0x76: {  	[tilespmem:s16], [sflag:$0x2] =	stream.indirect.gather [hbm4b:s2+s14], $0x80, s31, s14, $0xb8;
	[tilespmem:$0x11900] =	vst v63  }
0x77: {  	_ = 	snop  }
0x78: {  	[hbm4b:s8+s3] =	stream.linear.scatter [tilespmem:s22], [sflag:$0x8], $0x4000, $0x38;
	[tilespmem:$0x11900] =	vst v63  }
0x79: {  	_ =	swait.ge [sflag:s17], $0x4000  }
0x7a: {  	[sflag:s17] =	ssyncset.done $0x0  }
0x7b: {  	[sflag:s17] =	ssyncadd.s32 $0xFFFFC000  }
0x7c: {  	_ =	swait.ge [sflag:s28], $0x4000  }
0x7d: {  	[sflag:s28] =	ssyncset.done $0x0  }
0x7e: {  	[sflag:s28] =	ssyncadd.s32 $0xFFFFC000  }
0x7f: {  	[hbm4b:s9+s3] =	stream.linear.scatter [tilespmem:s15], [sflag:$0x5], $0x4000, $0x38;
	[tilespmem:$0x11900] =	vst v63  }
0x80: {  	_ =	swait.ge [sflag:s20], $0x4000  }
0x81: {  	[sflag:s20] =	ssyncset.done $0x0  }
0x82: {  	[sflag:s20] =	ssyncadd.s32 $0xFFFFC000  }
0x83: {  	_ =	swait.ge [sflag:s29], $0x4000  }
0x84: {  	[sflag:s29] =	ssyncset.done $0x0  }
0x85: {  	s1 =	sadd.s32 $0x1, s1;
	[sflag:s29] =	ssyncadd.s32 $0xFFFFC000  }
0x86: {  	[hbm4b:s10+s3] =	stream.linear.scatter [tilespmem:s16], [sflag:$0x6], $0x4000, $0x38;
	[tilespmem:$0x11900] =	vst v63  }
0x87: {  	p0 =	sne.s32 s1, s11;
	_ =	swait.ge [sflag:s24], $0x4000  }
.Ltmp1:
0x88: {  	[sflag:s24] =	ssyncset.done $0x0;
	(pc) =	sbr.rel @p0 .LBB2_1-.Ltmp1, $4  }
0x89: {  	[sflag:s24] =	ssyncadd.s32 $0xFFFFC000  }
0x8a: {  	_ =	swait.ge [sflag:s26], $0x4000  }
0x8b: {  	[sflag:s26] =	ssyncset.done $0x0  }
0x8c: {  	[sflag:s26] =	ssyncadd.s32 $0xFFFFC000  }
0x8d: {  	_ =	sfence.sel $0x180000  }
0x8e: {  	[bflag:$0x0] =	sbarrier.arrive $0xFFFF  }
0x8f: {  	_ =	strace $0x90000047  }
0x90: {  	s0 =	stileid.u32;
	[bflag:$0x2] =	sbarrier.arrive $0xFFFF  }
0x91: {  	p0 =	sne.s32 s0, $0x0;
	s0 =	rddreg [dreg:$0x3]  }
0x92: {  	s0 =	sadd.s32 @!p0 $0x100000, s0  }
0x93: {  	[sflag:s0] =	ssyncadd.tile.s32 @!p0 $0x1;
	_ =	shalt  }
.Lfunc_end2:
_tile_overlayer_lowered:
.L_overlay_start_2:
0x94: {  	(tag) =	ssettag $0x2  }
0x95: {  	s0 =	rddreg [dreg:$0x0];
	s2 =	stileid.u32  }
0x96: {  	s1 =	rddreg [dreg:$0x1];
	p0 =	sne.s32 s2, $0x0  }
0x97: {  	s3 =	rddreg [dreg:$0x2];
	[bflag:$0x3] =	sbarrier.arrive $0xFFFF;
	s2 =	simm.s32 @!p0 $0x1C09  }
0x98: {  	[timem:s3], [sflag:s2] =	dma.local @!p0 [hbm:s0], s1  }
0x99: {  	s0 =	simm.s32 @!p0 $0x9  }
0x9a: {  	_ =	swait.ge @!p0 [sflag:s0], s1  }
0x9b: {  	s1 =	ssub.s32 @!p0 $0x0, s1;
	[sflag:s0] =	ssyncset.done @!p0 $0x0  }
0x9c: {  	[sflag:s0] =	ssyncadd.s32 @!p0 s1  }
0x9d: {  	[bflag:$0x3] =	sbarrier.arrive $0xFFFF  }
0x9e: {  	_ =	shalt  }

// kernel: kernel.13.cloned.1.call-start
scs
__scs_entry_jumppad:
0x0: {  	(pc) =	sbr.rel $0x88, $3  }
0x1: {  	(tag) =	ssettag $0x0;
	lr =	simm.s32 $0x1  }
0x2: {  	[smem:$0x3F9D] =	sst lr;
	_ =	strace $0xD0000000  }
0x3: {  	_ = 	snop  }
0x4: {  	_ = 	snop  }
0x5: {  	_ = 	snop  }
0x6: {  	_ = 	snop  }
0x7: {  	_ = 	snop  }
__scs_overlays_trampoline_lowered:
0x8: {  	[smem:$0x3FAC] =	sst s0  }
0x9: {  	[smem:$0x3FAD] =	sst s1  }
0xa: {  	[smem:$0x3FAE] =	sst s2  }
0xb: {  	[smem:$0x3FAF] =	sst s3  }
0xc: {  	[smem:$0x3FB0] =	sst s4  }
0xd: {  	[smem:$0x3FB1] =	sst s5  }
0xe: {  	[smem:$0x3FB2] =	sst s6  }
0xf: {  	[smem:$0x3FB3] =	sst s7  }
0x10: {  	[smem:$0x3FB4] =	sst s8  }
0x11: {  	[smem:$0x3FB5] =	sst s9;
	s0 =	simm.s32 @!p0 $0x0  }
0x12: {  	s1 =	sld [smem:$0x3F9B];
	s0 =	simm.s32 @p0 $0x1  }
0x13: {  	[smem:$0x3FB6] =	sst s0;
	s0 =	simm.s32 @!p1 $0x0  }
0x14: {  	s2 =	sld [smem:$0x3F9A];
	s0 =	simm.s32 @p1 $0x1  }
0x15: {  	[smem:$0x3FB7] =	sst s0;
	s0 =	simm.s32 @!p2 $0x0  }
0x16: {  	s3 =	sld [smem:$0x3FDB];
	s0 =	simm.s32 @p2 $0x1  }
0x17: {  	s4 =	simm.s32 $0x1BF5;
	[smem:$0x3FB9] =	sst s0  }
0x18: {  	s0 =	sld [smem:$0x3F9C];
	_ =	swait.ge [sflag:s4], $0x0  }
0x19: {  	s7 =	sld [smem:$0x3F9D]  }
0x1a: {  	s8 =	sadd.s32 $0xFFFFE003, lr  }
0x1b: {  	s9 =	sadd.s32 $0xFFFFFEF7, lr;
	s5 =	simm.s32 $0xFFFFFFFF;
	p2 =	slt.u32 s8, $0xFFFFF086  }
0x1c: {  	p1 =	slt.u32 s9, $0xF7A;
	s5 =	simm.s32 @!p2 $0x0  }
0x1d: {  	s5 =	simm.s32 @p1 $0x1;
	p0 =	seq.s32 s7, s2  }
0x1e: {  	s7 =	smul.u32 @!p0 $0xF7A, s2;
	p2 =	seq.s32 @!p0 s5, $0x0  }
0x1f: {  	s9 =	smul.u32 $0xF7A, s1;
	s8 =	simm.s32 @!p0 $0x1BF5;
	p2 =	por !p2, p0  }
0x20: {  	[sflag:s8] =	ssyncset.s32 @!p0 $0xFFFFF086;
	s6 =	sadd.s32 @!p0 s3, s7;
	s7 =	simm.s32 @!p0 $0x108  }
0x21: {  	s3 =	sadd.s32 s3, s9;
	s6 =	sadd.s32 @!p0 $0x88, s6;
	s7 =	simm.s32 @p2 $0x1082  }
0x22: {  	[simem:s7], [sflag:s8] =	dma.local @!p0 [hbm:s6], $0xF7A  }
0x23: {  	s9 =	sor.u32 $0xD0000000, s2;
	s6 =	simm.s32 $0x108;
	_ =	swait.ge @!p0 [sflag:s8], $0x0  }
0x24: {  	s3 =	sadd.s32 $0x88, s3;
	s6 =	simm.s32 @!p1 $0x1082;
	[sflag:s4] =	ssyncset.s32 $0xFFFFF086  }
0x25: {  	[simem:s6], [sflag:s4] =	dma.local [hbm:s3], $0xF7A  }
0x26: {  	[smem:$0x3F9D] =	sst s1;
	(tag) =	ssettag s2;
	_ =	strace s9  }
0x27: {  	s1 =	sld [smem:$0x3FAD]  }
0x28: {  	s2 =	sld [smem:$0x3FAE]  }
0x29: {  	s4 =	sld [smem:$0x3FB0]  }
0x2a: {  	p0 =	seq.s32 s5, $0x0;
	s5 =	sld [smem:$0x3FB1]  }
0x2b: {  	s6 =	sld [smem:$0x3FB2]  }
0x2c: {  	s7 =	sld [smem:$0x3FB3]  }
0x2d: {  	s3 =	simm.s32 $0x108;
	s8 =	sld [smem:$0x3FB4]  }
0x2e: {  	s3 =	simm.s32 @!p0 $0x1082;
	s9 =	sld [smem:$0x3FB5]  }
0x2f: {  	lr =	sadd.s32 s0, s3;
	s0 =	sld [smem:$0x3FAC]  }
0x30: {  	s3 =	sld [smem:$0x3FAF]  }
0x31: {  	[smem:$0x3FB8] =	sst s10  }
0x32: {  	s10 =	sld [smem:$0x3FB6];
	_ =	sdelay $0x3  }
0x33: {  	p0 =	seq.s32 s10, $0x1;
	s10 =	sld [smem:$0x3FB8];
	_ =	sdelay $0x3  }
0x34: {  	[smem:$0x3FB8] =	sst s10  }
0x35: {  	s10 =	sld [smem:$0x3FB7];
	_ =	sdelay $0x3  }
0x36: {  	p1 =	seq.s32 s10, $0x1;
	s10 =	sld [smem:$0x3FB8];
	_ =	sdelay $0x3  }
0x37: {  	[smem:$0x3FB8] =	sst s10  }
0x38: {  	s10 =	sld [smem:$0x3FB9]  }
0x39: {  	_ = 	snop;
	(pc) =	sbr.ind lr, $3  }
0x3a: {  	_ = 	snop  }
0x3b: {  	_ = 	snop  }
0x3c: {  	p2 =	seq.s32 s10, $0x1;
	s10 =	sld [smem:$0x3FB8]  }
0x3d: {  	_ =	shalt  }
0x3e: {  	_ =	shalt  }
0x3f: {  	_ =	shalt  }
0x40: {  	_ =	shalt  }
0x41: {  	_ =	shalt  }
0x42: {  	_ =	shalt  }
0x43: {  	_ =	shalt  }
0x44: {  	_ =	shalt  }
0x45: {  	_ =	shalt  }
0x46: {  	_ =	shalt  }
0x47: {  	_ =	shalt  }
0x48: {  	_ =	shalt  }
0x49: {  	_ =	shalt  }
0x4a: {  	_ =	shalt  }
0x4b: {  	_ =	shalt  }
0x4c: {  	_ =	shalt  }
0x4d: {  	_ =	shalt  }
0x4e: {  	_ =	shalt  }
0x4f: {  	_ =	shalt  }
0x50: {  	_ =	shalt  }
0x51: {  	_ =	shalt  }
0x52: {  	_ =	shalt  }
0x53: {  	_ =	shalt  }
0x54: {  	_ =	shalt  }
0x55: {  	_ =	shalt  }
0x56: {  	_ =	shalt  }
0x57: {  	_ =	shalt  }
0x58: {  	_ =	shalt  }
0x59: {  	_ =	shalt  }
0x5a: {  	_ =	shalt  }
0x5b: {  	_ =	shalt  }
0x5c: {  	_ =	shalt  }
0x5d: {  	_ =	shalt  }
0x5e: {  	_ =	shalt  }
0x5f: {  	_ =	shalt  }
0x60: {  	_ =	shalt  }
0x61: {  	_ =	shalt  }
0x62: {  	_ =	shalt  }
0x63: {  	_ =	shalt  }
0x64: {  	_ =	shalt  }
0x65: {  	_ =	shalt  }
0x66: {  	_ =	shalt  }
0x67: {  	_ =	shalt  }
0x68: {  	_ =	shalt  }
0x69: {  	_ =	shalt  }
0x6a: {  	_ =	shalt  }
0x6b: {  	_ =	shalt  }
0x6c: {  	_ =	shalt  }
0x6d: {  	_ =	shalt  }
0x6e: {  	_ =	shalt  }
0x6f: {  	_ =	shalt  }
0x70: {  	_ =	shalt  }
0x71: {  	_ =	shalt  }
0x72: {  	_ =	shalt  }
0x73: {  	_ =	shalt  }
0x74: {  	_ =	shalt  }
0x75: {  	_ =	shalt  }
0x76: {  	_ =	shalt  }
0x77: {  	_ =	shalt  }
0x78: {  	_ =	shalt  }
0x79: {  	_ =	shalt  }
0x7a: {  	_ =	shalt  }
0x7b: {  	_ =	shalt  }
0x7c: {  	_ =	shalt  }
0x7d: {  	_ =	shalt  }
0x7e: {  	_ =	shalt  }
0x7f: {  	_ =	shalt  }
0x80: {  	_ =	shalt  }
0x81: {  	_ =	shalt  }
0x82: {  	_ =	shalt  }
0x83: {  	_ =	shalt  }
0x84: {  	_ =	shalt  }
0x85: {  	_ =	shalt  }
0x86: {  	_ =	shalt  }
0x87: {  	_ =	shalt  }
.Lfunc_end0:
.L_simem_size_0:
called_computation.1_lowered:
.L_overlay_start_0:
0x88: {  	s2 =	sld [smem:$0x3FD9]  }
0x89: {  	s3 =	sld [smem:$0x3FFE];
	_ =	sdelay $0x1  }
0x8a: {  	s1 =	srdreg.scid  }
0x8b: {  	s0 =	sand.u32 $0x1, s1  }
0x8c: {  	s17 =	sshll.u32 s0, $0xA;
	s2 =	sadd.s32 s3, s2  }
0x8d: {  	s2 =	sadd.s32 s2, s17  }
0x8e: {  	[smem:$0x3FC4] =	sst s2  }
0x8f: {  	_ = 	snop  }
0x90: {  	s18 =	sld [smem:$0x3FC8];
	(tm) =	ssettm $0x1  }
0x91: {  	s19 =	sld [smem:$0x3FFB];
	_ =	sdelay $0x3  }
0x92: {  	_ =	strace s19  }
0x93: {  	s2 =	sld [smem:$0x3FFC];
	_ =	sdelay $0x3  }
0x94: {  	_ =	strace s2  }
0x95: {  	s2 =	sld [smem:$0x3FFD];
	_ =	sdelay $0x3  }
0x96: {  	_ =	strace s2  }
0x97: {  	_ =	strace $0x8FFFFFFF  }
0x98: {  	s20 =	sld [smem:$0x3FDB];
	_ =	sdelay $0x1  }
0x99: {  	s4 =	simm.s32 $_scs_section_size  }
0x9a: {  	s5 =	simm.s32 $_size__tile_overlayer_lowered;
	s6 =	simm.s32 $_tile_overlayer_lowered  }
0x9b: {  	s7 =	simm.s32 $0x1BFF;
	s21 =	sshll.u32 s6, $0x1;
	s4 =	sadd.s32 s4, s20  }
0x9c: {  	s22 =	simm.s32 $0x0;
	s5 =	sshll.u32 s5, $0x1;
	s6 =	sadd.s32 s21, s4  }
0x9d: {  	[timem:s22], [sflag:s7] =	dma.local [hbm:s6], s5  }
0x9e: {  	_ =	swait.ge [sflag:s7], s5  }
0x9f: {  	s5 =	ssub.s32 $0x0, s5;
	[sflag:s7] =	ssyncset.done $0x0  }
0xa0: {  	[sflag:s7] =	ssyncadd.s32 s5;
	_ =	sdelay $0x1  }
0xa1: {  	s23 =	simm.s32 $0x1B8B  }
0xa2: {  	_ =	swait.ge [sflag:s23], $0x1  }
0xa3: {  	[sflag:s23] =	ssyncset.done $0x0  }
0xa4: {  	[sflag:s23] =	ssyncadd.s32 $0xFFFFFFFF  }
0xa5: {  	s5 =	sld [smem:$0x0]  }
0xa6: {  	s6 =	sand.u32 $0xFFFFFFFE, s1  }
0xa7: {  	p0 =	sne.s32 s1, s6  }
0xa8: {  	s6 =	sshll.u32 @p0 s6, $0xE  }
0xa9: {  	s6 =	sadd.s32 @p0 $0x11B8D, s6;
	s7 =	sshll.u32 @p0 s5, $0x11  }
0xaa: {  	s6 =	sor.u32 @p0 s7, s6  }
0xab: {  	[sflag:s6] =	ssyncadd.remote.s32 @p0 $0x1;
	_ =	sdelay $0x1  }
0xac: {  	s6 =	simm.s32 @p0 $0x1B8D  }
0xad: {  	_ =	swait.eq @p0 [sflag:s6], $0x1  }
0xae: {  	[sflag:s6] =	ssyncadd.s32 @p0 $0xFFFFFFFF  }
0xaf: {  	s7 =	sshll.u32 @!p0 s1, $0xE  }
0xb0: {  	s7 =	sor.u32 @!p0 $0x4000, s7;
	s6 =	simm.s32 @!p0 $0x1B8D  }
0xb1: {  	s5 =	sshll.u32 @!p0 s5, $0x11;
	s7 =	sadd.s32 @!p0 $0x11B8D, s7;
	_ =	swait.eq @!p0 [sflag:s6], $0x1  }
0xb2: {  	s5 =	sor.u32 @!p0 s5, s7;
	[sflag:s6] =	ssyncadd.s32 @!p0 $0xFFFFFFFF  }
0xb3: {  	s25 =	simm.s32 $0x1B8E;
	s24 =	sld [smem:$0x3FFE];
	[sflag:s5] =	ssyncadd.remote.s32 @!p0 $0x1  }
0xb4: {  	s26 =	simm.s32 $execute0_lowered;
	[smem:$0x3FD2] =	sst s25  }
0xb5: {  	s6 =	sshll.u32 s26, $0x1;
	_ =	strace $0x80000049;
	[dreg:$0x1] =	wrdreg $0xFFFFFFFF  }
0xb6: {  	s28 =	simm.s32 $_size_execute0_lowered;
	s4 =	sadd.s32 s4, s6;
	[dreg:$0x0] =	wrdreg $0x0  }
0xb7: {  	s6 =	sshll.u32 s28, $0x1;
	[dreg:$0x2] =	wrdreg s4  }
0xb8: {  	[dreg:$0x3] =	wrdreg s6  }
0xb9: {  	[dreg:$0x4] =	wrdreg $0xC0  }
0xba: {  	_ =	task [dreg:s22], $0x5FFFF  }
0xbb: {  	[dreg:$0x1] =	wrdreg $0xFFFFFFFF  }
0xbc: {  	[dreg:$0x0] =	wrdreg $0x60  }
0xbd: {  	[dreg:$0x2] =	wrdreg s24  }
0xbe: {  	[dreg:$0x3] =	wrdreg s18  }
0xbf: {  	[dreg:$0x4] =	wrdreg $0xA  }
0xc0: {  	_ =	task.clear_ibuf [dreg:s22], $0x5FFFF;
	_ =	strace $0x90000049  }
0xc1: {  	s29 =	simm.s32 $0xA;
	_ =	strace $0x8000004B  }
0xc2: {  	_ =	swait.ge [sflag:s29], $0x1  }
0xc3: {  	[sflag:s29] =	ssyncadd.s32 $0xFFFFFFFF  }
0xc4: {  	_ =	strace $0x9000004B  }
0xc5: {  	_ =	sfence  }
0xc6: {  	s30 =	sld [smem:$0x0];
	_ =	sdelay $0x2  }
0xc7: {  	s31 =	sshll.u32 s1, $0xD;
	s1 =	sshrl.u32 s1, $0x2  }
0xc8: {  	s4 =	sand.u32 $0x4000, s31;
	s1 =	sadd.s32 s1, s30  }
0xc9: {  	s0 =	sor.u32 s4, s0;
	s1 =	sshll.u32 s1, $0x11  }
0xca: {  	s0 =	sor.u32 s1, s0  }
0xcb: {  	s0 =	sadd.s32 $0x8F2B, s0  }
0xcc: {  	[sflag:s0] =	ssyncadd.remote.s32 $0x1  }
0xcd: {  	_ =	sfence.sel $0xFFFF  }
0xce: {  	[dreg:$0x0] =	wrdreg $0xFFFFFFFF;
	(pc) =	sbr.abs _section_cstart, $3  }
0xcf: {  	[dreg:$0x1] =	wrdreg $0xFFFFFFFF  }
0xd0: {  	_ =	task.clear_ibuf [dreg:s22], $0x2FFFF;
	_ =	strace $0x9FFFFFFF  }
0xd1: {  	(tm) =	ssettm $0x7FFFFFFF  }
tec
execute0_lowered:
.L_overlay_start_1:
0x0: {  	(tag) =	ssettag $0x1  }
0x1: {  	s0 =	rddreg [dreg:$0x0];
	s1 =	srdreg.scid  }
0x2: {  	s10 =	stileid.u32;
	s2 =	rddreg [dreg:$0x1];
	s3 =	simm.s32 $0x0  }
0x3: {  	s13 =	simm.s32 $0x9;
	s14 =	simm.s32 $0x80;
	s15 =	simm.s32 $0x1900  }
0x4: {  	s16 =	simm.s32 $0x5900;
	s17 =	simm.s32 $0x1;
	s19 =	simm.s32 $0x9900  }
0x5: {  	s20 =	simm.s32 $0x2;
	s22 =	simm.s32 $0xD900;
	s23 =	simm.s32 $0x3  }
0x6: {  	s24 =	simm.s32 $0x5;
	s28 =	simm.s32 $0x7;
	s29 =	simm.s32 $0x8  }
0x7: {  	s1 =	sand.u32 $0x1, s1;
	s4 =	sshll.u32 s10, $0x1;
	s26 =	smul.u32 $0x32000, s10  }
0x8: {  	s4 =	sor.u32 s1, s4;
	s6 =	ssub.s32 $0x2, s1;
	s1 =	smul.u32 $0x19000, s1  }
0x9: {  	s31 =	simm.s32 $0x1880;
	[smem:$0x7FF] =	sst s3;
	s5 =	smul.u32 $0x1900, s4  }
0xa: {  	_ =	strace $0x8000004A;
	s8 =	sshrl.u32 s6, $0x1;
	s9 =	smul.u32 $0xC8000, s4  }
0xb: {  	s7 =	smul.u32 $0x19000, s4;
	s11 =	ssub.s32 s6, s8;
	s5 =	sshrl.u32 s5, $0x3  }
0xc: {  	s25 =	sshrl.u32 s9, $0x3;
	s5 =	sadd.s32 s5, s0;
	s0 =	sadd.s32 $0x334400, s0  }
0xd: {  	s11 =	smax.u32 s11, $0x1;
	s4 =	sadd.s32 $0x321800, s5;
	s5 =	sadd.s32 s0, s7  }
0xe: {  	s30 =	sadd.s32 s0, s25;
	s0 =	sadd.s32 s26, s0;
	s25 =	simm.s32 $0x4  }
0xf: {  	s26 =	simm.s32 $0x6;
	s6 =	sadd.s32 $0x800, s5;
	s7 =	sadd.s32 $0x17000, s30  }
0x10: {  	s8 =	sadd.s32 $0x17800, s30;
	s9 =	sadd.s32 $0x18000, s30;
	s0 =	sadd.s32 s1, s0  }
0x11: {  	s10 =	sadd.s32 $0x18800, s30;
	s1 =	simm.s32 $0x0;
	s12 =	sadd.s32 $0x1800, s0  }
.LBB2_1:
0x12: {  	[tilespmem:s3], [sflag:$0x9] =	stream.linear.gather [hbm4b:s4+s3], $0x1900, $0x38;
	[tilespmem:$0x11900] =	vst v63  }
0x13: {  	_ =	swait.ge [sflag:s13], $0x1900  }
0x14: {  	[sflag:s13] =	ssyncset.done $0x0  }
0x15: {  	[sflag:s13] =	ssyncadd.s32 $0xFFFFE700  }
0x16: {  	[tilespmem:s15], [sflag:$0x1] =	stream.indirect.gather [hbm4b:s2+s14], $0x80, s3, s14, $0xb8;
	[tilespmem:$0x11900] =	vst v63  }
0x17: {  	_ = 	snop  }
0x18: {  	[tilespmem:s16], [sflag:$0x2] =	stream.indirect.gather [hbm4b:s2+s14], $0x80, s14, s14, $0xb8;
	[tilespmem:$0x11900] =	vst v63  }
0x19: {  	_ =	swait.ge [sflag:s17], $0x4000  }
0x1a: {  	[sflag:s17] =	ssyncset.done $0x0  }
0x1b: {  	[sflag:s17] =	ssyncadd.s32 $0xFFFFC000  }
0x1c: {  	[hbm4b:s5+s3] =	stream.linear.scatter [tilespmem:s15], [sflag:$0x5], $0x4000, $0x38;
	[tilespmem:$0x11900] =	vst v63  }
0x1d: {  	s0 =	simm.s32 $0x100  }
0x1e: {  	[tilespmem:s19], [sflag:$0x3] =	stream.indirect.gather [hbm4b:s2+s14], $0x80, s0, s14, $0xb8;
	[tilespmem:$0x11900] =	vst v63  }
0x1f: {  	_ =	swait.ge [sflag:s20], $0x4000  }
0x20: {  	[sflag:s20] =	ssyncset.done $0x0  }
0x21: {  	[sflag:s20] =	ssyncadd.s32 $0xFFFFC000  }
0x22: {  	[hbm4b:s6+s3] =	stream.linear.scatter [tilespmem:s16], [sflag:$0x6], $0x4000, $0x38;
	[tilespmem:$0x11900] =	vst v63  }
0x23: {  	s30 =	simm.s32 $0x180  }
0x24: {  	[tilespmem:s22], [sflag:$0x4] =	stream.indirect.gather [hbm4b:s2+s14], $0x80, s30, s14, $0xb8;
	[tilespmem:$0x11900] =	vst v63  }
0x25: {  	_ =	swait.ge [sflag:s23], $0x4000  }
0x26: {  	[sflag:s23] =	ssyncset.done $0x0  }
0x27: {  	s18 =	sadd.s32 $0xFFFFF800, s12;
	[sflag:s23] =	ssyncadd.s32 $0xFFFFC000  }
0x28: {  	[hbm4b:s18+s3] =	stream.linear.scatter [tilespmem:s19], [sflag:$0x7], $0x4000, $0x38;
	[tilespmem:$0x11900] =	vst v63  }
0x29: {  	_ =	swait.ge [sflag:s24], $0x4000  }
0x2a: {  	[sflag:s24] =	ssyncset.done $0x0  }
0x2b: {  	s21 =	simm.s32 $0x200;
	[sflag:s24] =	ssyncadd.s32 $0xFFFFC000  }
0x2c: {  	[tilespmem:s15], [sflag:$0x1] =	stream.indirect.gather [hbm4b:s2+s14], $0x80, s21, s14, $0xb8;
	[tilespmem:$0x11900] =	vst v63  }
0x2d: {  	_ =	swait.ge [sflag:s25], $0x4000  }
0x2e: {  	[sflag:s25] =	ssyncset.done $0x0  }
0x2f: {  	[sflag:s25] =	ssyncadd.s32 $0xFFFFC000  }
0x30: {  	[hbm4b:s12+s3] =	stream.linear.scatter [tilespmem:s22], [sflag:$0x8], $0x4000, $0x38;
	[tilespmem:$0x11900] =	vst v63  }
0x31: {  	_ =	swait.ge [sflag:s26], $0x4000  }
0x32: {  	[sflag:s26] =	ssyncset.done $0x0  }
0x33: {  	s30 =	simm.s32 $0x280;
	[sflag:s26] =	ssyncadd.s32 $0xFFFFC000  }
0x34: {  	[tilespmem:s16], [sflag:$0x2] =	stream.indirect.gather [hbm4b:s2+s14], $0x80, s30, s14, $0xb8;
	[tilespmem:$0x11900] =	vst v63  }
0x35: {  	_ =	swait.ge [sflag:s17], $0x4000  }
0x36: {  	[sflag:s17] =	ssyncset.done $0x0  }
0x37: {  	s18 =	sadd.s32 $0x800, s12;
	[sflag:s17] =	ssyncadd.s32 $0xFFFFC000  }
0x38: {  	[hbm4b:s18+s3] =	stream.linear.scatter [tilespmem:s15], [sflag:$0x5], $0x4000, $0x38;
	[tilespmem:$0x11900] =	vst v63  }
0x39: {  	_ =	swait.ge [sflag:s28], $0x4000  }
0x3a: {  	[sflag:s28] =	ssyncset.done $0x0  }
0x3b: {  	s21 =	simm.s32 $0x300;
	[sflag:s28] =	ssyncadd.s32 $0xFFFFC000  }
0x3c: {  	[tilespmem:s19], [sflag:$0x3] =	stream.indirect.gather [hbm4b:s2+s14], $0x80, s21, s14, $0xb8;
	[tilespmem:$0x11900] =	vst v63  }
0x3d: {  	_ =	swait.ge [sflag:s20], $0x4000  }
0x3e: {  	[sflag:s20] =	ssyncset.done $0x0  }
0x3f: {  	s30 =	sadd.s32 $0x1000, s12;
	[sflag:s20] =	ssyncadd.s32 $0xFFFFC000  }
0x40: {  	[hbm4b:s30+s3] =	stream.linear.scatter [tilespmem:s16], [sflag:$0x6], $0x4000, $0x38;
	[tilespmem:$0x11900] =	vst v63  }
0x41: {  	_ =	swait.ge [sflag:s29], $0x4000  }
0x42: {  	s0 =	simm.s32 $0x800;
	[sflag:s29] =	ssyncset.done $0x0  }
0x43: {  	s18 =	sadd.s32 $0x2000, s12;
	s21 =	simm.s32 $0x380;
	[sflag:s29] =	ssyncadd.s32 $0xFFFFC000  }
.LBB2_2:
0x44: {  	[tilespmem:s22], [sflag:$0x4] =	stream.indirect.gather [hbm4b:s2+s14], $0x80, s21, s14, $0xb8;
	[tilespmem:$0x11900] =	vst v63  }
0x45: {  	s21 =	smov.u32 s0  }
0x46: {  	p0 =	sne.s32 s0, $0x5000;
	s0 =	sadd.s32 $0x800, s0;
	_ =	swait.ge [sflag:s23], $0x4000  }
0x47: {  	[sflag:s23] =	ssyncset.done $0x0  }
0x48: {  	s30 =	sadd.s32 $0xFFFFF800, s18;
	[sflag:s23] =	ssyncadd.s32 $0xFFFFC000  }
0x49: {  	[hbm4b:s30+s3] =	stream.linear.scatter [tilespmem:s19], [sflag:$0x7], $0x4000, $0x38;
	[tilespmem:$0x11900] =	vst v63  }
0x4a: {  	_ =	swait.ge [sflag:s24], $0x4000  }
0x4b: {  	s21 =	sshra.s32 s21, $0x2;
	[sflag:s24] =	ssyncset.done $0x0  }
0x4c: {  	s30 =	sadd.s32 $0x200, s21;
	[sflag:s24] =	ssyncadd.s32 $0xFFFFC000  }
0x4d: {  	[tilespmem:s15], [sflag:$0x1] =	stream.indirect.gather [hbm4b:s2+s14], $0x80, s30, s14, $0xb8;
	[tilespmem:$0x11900] =	vst v63  }
0x4e: {  	_ =	swait.ge [sflag:s25], $0x4000  }
0x4f: {  	[sflag:s25] =	ssyncset.done $0x0  }
0x50: {  	[sflag:s25] =	ssyncadd.s32 $0xFFFFC000  }
0x51: {  	[hbm4b:s18+s3] =	stream.linear.scatter [tilespmem:s22], [sflag:$0x8], $0x4000, $0x38;
	[tilespmem:$0x11900] =	vst v63  }
0x52: {  	_ =	swait.ge [sflag:s26], $0x4000  }
0x53: {  	[sflag:s26] =	ssyncset.done $0x0  }
0x54: {  	s30 =	sadd.s32 $0x280, s21;
	[sflag:s26] =	ssyncadd.s32 $0xFFFFC000  }
0x55: {  	[tilespmem:s16], [sflag:$0x2] =	stream.indirect.gather [hbm4b:s2+s14], $0x80, s30, s14, $0xb8;
	[tilespmem:$0x11900] =	vst v63  }
0x56: {  	_ =	swait.ge [sflag:s17], $0x4000  }
0x57: {  	[sflag:s17] =	ssyncset.done $0x0  }
0x58: {  	s30 =	sadd.s32 $0x800, s18;
	[sflag:s17] =	ssyncadd.s32 $0xFFFFC000  }
0x59: {  	[hbm4b:s30+s3] =	stream.linear.scatter [tilespmem:s15], [sflag:$0x5], $0x4000, $0x38;
	[tilespmem:$0x11900] =	vst v63  }
0x5a: {  	_ =	swait.ge [sflag:s28], $0x4000  }
0x5b: {  	[sflag:s28] =	ssyncset.done $0x0  }
0x5c: {  	s30 =	sadd.s32 $0x300, s21;
	[sflag:s28] =	ssyncadd.s32 $0xFFFFC000  }
0x5d: {  	[tilespmem:s19], [sflag:$0x3] =	stream.indirect.gather [hbm4b:s2+s14], $0x80, s30, s14, $0xb8;
	[tilespmem:$0x11900] =	vst v63  }
0x5e: {  	_ =	swait.ge [sflag:s20], $0x4000  }
0x5f: {  	[sflag:s20] =	ssyncset.done $0x0  }
.Ltmp0:
0x60: {  	s30 =	sadd.s32 $0x1000, s18;
	[sflag:s20] =	ssyncadd.s32 $0xFFFFC000;
	(pc) =	sbr.rel @p0 .LBB2_2-.Ltmp0, $4  }
0x61: {  	[hbm4b:s30+s3] =	stream.linear.scatter [tilespmem:s16], [sflag:$0x6], $0x4000, $0x38;
	[tilespmem:$0x11900] =	vst v63  }
0x62: {  	_ =	swait.ge [sflag:s29], $0x4000  }
0x63: {  	[sflag:s29] =	ssyncset.done $0x0  }
0x64: {  	s21 =	sadd.s32 $0x380, s21;
	s18 =	sadd.s32 $0x2000, s18;
	[sflag:s29] =	ssyncadd.s32 $0xFFFFC000  }
0x65: {  	[tilespmem:s22], [sflag:$0x4] =	stream.indirect.gather [hbm4b:s2+s14], $0x80, s21, s14, $0xb8;
	[tilespmem:$0x11900] =	vst v63  }
0x66: {  	_ =	swait.ge [sflag:s23], $0x4000  }
0x67: {  	[sflag:s23] =	ssyncset.done $0x0  }
0x68: {  	[sflag:s23] =	ssyncadd.s32 $0xFFFFC000  }
0x69: {  	_ =	swait.ge [sflag:s24], $0x4000  }
0x6a: {  	[sflag:s24] =	ssyncset.done $0x0  }
0x6b: {  	s0 =	simm.s32 $0x1800;
	[sflag:s24] =	ssyncadd.s32 $0xFFFFC000  }
0x6c: {  	[tilespmem:s15], [sflag:$0x1] =	stream.indirect.gather [hbm4b:s2+s14], $0x80, s0, s14, $0xb8;
	[tilespmem:$0x11900] =	vst v63  }
0x6d: {  	_ = 	snop  }
0x6e: {  	[hbm4b:s7+s3] =	stream.linear.scatter [tilespmem:s19], [sflag:$0x7], $0x4000, $0x38;
	[tilespmem:$0x11900] =	vst v63  }
0x6f: {  	_ =	swait.ge [sflag:s25], $0x4000  }
0x70: {  	[sflag:s25] =	ssyncset.done $0x0  }
0x71: {  	[sflag:s25] =	ssyncadd.s32 $0xFFFFC000  }
0x72: {  	_ =	swait.ge [sflag:s26], $0x4000  }
0x73: {  	[sflag:s26] =	ssyncset.done $0x0  }
0x74: {  	[sflag:s26] =	ssyncadd.s32 $0xFFFFC000  }
0x75: {  	[tilespmem:s16], [sflag:$0x2] =	stream.indirect.gather [hbm4b:s2+s14], $0x80, s31, s14, $0xb8;
	[tilespmem:$0x11900] =	vst v63  }
0x76: {  	_ = 	snop  }
0x77: {  	[hbm4b:s8+s3] =	stream.linear.scatter [tilespmem:s22], [sflag:$0x8], $0x4000, $0x38;
	[tilespmem:$0x11900] =	vst v63  }
0x78: {  	_ =	swait.ge [sflag:s17], $0x4000  }
0x79: {  	[sflag:s17] =	ssyncset.done $0x0  }
0x7a: {  	[sflag:s17] =	ssyncadd.s32 $0xFFFFC000  }
0x7b: {  	_ =	swait.ge [sflag:s28], $0x4000  }
0x7c: {  	[sflag:s28] =	ssyncset.done $0x0  }
0x7d: {  	[sflag:s28] =	ssyncadd.s32 $0xFFFFC000  }
0x7e: {  	[hbm4b:s9+s3] =	stream.linear.scatter [tilespmem:s15], [sflag:$0x5], $0x4000, $0x38;
	[tilespmem:$0x11900] =	vst v63  }
0x7f: {  	_ =	swait.ge [sflag:s20], $0x4000  }
0x80: {  	[sflag:s20] =	ssyncset.done $0x0  }
0x81: {  	[sflag:s20] =	ssyncadd.s32 $0xFFFFC000  }
0x82: {  	_ =	swait.ge [sflag:s29], $0x4000  }
0x83: {  	[sflag:s29] =	ssyncset.done $0x0  }
0x84: {  	s1 =	sadd.s32 $0x1, s1;
	[sflag:s29] =	ssyncadd.s32 $0xFFFFC000  }
0x85: {  	[hbm4b:s10+s3] =	stream.linear.scatter [tilespmem:s16], [sflag:$0x6], $0x4000, $0x38;
	[tilespmem:$0x11900] =	vst v63  }
0x86: {  	p0 =	sne.s32 s1, s11;
	_ =	swait.ge [sflag:s24], $0x4000  }
.Ltmp1:
0x87: {  	[sflag:s24] =	ssyncset.done $0x0;
	(pc) =	sbr.rel @p0 .LBB2_1-.Ltmp1, $4  }
0x88: {  	[sflag:s24] =	ssyncadd.s32 $0xFFFFC000  }
0x89: {  	_ =	swait.ge [sflag:s26], $0x4000  }
0x8a: {  	[sflag:s26] =	ssyncset.done $0x0  }
0x8b: {  	[sflag:s26] =	ssyncadd.s32 $0xFFFFC000  }
0x8c: {  	_ =	sfence.sel $0x180000  }
0x8d: {  	[bflag:$0x0] =	sbarrier.arrive $0xFFFF  }
0x8e: {  	_ =	strace $0x9000004A  }
0x8f: {  	s0 =	stileid.u32;
	[bflag:$0x2] =	sbarrier.arrive $0xFFFF  }
0x90: {  	p0 =	sne.s32 s0, $0x0;
	s0 =	rddreg [dreg:$0x2]  }
0x91: {  	s0 =	sadd.s32 @!p0 $0x100000, s0  }
0x92: {  	[sflag:s0] =	ssyncadd.tile.s32 @!p0 $0x1;
	_ =	shalt  }
.Lfunc_end2:
_tile_overlayer_lowered:
.L_overlay_start_2:
0x93: {  	(tag) =	ssettag $0x2  }
0x94: {  	s0 =	rddreg [dreg:$0x0];
	s2 =	stileid.u32  }
0x95: {  	s1 =	rddreg [dreg:$0x1];
	p0 =	sne.s32 s2, $0x0  }
0x96: {  	s3 =	rddreg [dreg:$0x2];
	[bflag:$0x3] =	sbarrier.arrive $0xFFFF;
	s2 =	simm.s32 @!p0 $0x1C09  }
0x97: {  	[timem:s3], [sflag:s2] =	dma.local @!p0 [hbm:s0], s1  }
0x98: {  	s0 =	simm.s32 @!p0 $0x9  }
0x99: {  	_ =	swait.ge @!p0 [sflag:s0], s1  }
0x9a: {  	s1 =	ssub.s32 @!p0 $0x0, s1;
	[sflag:s0] =	ssyncset.done @!p0 $0x0  }
0x9b: {  	[sflag:s0] =	ssyncadd.s32 @!p0 s1  }
0x9c: {  	[bflag:$0x3] =	sbarrier.arrive $0xFFFF  }
0x9d: {  	_ =	shalt  }

// kernel: kernel.16.cloned.1.call-start
scs
__scs_entry_jumppad:
0x0: {  	(pc) =	sbr.rel $0x88, $3  }
0x1: {  	(tag) =	ssettag $0x0;
	lr =	simm.s32 $0x1  }
0x2: {  	[smem:$0x3F9D] =	sst lr;
	_ =	strace $0xD0000000  }
0x3: {  	_ = 	snop  }
0x4: {  	_ = 	snop  }
0x5: {  	_ = 	snop  }
0x6: {  	_ = 	snop  }
0x7: {  	_ = 	snop  }
__scs_overlays_trampoline_lowered:
0x8: {  	[smem:$0x3FAC] =	sst s0  }
0x9: {  	[smem:$0x3FAD] =	sst s1  }
0xa: {  	[smem:$0x3FAE] =	sst s2  }
0xb: {  	[smem:$0x3FAF] =	sst s3  }
0xc: {  	[smem:$0x3FB0] =	sst s4  }
0xd: {  	[smem:$0x3FB1] =	sst s5  }
0xe: {  	[smem:$0x3FB2] =	sst s6  }
0xf: {  	[smem:$0x3FB3] =	sst s7  }
0x10: {  	[smem:$0x3FB4] =	sst s8  }
0x11: {  	[smem:$0x3FB5] =	sst s9;
	s0 =	simm.s32 @!p0 $0x0  }
0x12: {  	s1 =	sld [smem:$0x3F9B];
	s0 =	simm.s32 @p0 $0x1  }
0x13: {  	[smem:$0x3FB6] =	sst s0;
	s0 =	simm.s32 @!p1 $0x0  }
0x14: {  	s2 =	sld [smem:$0x3F9A];
	s0 =	simm.s32 @p1 $0x1  }
0x15: {  	[smem:$0x3FB7] =	sst s0;
	s0 =	simm.s32 @!p2 $0x0  }
0x16: {  	s3 =	sld [smem:$0x3FDB];
	s0 =	simm.s32 @p2 $0x1  }
0x17: {  	s4 =	simm.s32 $0x1BF5;
	[smem:$0x3FB9] =	sst s0  }
0x18: {  	s0 =	sld [smem:$0x3F9C];
	_ =	swait.ge [sflag:s4], $0x0  }
0x19: {  	s7 =	sld [smem:$0x3F9D]  }
0x1a: {  	s8 =	sadd.s32 $0xFFFFE003, lr  }
0x1b: {  	s9 =	sadd.s32 $0xFFFFFEF7, lr;
	s5 =	simm.s32 $0xFFFFFFFF;
	p2 =	slt.u32 s8, $0xFFFFF086  }
0x1c: {  	p1 =	slt.u32 s9, $0xF7A;
	s5 =	simm.s32 @!p2 $0x0  }
0x1d: {  	s5 =	simm.s32 @p1 $0x1;
	p0 =	seq.s32 s7, s2  }
0x1e: {  	s7 =	smul.u32 @!p0 $0xF7A, s2;
	p2 =	seq.s32 @!p0 s5, $0x0  }
0x1f: {  	s9 =	smul.u32 $0xF7A, s1;
	s8 =	simm.s32 @!p0 $0x1BF5;
	p2 =	por !p2, p0  }
0x20: {  	[sflag:s8] =	ssyncset.s32 @!p0 $0xFFFFF086;
	s6 =	sadd.s32 @!p0 s3, s7;
	s7 =	simm.s32 @!p0 $0x108  }
0x21: {  	s3 =	sadd.s32 s3, s9;
	s6 =	sadd.s32 @!p0 $0x88, s6;
	s7 =	simm.s32 @p2 $0x1082  }
0x22: {  	[simem:s7], [sflag:s8] =	dma.local @!p0 [hbm:s6], $0xF7A  }
0x23: {  	s9 =	sor.u32 $0xD0000000, s2;
	s6 =	simm.s32 $0x108;
	_ =	swait.ge @!p0 [sflag:s8], $0x0  }
0x24: {  	s3 =	sadd.s32 $0x88, s3;
	s6 =	simm.s32 @!p1 $0x1082;
	[sflag:s4] =	ssyncset.s32 $0xFFFFF086  }
0x25: {  	[simem:s6], [sflag:s4] =	dma.local [hbm:s3], $0xF7A  }
0x26: {  	[smem:$0x3F9D] =	sst s1;
	(tag) =	ssettag s2;
	_ =	strace s9  }
0x27: {  	s1 =	sld [smem:$0x3FAD]  }
0x28: {  	s2 =	sld [smem:$0x3FAE]  }
0x29: {  	s4 =	sld [smem:$0x3FB0]  }
0x2a: {  	p0 =	seq.s32 s5, $0x0;
	s5 =	sld [smem:$0x3FB1]  }
0x2b: {  	s6 =	sld [smem:$0x3FB2]  }
0x2c: {  	s7 =	sld [smem:$0x3FB3]  }
0x2d: {  	s3 =	simm.s32 $0x108;
	s8 =	sld [smem:$0x3FB4]  }
0x2e: {  	s3 =	simm.s32 @!p0 $0x1082;
	s9 =	sld [smem:$0x3FB5]  }
0x2f: {  	lr =	sadd.s32 s0, s3;
	s0 =	sld [smem:$0x3FAC]  }
0x30: {  	s3 =	sld [smem:$0x3FAF]  }
0x31: {  	[smem:$0x3FB8] =	sst s10  }
0x32: {  	s10 =	sld [smem:$0x3FB6];
	_ =	sdelay $0x3  }
0x33: {  	p0 =	seq.s32 s10, $0x1;
	s10 =	sld [smem:$0x3FB8];
	_ =	sdelay $0x3  }
0x34: {  	[smem:$0x3FB8] =	sst s10  }
0x35: {  	s10 =	sld [smem:$0x3FB7];
	_ =	sdelay $0x3  }
0x36: {  	p1 =	seq.s32 s10, $0x1;
	s10 =	sld [smem:$0x3FB8];
	_ =	sdelay $0x3  }
0x37: {  	[smem:$0x3FB8] =	sst s10  }
0x38: {  	s10 =	sld [smem:$0x3FB9]  }
0x39: {  	_ = 	snop;
	(pc) =	sbr.ind lr, $3  }
0x3a: {  	_ = 	snop  }
0x3b: {  	_ = 	snop  }
0x3c: {  	p2 =	seq.s32 s10, $0x1;
	s10 =	sld [smem:$0x3FB8]  }
0x3d: {  	_ =	shalt  }
0x3e: {  	_ =	shalt  }
0x3f: {  	_ =	shalt  }
0x40: {  	_ =	shalt  }
0x41: {  	_ =	shalt  }
0x42: {  	_ =	shalt  }
0x43: {  	_ =	shalt  }
0x44: {  	_ =	shalt  }
0x45: {  	_ =	shalt  }
0x46: {  	_ =	shalt  }
0x47: {  	_ =	shalt  }
0x48: {  	_ =	shalt  }
0x49: {  	_ =	shalt  }
0x4a: {  	_ =	shalt  }
0x4b: {  	_ =	shalt  }
0x4c: {  	_ =	shalt  }
0x4d: {  	_ =	shalt  }
0x4e: {  	_ =	shalt  }
0x4f: {  	_ =	shalt  }
0x50: {  	_ =	shalt  }
0x51: {  	_ =	shalt  }
0x52: {  	_ =	shalt  }
0x53: {  	_ =	shalt  }
0x54: {  	_ =	shalt  }
0x55: {  	_ =	shalt  }
0x56: {  	_ =	shalt  }
0x57: {  	_ =	shalt  }
0x58: {  	_ =	shalt  }
0x59: {  	_ =	shalt  }
0x5a: {  	_ =	shalt  }
0x5b: {  	_ =	shalt  }
0x5c: {  	_ =	shalt  }
0x5d: {  	_ =	shalt  }
0x5e: {  	_ =	shalt  }
0x5f: {  	_ =	shalt  }
0x60: {  	_ =	shalt  }
0x61: {  	_ =	shalt  }
0x62: {  	_ =	shalt  }
0x63: {  	_ =	shalt  }
0x64: {  	_ =	shalt  }
0x65: {  	_ =	shalt  }
0x66: {  	_ =	shalt  }
0x67: {  	_ =	shalt  }
0x68: {  	_ =	shalt  }
0x69: {  	_ =	shalt  }
0x6a: {  	_ =	shalt  }
0x6b: {  	_ =	shalt  }
0x6c: {  	_ =	shalt  }
0x6d: {  	_ =	shalt  }
0x6e: {  	_ =	shalt  }
0x6f: {  	_ =	shalt  }
0x70: {  	_ =	shalt  }
0x71: {  	_ =	shalt  }
0x72: {  	_ =	shalt  }
0x73: {  	_ =	shalt  }
0x74: {  	_ =	shalt  }
0x75: {  	_ =	shalt  }
0x76: {  	_ =	shalt  }
0x77: {  	_ =	shalt  }
0x78: {  	_ =	shalt  }
0x79: {  	_ =	shalt  }
0x7a: {  	_ =	shalt  }
0x7b: {  	_ =	shalt  }
0x7c: {  	_ =	shalt  }
0x7d: {  	_ =	shalt  }
0x7e: {  	_ =	shalt  }
0x7f: {  	_ =	shalt  }
0x80: {  	_ =	shalt  }
0x81: {  	_ =	shalt  }
0x82: {  	_ =	shalt  }
0x83: {  	_ =	shalt  }
0x84: {  	_ =	shalt  }
0x85: {  	_ =	shalt  }
0x86: {  	_ =	shalt  }
0x87: {  	_ =	shalt  }
.Lfunc_end0:
.L_simem_size_0:
called_computation.2_lowered:
.L_overlay_start_0:
0x88: {  	s2 =	sld [smem:$0x3FD9]  }
0x89: {  	s3 =	sld [smem:$0x3FFE];
	_ =	sdelay $0x1  }
0x8a: {  	s1 =	srdreg.scid  }
0x8b: {  	s0 =	sand.u32 $0x1, s1  }
0x8c: {  	s17 =	sshll.u32 s0, $0xA;
	s2 =	sadd.s32 s3, s2  }
0x8d: {  	s2 =	sadd.s32 s2, s17  }
0x8e: {  	[smem:$0x3FC4] =	sst s2  }
0x8f: {  	_ = 	snop  }
0x90: {  	s18 =	sld [smem:$0x3FC8];
	(tm) =	ssettm $0x1  }
0x91: {  	s19 =	sld [smem:$0x3FFB];
	_ =	sdelay $0x3  }
0x92: {  	_ =	strace s19  }
0x93: {  	s2 =	sld [smem:$0x3FFC];
	_ =	sdelay $0x3  }
0x94: {  	_ =	strace s2  }
0x95: {  	s2 =	sld [smem:$0x3FFD];
	_ =	sdelay $0x3  }
0x96: {  	_ =	strace s2  }
0x97: {  	_ =	strace $0x8FFFFFFF  }
0x98: {  	s20 =	sld [smem:$0x3FDB];
	_ =	sdelay $0x1  }
0x99: {  	s4 =	simm.s32 $_scs_section_size  }
0x9a: {  	s5 =	simm.s32 $_size__tile_overlayer_lowered;
	s6 =	simm.s32 $_tile_overlayer_lowered  }
0x9b: {  	s7 =	simm.s32 $0x1BFF;
	s21 =	sshll.u32 s6, $0x1;
	s4 =	sadd.s32 s4, s20  }
0x9c: {  	s22 =	simm.s32 $0x0;
	s5 =	sshll.u32 s5, $0x1;
	s6 =	sadd.s32 s21, s4  }
0x9d: {  	[timem:s22], [sflag:s7] =	dma.local [hbm:s6], s5  }
0x9e: {  	_ =	swait.ge [sflag:s7], s5  }
0x9f: {  	s5 =	ssub.s32 $0x0, s5;
	[sflag:s7] =	ssyncset.done $0x0  }
0xa0: {  	[sflag:s7] =	ssyncadd.s32 s5;
	_ =	sdelay $0x1  }
0xa1: {  	s23 =	simm.s32 $0x1B8B  }
0xa2: {  	_ =	swait.ge [sflag:s23], $0x1  }
0xa3: {  	[sflag:s23] =	ssyncset.done $0x0  }
0xa4: {  	[sflag:s23] =	ssyncadd.s32 $0xFFFFFFFF  }
0xa5: {  	s5 =	sld [smem:$0x0]  }
0xa6: {  	s6 =	sand.u32 $0xFFFFFFFE, s1  }
0xa7: {  	p0 =	sne.s32 s1, s6  }
0xa8: {  	s6 =	sshll.u32 @p0 s6, $0xE  }
0xa9: {  	s6 =	sadd.s32 @p0 $0x11B8D, s6;
	s7 =	sshll.u32 @p0 s5, $0x11  }
0xaa: {  	s6 =	sor.u32 @p0 s7, s6  }
0xab: {  	[sflag:s6] =	ssyncadd.remote.s32 @p0 $0x1;
	_ =	sdelay $0x1  }
0xac: {  	s6 =	simm.s32 @p0 $0x1B8D  }
0xad: {  	_ =	swait.eq @p0 [sflag:s6], $0x1  }
0xae: {  	[sflag:s6] =	ssyncadd.s32 @p0 $0xFFFFFFFF  }
0xaf: {  	s7 =	sshll.u32 @!p0 s1, $0xE  }
0xb0: {  	s7 =	sor.u32 @!p0 $0x4000, s7;
	s6 =	simm.s32 @!p0 $0x1B8D  }
0xb1: {  	s5 =	sshll.u32 @!p0 s5, $0x11;
	s7 =	sadd.s32 @!p0 $0x11B8D, s7;
	_ =	swait.eq @!p0 [sflag:s6], $0x1  }
0xb2: {  	s5 =	sor.u32 @!p0 s5, s7;
	[sflag:s6] =	ssyncadd.s32 @!p0 $0xFFFFFFFF  }
0xb3: {  	s25 =	simm.s32 $0x1B8E;
	s24 =	sld [smem:$0x3FFE];
	[sflag:s5] =	ssyncadd.remote.s32 @!p0 $0x1  }
0xb4: {  	s26 =	simm.s32 $execute0_lowered;
	[smem:$0x3FD2] =	sst s25  }
0xb5: {  	s6 =	sshll.u32 s26, $0x1;
	_ =	strace $0x8000004C;
	[dreg:$0x1] =	wrdreg $0xFFFFFFFF  }
0xb6: {  	s28 =	simm.s32 $_size_execute0_lowered;
	s4 =	sadd.s32 s4, s6;
	[dreg:$0x0] =	wrdreg $0x0  }
0xb7: {  	s6 =	sshll.u32 s28, $0x1;
	[dreg:$0x2] =	wrdreg s4  }
0xb8: {  	[dreg:$0x3] =	wrdreg s6  }
0xb9: {  	[dreg:$0x4] =	wrdreg $0xC0  }
0xba: {  	_ =	task [dreg:s22], $0x5FFFF  }
0xbb: {  	[dreg:$0x1] =	wrdreg $0xFFFFFFFF  }
0xbc: {  	[dreg:$0x0] =	wrdreg $0x60  }
0xbd: {  	[dreg:$0x2] =	wrdreg s24  }
0xbe: {  	[dreg:$0x3] =	wrdreg s18  }
0xbf: {  	[dreg:$0x4] =	wrdreg $0xB  }
0xc0: {  	_ =	task.clear_ibuf [dreg:s22], $0x5FFFF;
	_ =	strace $0x9000004C  }
0xc1: {  	s29 =	simm.s32 $0xB;
	_ =	strace $0x8000004E  }
0xc2: {  	_ =	swait.ge [sflag:s29], $0x1  }
0xc3: {  	[sflag:s29] =	ssyncadd.s32 $0xFFFFFFFF  }
0xc4: {  	_ =	strace $0x9000004E  }
0xc5: {  	_ =	sfence  }
0xc6: {  	s30 =	sld [smem:$0x0];
	_ =	sdelay $0x2  }
0xc7: {  	s31 =	sshll.u32 s1, $0xD;
	s1 =	sshrl.u32 s1, $0x2  }
0xc8: {  	s4 =	sand.u32 $0x4000, s31;
	s1 =	sadd.s32 s1, s30  }
0xc9: {  	s0 =	sor.u32 s4, s0;
	s1 =	sshll.u32 s1, $0x11  }
0xca: {  	s0 =	sor.u32 s1, s0  }
0xcb: {  	s0 =	sadd.s32 $0x8F2B, s0  }
0xcc: {  	[sflag:s0] =	ssyncadd.remote.s32 $0x1  }
0xcd: {  	_ =	sfence.sel $0xFFFF  }
0xce: {  	[dreg:$0x0] =	wrdreg $0xFFFFFFFF;
	(pc) =	sbr.abs _section_cstart, $3  }
0xcf: {  	[dreg:$0x1] =	wrdreg $0xFFFFFFFF  }
0xd0: {  	_ =	task.clear_ibuf [dreg:s22], $0x2FFFF;
	_ =	strace $0x9FFFFFFF  }
0xd1: {  	(tm) =	ssettm $0x7FFFFFFF  }
tec
execute0_lowered:
.L_overlay_start_1:
0x0: {  	(tag) =	ssettag $0x1  }
0x1: {  	s0 =	rddreg [dreg:$0x0];
	s1 =	srdreg.scid  }
0x2: {  	s10 =	stileid.u32;
	s2 =	rddreg [dreg:$0x1];
	s3 =	simm.s32 $0x0  }
0x3: {  	s13 =	simm.s32 $0x9;
	s14 =	simm.s32 $0x80;
	s15 =	simm.s32 $0x1900  }
0x4: {  	s16 =	simm.s32 $0x5900;
	s17 =	simm.s32 $0x1;
	s19 =	simm.s32 $0x9900  }
0x5: {  	s20 =	simm.s32 $0x2;
	s22 =	simm.s32 $0xD900;
	s23 =	simm.s32 $0x3  }
0x6: {  	s24 =	simm.s32 $0x5;
	s28 =	simm.s32 $0x7;
	s29 =	simm.s32 $0x8  }
0x7: {  	s1 =	sand.u32 $0x1, s1;
	s4 =	sshll.u32 s10, $0x1;
	s26 =	smul.u32 $0x32000, s10  }
0x8: {  	s4 =	sor.u32 s1, s4;
	s6 =	ssub.s32 $0x2, s1;
	s1 =	smul.u32 $0x19000, s1  }
0x9: {  	s31 =	simm.s32 $0x1880;
	[smem:$0x7FF] =	sst s3;
	s5 =	smul.u32 $0x1900, s4  }
0xa: {  	_ =	strace $0x8000004D;
	s8 =	sshrl.u32 s6, $0x1;
	s9 =	smul.u32 $0xC8000, s4  }
0xb: {  	s7 =	smul.u32 $0x19000, s4;
	s11 =	ssub.s32 s6, s8;
	s5 =	sshrl.u32 s5, $0x3  }
0xc: {  	s25 =	sshrl.u32 s9, $0x3;
	s5 =	sadd.s32 s5, s0;
	s0 =	sadd.s32 $0x654400, s0  }
0xd: {  	s11 =	smax.u32 s11, $0x1;
	s4 =	sadd.s32 $0x327C00, s5;
	s5 =	sadd.s32 s0, s7  }
0xe: {  	s30 =	sadd.s32 s0, s25;
	s0 =	sadd.s32 s26, s0;
	s25 =	simm.s32 $0x4  }
0xf: {  	s26 =	simm.s32 $0x6;
	s6 =	sadd.s32 $0x800, s5;
	s7 =	sadd.s32 $0x17000, s30  }
0x10: {  	s8 =	sadd.s32 $0x17800, s30;
	s9 =	sadd.s32 $0x18000, s30;
	s0 =	sadd.s32 s1, s0  }
0x11: {  	s10 =	sadd.s32 $0x18800, s30;
	s1 =	simm.s32 $0x0;
	s12 =	sadd.s32 $0x1800, s0  }
.LBB2_1:
0x12: {  	[tilespmem:s3], [sflag:$0x9] =	stream.linear.gather [hbm4b:s4+s3], $0x1900, $0x38;
	[tilespmem:$0x11900] =	vst v63  }
0x13: {  	_ =	swait.ge [sflag:s13], $0x1900  }
0x14: {  	[sflag:s13] =	ssyncset.done $0x0  }
0x15: {  	[sflag:s13] =	ssyncadd.s32 $0xFFFFE700  }
0x16: {  	[tilespmem:s15], [sflag:$0x1] =	stream.indirect.gather [hbm4b:s2+s14], $0x80, s3, s14, $0xb8;
	[tilespmem:$0x11900] =	vst v63  }
0x17: {  	_ = 	snop  }
0x18: {  	[tilespmem:s16], [sflag:$0x2] =	stream.indirect.gather [hbm4b:s2+s14], $0x80, s14, s14, $0xb8;
	[tilespmem:$0x11900] =	vst v63  }
0x19: {  	_ =	swait.ge [sflag:s17], $0x4000  }
0x1a: {  	[sflag:s17] =	ssyncset.done $0x0  }
0x1b: {  	[sflag:s17] =	ssyncadd.s32 $0xFFFFC000  }
0x1c: {  	[hbm4b:s5+s3] =	stream.linear.scatter [tilespmem:s15], [sflag:$0x5], $0x4000, $0x38;
	[tilespmem:$0x11900] =	vst v63  }
0x1d: {  	s0 =	simm.s32 $0x100  }
0x1e: {  	[tilespmem:s19], [sflag:$0x3] =	stream.indirect.gather [hbm4b:s2+s14], $0x80, s0, s14, $0xb8;
	[tilespmem:$0x11900] =	vst v63  }
0x1f: {  	_ =	swait.ge [sflag:s20], $0x4000  }
0x20: {  	[sflag:s20] =	ssyncset.done $0x0  }
0x21: {  	[sflag:s20] =	ssyncadd.s32 $0xFFFFC000  }
0x22: {  	[hbm4b:s6+s3] =	stream.linear.scatter [tilespmem:s16], [sflag:$0x6], $0x4000, $0x38;
	[tilespmem:$0x11900] =	vst v63  }
0x23: {  	s30 =	simm.s32 $0x180  }
0x24: {  	[tilespmem:s22], [sflag:$0x4] =	stream.indirect.gather [hbm4b:s2+s14], $0x80, s30, s14, $0xb8;
	[tilespmem:$0x11900] =	vst v63  }
0x25: {  	_ =	swait.ge [sflag:s23], $0x4000  }
0x26: {  	[sflag:s23] =	ssyncset.done $0x0  }
0x27: {  	s18 =	sadd.s32 $0xFFFFF800, s12;
	[sflag:s23] =	ssyncadd.s32 $0xFFFFC000  }
0x28: {  	[hbm4b:s18+s3] =	stream.linear.scatter [tilespmem:s19], [sflag:$0x7], $0x4000, $0x38;
	[tilespmem:$0x11900] =	vst v63  }
0x29: {  	_ =	swait.ge [sflag:s24], $0x4000  }
0x2a: {  	[sflag:s24] =	ssyncset.done $0x0  }
0x2b: {  	s21 =	simm.s32 $0x200;
	[sflag:s24] =	ssyncadd.s32 $0xFFFFC000  }
0x2c: {  	[tilespmem:s15], [sflag:$0x1] =	stream.indirect.gather [hbm4b:s2+s14], $0x80, s21, s14, $0xb8;
	[tilespmem:$0x11900] =	vst v63  }
0x2d: {  	_ =	swait.ge [sflag:s25], $0x4000  }
0x2e: {  	[sflag:s25] =	ssyncset.done $0x0  }
0x2f: {  	[sflag:s25] =	ssyncadd.s32 $0xFFFFC000  }
0x30: {  	[hbm4b:s12+s3] =	stream.linear.scatter [tilespmem:s22], [sflag:$0x8], $0x4000, $0x38;
	[tilespmem:$0x11900] =	vst v63  }
0x31: {  	_ =	swait.ge [sflag:s26], $0x4000  }
0x32: {  	[sflag:s26] =	ssyncset.done $0x0  }
0x33: {  	s30 =	simm.s32 $0x280;
	[sflag:s26] =	ssyncadd.s32 $0xFFFFC000  }
0x34: {  	[tilespmem:s16], [sflag:$0x2] =	stream.indirect.gather [hbm4b:s2+s14], $0x80, s30, s14, $0xb8;
	[tilespmem:$0x11900] =	vst v63  }
0x35: {  	_ =	swait.ge [sflag:s17], $0x4000  }
0x36: {  	[sflag:s17] =	ssyncset.done $0x0  }
0x37: {  	s18 =	sadd.s32 $0x800, s12;
	[sflag:s17] =	ssyncadd.s32 $0xFFFFC000  }
0x38: {  	[hbm4b:s18+s3] =	stream.linear.scatter [tilespmem:s15], [sflag:$0x5], $0x4000, $0x38;
	[tilespmem:$0x11900] =	vst v63  }
0x39: {  	_ =	swait.ge [sflag:s28], $0x4000  }
0x3a: {  	[sflag:s28] =	ssyncset.done $0x0  }
0x3b: {  	s21 =	simm.s32 $0x300;
	[sflag:s28] =	ssyncadd.s32 $0xFFFFC000  }
0x3c: {  	[tilespmem:s19], [sflag:$0x3] =	stream.indirect.gather [hbm4b:s2+s14], $0x80, s21, s14, $0xb8;
	[tilespmem:$0x11900] =	vst v63  }
0x3d: {  	_ =	swait.ge [sflag:s20], $0x4000  }
0x3e: {  	[sflag:s20] =	ssyncset.done $0x0  }
0x3f: {  	s30 =	sadd.s32 $0x1000, s12;
	[sflag:s20] =	ssyncadd.s32 $0xFFFFC000  }
0x40: {  	[hbm4b:s30+s3] =	stream.linear.scatter [tilespmem:s16], [sflag:$0x6], $0x4000, $0x38;
	[tilespmem:$0x11900] =	vst v63  }
0x41: {  	_ =	swait.ge [sflag:s29], $0x4000  }
0x42: {  	s0 =	simm.s32 $0x800;
	[sflag:s29] =	ssyncset.done $0x0  }
0x43: {  	s18 =	sadd.s32 $0x2000, s12;
	s21 =	simm.s32 $0x380;
	[sflag:s29] =	ssyncadd.s32 $0xFFFFC000  }
.LBB2_2:
0x44: {  	[tilespmem:s22], [sflag:$0x4] =	stream.indirect.gather [hbm4b:s2+s14], $0x80, s21, s14, $0xb8;
	[tilespmem:$0x11900] =	vst v63  }
0x45: {  	s21 =	smov.u32 s0  }
0x46: {  	p0 =	sne.s32 s0, $0x5000;
	s0 =	sadd.s32 $0x800, s0;
	_ =	swait.ge [sflag:s23], $0x4000  }
0x47: {  	[sflag:s23] =	ssyncset.done $0x0  }
0x48: {  	s30 =	sadd.s32 $0xFFFFF800, s18;
	[sflag:s23] =	ssyncadd.s32 $0xFFFFC000  }
0x49: {  	[hbm4b:s30+s3] =	stream.linear.scatter [tilespmem:s19], [sflag:$0x7], $0x4000, $0x38;
	[tilespmem:$0x11900] =	vst v63  }
0x4a: {  	_ =	swait.ge [sflag:s24], $0x4000  }
0x4b: {  	s21 =	sshra.s32 s21, $0x2;
	[sflag:s24] =	ssyncset.done $0x0  }
0x4c: {  	s30 =	sadd.s32 $0x200, s21;
	[sflag:s24] =	ssyncadd.s32 $0xFFFFC000  }
0x4d: {  	[tilespmem:s15], [sflag:$0x1] =	stream.indirect.gather [hbm4b:s2+s14], $0x80, s30, s14, $0xb8;
	[tilespmem:$0x11900] =	vst v63  }
0x4e: {  	_ =	swait.ge [sflag:s25], $0x4000  }
0x4f: {  	[sflag:s25] =	ssyncset.done $0x0  }
0x50: {  	[sflag:s25] =	ssyncadd.s32 $0xFFFFC000  }
0x51: {  	[hbm4b:s18+s3] =	stream.linear.scatter [tilespmem:s22], [sflag:$0x8], $0x4000, $0x38;
	[tilespmem:$0x11900] =	vst v63  }
0x52: {  	_ =	swait.ge [sflag:s26], $0x4000  }
0x53: {  	[sflag:s26] =	ssyncset.done $0x0  }
0x54: {  	s30 =	sadd.s32 $0x280, s21;
	[sflag:s26] =	ssyncadd.s32 $0xFFFFC000  }
0x55: {  	[tilespmem:s16], [sflag:$0x2] =	stream.indirect.gather [hbm4b:s2+s14], $0x80, s30, s14, $0xb8;
	[tilespmem:$0x11900] =	vst v63  }
0x56: {  	_ =	swait.ge [sflag:s17], $0x4000  }
0x57: {  	[sflag:s17] =	ssyncset.done $0x0  }
0x58: {  	s30 =	sadd.s32 $0x800, s18;
	[sflag:s17] =	ssyncadd.s32 $0xFFFFC000  }
0x59: {  	[hbm4b:s30+s3] =	stream.linear.scatter [tilespmem:s15], [sflag:$0x5], $0x4000, $0x38;
	[tilespmem:$0x11900] =	vst v63  }
0x5a: {  	_ =	swait.ge [sflag:s28], $0x4000  }
0x5b: {  	[sflag:s28] =	ssyncset.done $0x0  }
0x5c: {  	s30 =	sadd.s32 $0x300, s21;
	[sflag:s28] =	ssyncadd.s32 $0xFFFFC000  }
0x5d: {  	[tilespmem:s19], [sflag:$0x3] =	stream.indirect.gather [hbm4b:s2+s14], $0x80, s30, s14, $0xb8;
	[tilespmem:$0x11900] =	vst v63  }
0x5e: {  	_ =	swait.ge [sflag:s20], $0x4000  }
0x5f: {  	[sflag:s20] =	ssyncset.done $0x0  }
.Ltmp0:
0x60: {  	s30 =	sadd.s32 $0x1000, s18;
	[sflag:s20] =	ssyncadd.s32 $0xFFFFC000;
	(pc) =	sbr.rel @p0 .LBB2_2-.Ltmp0, $4  }
0x61: {  	[hbm4b:s30+s3] =	stream.linear.scatter [tilespmem:s16], [sflag:$0x6], $0x4000, $0x38;
	[tilespmem:$0x11900] =	vst v63  }
0x62: {  	_ =	swait.ge [sflag:s29], $0x4000  }
0x63: {  	[sflag:s29] =	ssyncset.done $0x0  }
0x64: {  	s21 =	sadd.s32 $0x380, s21;
	s18 =	sadd.s32 $0x2000, s18;
	[sflag:s29] =	ssyncadd.s32 $0xFFFFC000  }
0x65: {  	[tilespmem:s22], [sflag:$0x4] =	stream.indirect.gather [hbm4b:s2+s14], $0x80, s21, s14, $0xb8;
	[tilespmem:$0x11900] =	vst v63  }
0x66: {  	_ =	swait.ge [sflag:s23], $0x4000  }
0x67: {  	[sflag:s23] =	ssyncset.done $0x0  }
0x68: {  	[sflag:s23] =	ssyncadd.s32 $0xFFFFC000  }
0x69: {  	_ =	swait.ge [sflag:s24], $0x4000  }
0x6a: {  	[sflag:s24] =	ssyncset.done $0x0  }
0x6b: {  	s0 =	simm.s32 $0x1800;
	[sflag:s24] =	ssyncadd.s32 $0xFFFFC000  }
0x6c: {  	[tilespmem:s15], [sflag:$0x1] =	stream.indirect.gather [hbm4b:s2+s14], $0x80, s0, s14, $0xb8;
	[tilespmem:$0x11900] =	vst v63  }
0x6d: {  	_ = 	snop  }
0x6e: {  	[hbm4b:s7+s3] =	stream.linear.scatter [tilespmem:s19], [sflag:$0x7], $0x4000, $0x38;
	[tilespmem:$0x11900] =	vst v63  }
0x6f: {  	_ =	swait.ge [sflag:s25], $0x4000  }
0x70: {  	[sflag:s25] =	ssyncset.done $0x0  }
0x71: {  	[sflag:s25] =	ssyncadd.s32 $0xFFFFC000  }
0x72: {  	_ =	swait.ge [sflag:s26], $0x4000  }
0x73: {  	[sflag:s26] =	ssyncset.done $0x0  }
0x74: {  	[sflag:s26] =	ssyncadd.s32 $0xFFFFC000  }
0x75: {  	[tilespmem:s16], [sflag:$0x2] =	stream.indirect.gather [hbm4b:s2+s14], $0x80, s31, s14, $0xb8;
	[tilespmem:$0x11900] =	vst v63  }
0x76: {  	_ = 	snop  }
0x77: {  	[hbm4b:s8+s3] =	stream.linear.scatter [tilespmem:s22], [sflag:$0x8], $0x4000, $0x38;
	[tilespmem:$0x11900] =	vst v63  }
0x78: {  	_ =	swait.ge [sflag:s17], $0x4000  }
0x79: {  	[sflag:s17] =	ssyncset.done $0x0  }
0x7a: {  	[sflag:s17] =	ssyncadd.s32 $0xFFFFC000  }
0x7b: {  	_ =	swait.ge [sflag:s28], $0x4000  }
0x7c: {  	[sflag:s28] =	ssyncset.done $0x0  }
0x7d: {  	[sflag:s28] =	ssyncadd.s32 $0xFFFFC000  }
0x7e: {  	[hbm4b:s9+s3] =	stream.linear.scatter [tilespmem:s15], [sflag:$0x5], $0x4000, $0x38;
	[tilespmem:$0x11900] =	vst v63  }
0x7f: {  	_ =	swait.ge [sflag:s20], $0x4000  }
0x80: {  	[sflag:s20] =	ssyncset.done $0x0  }
0x81: {  	[sflag:s20] =	ssyncadd.s32 $0xFFFFC000  }
0x82: {  	_ =	swait.ge [sflag:s29], $0x4000  }
0x83: {  	[sflag:s29] =	ssyncset.done $0x0  }
0x84: {  	s1 =	sadd.s32 $0x1, s1;
	[sflag:s29] =	ssyncadd.s32 $0xFFFFC000  }
0x85: {  	[hbm4b:s10+s3] =	stream.linear.scatter [tilespmem:s16], [sflag:$0x6], $0x4000, $0x38;
	[tilespmem:$0x11900] =	vst v63  }
0x86: {  	p0 =	sne.s32 s1, s11;
	_ =	swait.ge [sflag:s24], $0x4000  }
.Ltmp1:
0x87: {  	[sflag:s24] =	ssyncset.done $0x0;
	(pc) =	sbr.rel @p0 .LBB2_1-.Ltmp1, $4  }
0x88: {  	[sflag:s24] =	ssyncadd.s32 $0xFFFFC000  }
0x89: {  	_ =	swait.ge [sflag:s26], $0x4000  }
0x8a: {  	[sflag:s26] =	ssyncset.done $0x0  }
0x8b: {  	[sflag:s26] =	ssyncadd.s32 $0xFFFFC000  }
0x8c: {  	_ =	sfence.sel $0x180000  }
0x8d: {  	[bflag:$0x0] =	sbarrier.arrive $0xFFFF  }
0x8e: {  	_ =	strace $0x9000004D  }
0x8f: {  	s0 =	stileid.u32;
	[bflag:$0x2] =	sbarrier.arrive $0xFFFF  }
0x90: {  	p0 =	sne.s32 s0, $0x0;
	s0 =	rddreg [dreg:$0x2]  }
0x91: {  	s0 =	sadd.s32 @!p0 $0x100000, s0  }
0x92: {  	[sflag:s0] =	ssyncadd.tile.s32 @!p0 $0x1;
	_ =	shalt  }
.Lfunc_end2:
_tile_overlayer_lowered:
.L_overlay_start_2:
0x93: {  	(tag) =	ssettag $0x2  }
0x94: {  	s0 =	rddreg [dreg:$0x0];
	s2 =	stileid.u32  }
0x95: {  	s1 =	rddreg [dreg:$0x1];
	p0 =	sne.s32 s2, $0x0  }
0x96: {  	s3 =	rddreg [dreg:$0x2];
	[bflag:$0x3] =	sbarrier.arrive $0xFFFF;
	s2 =	simm.s32 @!p0 $0x1C09  }
0x97: {  	[timem:s3], [sflag:s2] =	dma.local @!p0 [hbm:s0], s1  }
0x98: {  	s0 =	simm.s32 @!p0 $0x9  }
0x99: {  	_ =	swait.ge @!p0 [sflag:s0], s1  }
0x9a: {  	s1 =	ssub.s32 @!p0 $0x0, s1;
	[sflag:s0] =	ssyncset.done @!p0 $0x0  }
0x9b: {  	[sflag:s0] =	ssyncadd.s32 @!p0 s1  }
0x9c: {  	[bflag:$0x3] =	sbarrier.arrive $0xFFFF  }
0x9d: {  	_ =	shalt  }

// kernel: kernel.19.cloned.1.call-start
scs
__scs_entry_jumppad:
0x0: {  	(pc) =	sbr.rel $0x88, $3  }
0x1: {  	(tag) =	ssettag $0x0;
	lr =	simm.s32 $0x1  }
0x2: {  	[smem:$0x3F9D] =	sst lr;
	_ =	strace $0xD0000000  }
0x3: {  	_ = 	snop  }
0x4: {  	_ = 	snop  }
0x5: {  	_ = 	snop  }
0x6: {  	_ = 	snop  }
0x7: {  	_ = 	snop  }
__scs_overlays_trampoline_lowered:
0x8: {  	[smem:$0x3FAC] =	sst s0  }
0x9: {  	[smem:$0x3FAD] =	sst s1  }
0xa: {  	[smem:$0x3FAE] =	sst s2  }
0xb: {  	[smem:$0x3FAF] =	sst s3  }
0xc: {  	[smem:$0x3FB0] =	sst s4  }
0xd: {  	[smem:$0x3FB1] =	sst s5  }
0xe: {  	[smem:$0x3FB2] =	sst s6  }
0xf: {  	[smem:$0x3FB3] =	sst s7  }
0x10: {  	[smem:$0x3FB4] =	sst s8  }
0x11: {  	[smem:$0x3FB5] =	sst s9;
	s0 =	simm.s32 @!p0 $0x0  }
0x12: {  	s1 =	sld [smem:$0x3F9B];
	s0 =	simm.s32 @p0 $0x1  }
0x13: {  	[smem:$0x3FB6] =	sst s0;
	s0 =	simm.s32 @!p1 $0x0  }
0x14: {  	s2 =	sld [smem:$0x3F9A];
	s0 =	simm.s32 @p1 $0x1  }
0x15: {  	[smem:$0x3FB7] =	sst s0;
	s0 =	simm.s32 @!p2 $0x0  }
0x16: {  	s3 =	sld [smem:$0x3FDB];
	s0 =	simm.s32 @p2 $0x1  }
0x17: {  	s4 =	simm.s32 $0x1BF5;
	[smem:$0x3FB9] =	sst s0  }
0x18: {  	s0 =	sld [smem:$0x3F9C];
	_ =	swait.ge [sflag:s4], $0x0  }
0x19: {  	s7 =	sld [smem:$0x3F9D]  }
0x1a: {  	s8 =	sadd.s32 $0xFFFFE003, lr  }
0x1b: {  	s9 =	sadd.s32 $0xFFFFFEF7, lr;
	s5 =	simm.s32 $0xFFFFFFFF;
	p2 =	slt.u32 s8, $0xFFFFF086  }
0x1c: {  	p1 =	slt.u32 s9, $0xF7A;
	s5 =	simm.s32 @!p2 $0x0  }
0x1d: {  	s5 =	simm.s32 @p1 $0x1;
	p0 =	seq.s32 s7, s2  }
0x1e: {  	s7 =	smul.u32 @!p0 $0xF7A, s2;
	p2 =	seq.s32 @!p0 s5, $0x0  }
0x1f: {  	s9 =	smul.u32 $0xF7A, s1;
	s8 =	simm.s32 @!p0 $0x1BF5;
	p2 =	por !p2, p0  }
0x20: {  	[sflag:s8] =	ssyncset.s32 @!p0 $0xFFFFF086;
	s6 =	sadd.s32 @!p0 s3, s7;
	s7 =	simm.s32 @!p0 $0x108  }
0x21: {  	s3 =	sadd.s32 s3, s9;
	s6 =	sadd.s32 @!p0 $0x88, s6;
	s7 =	simm.s32 @p2 $0x1082  }
0x22: {  	[simem:s7], [sflag:s8] =	dma.local @!p0 [hbm:s6], $0xF7A  }
0x23: {  	s9 =	sor.u32 $0xD0000000, s2;
	s6 =	simm.s32 $0x108;
	_ =	swait.ge @!p0 [sflag:s8], $0x0  }
0x24: {  	s3 =	sadd.s32 $0x88, s3;
	s6 =	simm.s32 @!p1 $0x1082;
	[sflag:s4] =	ssyncset.s32 $0xFFFFF086  }
0x25: {  	[simem:s6], [sflag:s4] =	dma.local [hbm:s3], $0xF7A  }
0x26: {  	[smem:$0x3F9D] =	sst s1;
	(tag) =	ssettag s2;
	_ =	strace s9  }
0x27: {  	s1 =	sld [smem:$0x3FAD]  }
0x28: {  	s2 =	sld [smem:$0x3FAE]  }
0x29: {  	s4 =	sld [smem:$0x3FB0]  }
0x2a: {  	p0 =	seq.s32 s5, $0x0;
	s5 =	sld [smem:$0x3FB1]  }
0x2b: {  	s6 =	sld [smem:$0x3FB2]  }
0x2c: {  	s7 =	sld [smem:$0x3FB3]  }
0x2d: {  	s3 =	simm.s32 $0x108;
	s8 =	sld [smem:$0x3FB4]  }
0x2e: {  	s3 =	simm.s32 @!p0 $0x1082;
	s9 =	sld [smem:$0x3FB5]  }
0x2f: {  	lr =	sadd.s32 s0, s3;
	s0 =	sld [smem:$0x3FAC]  }
0x30: {  	s3 =	sld [smem:$0x3FAF]  }
0x31: {  	[smem:$0x3FB8] =	sst s10  }
0x32: {  	s10 =	sld [smem:$0x3FB6];
	_ =	sdelay $0x3  }
0x33: {  	p0 =	seq.s32 s10, $0x1;
	s10 =	sld [smem:$0x3FB8];
	_ =	sdelay $0x3  }
0x34: {  	[smem:$0x3FB8] =	sst s10  }
0x35: {  	s10 =	sld [smem:$0x3FB7];
	_ =	sdelay $0x3  }
0x36: {  	p1 =	seq.s32 s10, $0x1;
	s10 =	sld [smem:$0x3FB8];
	_ =	sdelay $0x3  }
0x37: {  	[smem:$0x3FB8] =	sst s10  }
0x38: {  	s10 =	sld [smem:$0x3FB9]  }
0x39: {  	_ = 	snop;
	(pc) =	sbr.ind lr, $3  }
0x3a: {  	_ = 	snop  }
0x3b: {  	_ = 	snop  }
0x3c: {  	p2 =	seq.s32 s10, $0x1;
	s10 =	sld [smem:$0x3FB8]  }
0x3d: {  	_ =	shalt  }
0x3e: {  	_ =	shalt  }
0x3f: {  	_ =	shalt  }
0x40: {  	_ =	shalt  }
0x41: {  	_ =	shalt  }
0x42: {  	_ =	shalt  }
0x43: {  	_ =	shalt  }
0x44: {  	_ =	shalt  }
0x45: {  	_ =	shalt  }
0x46: {  	_ =	shalt  }
0x47: {  	_ =	shalt  }
0x48: {  	_ =	shalt  }
0x49: {  	_ =	shalt  }
0x4a: {  	_ =	shalt  }
0x4b: {  	_ =	shalt  }
0x4c: {  	_ =	shalt  }
0x4d: {  	_ =	shalt  }
0x4e: {  	_ =	shalt  }
0x4f: {  	_ =	shalt  }
0x50: {  	_ =	shalt  }
0x51: {  	_ =	shalt  }
0x52: {  	_ =	shalt  }
0x53: {  	_ =	shalt  }
0x54: {  	_ =	shalt  }
0x55: {  	_ =	shalt  }
0x56: {  	_ =	shalt  }
0x57: {  	_ =	shalt  }
0x58: {  	_ =	shalt  }
0x59: {  	_ =	shalt  }
0x5a: {  	_ =	shalt  }
0x5b: {  	_ =	shalt  }
0x5c: {  	_ =	shalt  }
0x5d: {  	_ =	shalt  }
0x5e: {  	_ =	shalt  }
0x5f: {  	_ =	shalt  }
0x60: {  	_ =	shalt  }
0x61: {  	_ =	shalt  }
0x62: {  	_ =	shalt  }
0x63: {  	_ =	shalt  }
0x64: {  	_ =	shalt  }
0x65: {  	_ =	shalt  }
0x66: {  	_ =	shalt  }
0x67: {  	_ =	shalt  }
0x68: {  	_ =	shalt  }
0x69: {  	_ =	shalt  }
0x6a: {  	_ =	shalt  }
0x6b: {  	_ =	shalt  }
0x6c: {  	_ =	shalt  }
0x6d: {  	_ =	shalt  }
0x6e: {  	_ =	shalt  }
0x6f: {  	_ =	shalt  }
0x70: {  	_ =	shalt  }
0x71: {  	_ =	shalt  }
0x72: {  	_ =	shalt  }
0x73: {  	_ =	shalt  }
0x74: {  	_ =	shalt  }
0x75: {  	_ =	shalt  }
0x76: {  	_ =	shalt  }
0x77: {  	_ =	shalt  }
0x78: {  	_ =	shalt  }
0x79: {  	_ =	shalt  }
0x7a: {  	_ =	shalt  }
0x7b: {  	_ =	shalt  }
0x7c: {  	_ =	shalt  }
0x7d: {  	_ =	shalt  }
0x7e: {  	_ =	shalt  }
0x7f: {  	_ =	shalt  }
0x80: {  	_ =	shalt  }
0x81: {  	_ =	shalt  }
0x82: {  	_ =	shalt  }
0x83: {  	_ =	shalt  }
0x84: {  	_ =	shalt  }
0x85: {  	_ =	shalt  }
0x86: {  	_ =	shalt  }
0x87: {  	_ =	shalt  }
.Lfunc_end0:
.L_simem_size_0:
called_computation.3_lowered:
.L_overlay_start_0:
0x88: {  	s2 =	sld [smem:$0x3FD9]  }
0x89: {  	s3 =	sld [smem:$0x3FFE];
	_ =	sdelay $0x1  }
0x8a: {  	s1 =	srdreg.scid  }
0x8b: {  	s0 =	sand.u32 $0x1, s1  }
0x8c: {  	s17 =	sshll.u32 s0, $0xA;
	s2 =	sadd.s32 s3, s2  }
0x8d: {  	s2 =	sadd.s32 s2, s17  }
0x8e: {  	[smem:$0x3FC4] =	sst s2  }
0x8f: {  	_ = 	snop  }
0x90: {  	s18 =	sld [smem:$0x3FC8];
	(tm) =	ssettm $0x1  }
0x91: {  	s19 =	sld [smem:$0x3FFB];
	_ =	sdelay $0x3  }
0x92: {  	_ =	strace s19  }
0x93: {  	s2 =	sld [smem:$0x3FFC];
	_ =	sdelay $0x3  }
0x94: {  	_ =	strace s2  }
0x95: {  	s2 =	sld [smem:$0x3FFD];
	_ =	sdelay $0x3  }
0x96: {  	_ =	strace s2  }
0x97: {  	_ =	strace $0x8FFFFFFF  }
0x98: {  	s20 =	sld [smem:$0x3FDB];
	_ =	sdelay $0x1  }
0x99: {  	s4 =	simm.s32 $_scs_section_size  }
0x9a: {  	s5 =	simm.s32 $_size__tile_overlayer_lowered;
	s6 =	simm.s32 $_tile_overlayer_lowered  }
0x9b: {  	s7 =	simm.s32 $0x1BFF;
	s21 =	sshll.u32 s6, $0x1;
	s4 =	sadd.s32 s4, s20  }
0x9c: {  	s22 =	simm.s32 $0x0;
	s5 =	sshll.u32 s5, $0x1;
	s6 =	sadd.s32 s21, s4  }
0x9d: {  	[timem:s22], [sflag:s7] =	dma.local [hbm:s6], s5  }
0x9e: {  	_ =	swait.ge [sflag:s7], s5  }
0x9f: {  	s5 =	ssub.s32 $0x0, s5;
	[sflag:s7] =	ssyncset.done $0x0  }
0xa0: {  	[sflag:s7] =	ssyncadd.s32 s5;
	_ =	sdelay $0x1  }
0xa1: {  	s23 =	simm.s32 $0x1B8B  }
0xa2: {  	_ =	swait.ge [sflag:s23], $0x1  }
0xa3: {  	[sflag:s23] =	ssyncset.done $0x0  }
0xa4: {  	[sflag:s23] =	ssyncadd.s32 $0xFFFFFFFF  }
0xa5: {  	s5 =	sld [smem:$0x0]  }
0xa6: {  	s6 =	sand.u32 $0xFFFFFFFE, s1  }
0xa7: {  	p0 =	sne.s32 s1, s6  }
0xa8: {  	s6 =	sshll.u32 @p0 s6, $0xE  }
0xa9: {  	s6 =	sadd.s32 @p0 $0x11B8D, s6;
	s7 =	sshll.u32 @p0 s5, $0x11  }
0xaa: {  	s6 =	sor.u32 @p0 s7, s6  }
0xab: {  	[sflag:s6] =	ssyncadd.remote.s32 @p0 $0x1;
	_ =	sdelay $0x1  }
0xac: {  	s6 =	simm.s32 @p0 $0x1B8D  }
0xad: {  	_ =	swait.eq @p0 [sflag:s6], $0x1  }
0xae: {  	[sflag:s6] =	ssyncadd.s32 @p0 $0xFFFFFFFF  }
0xaf: {  	s7 =	sshll.u32 @!p0 s1, $0xE  }
0xb0: {  	s7 =	sor.u32 @!p0 $0x4000, s7;
	s6 =	simm.s32 @!p0 $0x1B8D  }
0xb1: {  	s5 =	sshll.u32 @!p0 s5, $0x11;
	s7 =	sadd.s32 @!p0 $0x11B8D, s7;
	_ =	swait.eq @!p0 [sflag:s6], $0x1  }
0xb2: {  	s5 =	sor.u32 @!p0 s5, s7;
	[sflag:s6] =	ssyncadd.s32 @!p0 $0xFFFFFFFF  }
0xb3: {  	s25 =	simm.s32 $0x1B8E;
	s24 =	sld [smem:$0x3FFE];
	[sflag:s5] =	ssyncadd.remote.s32 @!p0 $0x1  }
0xb4: {  	s26 =	simm.s32 $execute0_lowered;
	[smem:$0x3FD2] =	sst s25  }
0xb5: {  	s6 =	sshll.u32 s26, $0x1;
	_ =	strace $0x8000004F;
	[dreg:$0x1] =	wrdreg $0xFFFFFFFF  }
0xb6: {  	s28 =	simm.s32 $_size_execute0_lowered;
	s4 =	sadd.s32 s4, s6;
	[dreg:$0x0] =	wrdreg $0x0  }
0xb7: {  	s6 =	sshll.u32 s28, $0x1;
	[dreg:$0x2] =	wrdreg s4  }
0xb8: {  	[dreg:$0x3] =	wrdreg s6  }
0xb9: {  	[dreg:$0x4] =	wrdreg $0xC0  }
0xba: {  	_ =	task [dreg:s22], $0x5FFFF  }
0xbb: {  	[dreg:$0x1] =	wrdreg $0xFFFFFFFF  }
0xbc: {  	[dreg:$0x0] =	wrdreg $0x60  }
0xbd: {  	[dreg:$0x2] =	wrdreg s24  }
0xbe: {  	[dreg:$0x3] =	wrdreg s18  }
0xbf: {  	[dreg:$0x4] =	wrdreg $0xC  }
0xc0: {  	_ =	task.clear_ibuf [dreg:s22], $0x5FFFF;
	_ =	strace $0x9000004F  }
0xc1: {  	s29 =	simm.s32 $0xC;
	_ =	strace $0x80000051  }
0xc2: {  	_ =	swait.ge [sflag:s29], $0x1  }
0xc3: {  	[sflag:s29] =	ssyncadd.s32 $0xFFFFFFFF  }
0xc4: {  	_ =	strace $0x90000051  }
0xc5: {  	_ =	sfence  }
0xc6: {  	s30 =	sld [smem:$0x0];
	_ =	sdelay $0x2  }
0xc7: {  	s31 =	sshll.u32 s1, $0xD;
	s1 =	sshrl.u32 s1, $0x2  }
0xc8: {  	s4 =	sand.u32 $0x4000, s31;
	s1 =	sadd.s32 s1, s30  }
0xc9: {  	s0 =	sor.u32 s4, s0;
	s1 =	sshll.u32 s1, $0x11  }
0xca: {  	s0 =	sor.u32 s1, s0  }
0xcb: {  	s0 =	sadd.s32 $0x8F2B, s0  }
0xcc: {  	[sflag:s0] =	ssyncadd.remote.s32 $0x1  }
0xcd: {  	_ =	sfence.sel $0xFFFF  }
0xce: {  	[dreg:$0x0] =	wrdreg $0xFFFFFFFF;
	(pc) =	sbr.abs _section_cstart, $3  }
0xcf: {  	[dreg:$0x1] =	wrdreg $0xFFFFFFFF  }
0xd0: {  	_ =	task.clear_ibuf [dreg:s22], $0x2FFFF;
	_ =	strace $0x9FFFFFFF  }
0xd1: {  	(tm) =	ssettm $0x7FFFFFFF  }
tec
execute0_lowered:
.L_overlay_start_1:
0x0: {  	(tag) =	ssettag $0x1  }
0x1: {  	s0 =	rddreg [dreg:$0x0];
	s1 =	srdreg.scid  }
0x2: {  	s10 =	stileid.u32;
	s2 =	rddreg [dreg:$0x1];
	s3 =	simm.s32 $0x0  }
0x3: {  	s13 =	simm.s32 $0x9;
	s14 =	simm.s32 $0x80;
	s15 =	simm.s32 $0x1900  }
0x4: {  	s16 =	simm.s32 $0x5900;
	s17 =	simm.s32 $0x1;
	s19 =	simm.s32 $0x9900  }
0x5: {  	s20 =	simm.s32 $0x2;
	s22 =	simm.s32 $0xD900;
	s23 =	simm.s32 $0x3  }
0x6: {  	s24 =	simm.s32 $0x5;
	s28 =	simm.s32 $0x7;
	s29 =	simm.s32 $0x8  }
0x7: {  	s1 =	sand.u32 $0x1, s1;
	s4 =	sshll.u32 s10, $0x1;
	s26 =	smul.u32 $0x32000, s10  }
0x8: {  	s4 =	sor.u32 s1, s4;
	s6 =	ssub.s32 $0x2, s1;
	s1 =	smul.u32 $0x19000, s1  }
0x9: {  	s31 =	simm.s32 $0x1880;
	[smem:$0x7FF] =	sst s3;
	s5 =	smul.u32 $0x1900, s4  }
0xa: {  	_ =	strace $0x80000050;
	s8 =	sshrl.u32 s6, $0x1;
	s9 =	smul.u32 $0xC8000, s4  }
0xb: {  	s7 =	smul.u32 $0x19000, s4;
	s11 =	ssub.s32 s6, s8;
	s5 =	sshrl.u32 s5, $0x3  }
0xc: {  	s25 =	sshrl.u32 s9, $0x3;
	s5 =	sadd.s32 s5, s0;
	s0 =	sadd.s32 $0x974400, s0  }
0xd: {  	s11 =	smax.u32 s11, $0x1;
	s4 =	sadd.s32 $0x32E000, s5;
	s5 =	sadd.s32 s0, s7  }
0xe: {  	s30 =	sadd.s32 s0, s25;
	s0 =	sadd.s32 s26, s0;
	s25 =	simm.s32 $0x4  }
0xf: {  	s26 =	simm.s32 $0x6;
	s6 =	sadd.s32 $0x800, s5;
	s7 =	sadd.s32 $0x17000, s30  }
0x10: {  	s8 =	sadd.s32 $0x17800, s30;
	s9 =	sadd.s32 $0x18000, s30;
	s0 =	sadd.s32 s1, s0  }
0x11: {  	s10 =	sadd.s32 $0x18800, s30;
	s1 =	simm.s32 $0x0;
	s12 =	sadd.s32 $0x1800, s0  }
.LBB2_1:
0x12: {  	[tilespmem:s3], [sflag:$0x9] =	stream.linear.gather [hbm4b:s4+s3], $0x1900, $0x38;
	[tilespmem:$0x11900] =	vst v63  }
0x13: {  	_ =	swait.ge [sflag:s13], $0x1900  }
0x14: {  	[sflag:s13] =	ssyncset.done $0x0  }
0x15: {  	[sflag:s13] =	ssyncadd.s32 $0xFFFFE700  }
0x16: {  	[tilespmem:s15], [sflag:$0x1] =	stream.indirect.gather [hbm4b:s2+s14], $0x80, s3, s14, $0xb8;
	[tilespmem:$0x11900] =	vst v63  }
0x17: {  	_ = 	snop  }
0x18: {  	[tilespmem:s16], [sflag:$0x2] =	stream.indirect.gather [hbm4b:s2+s14], $0x80, s14, s14, $0xb8;
	[tilespmem:$0x11900] =	vst v63  }
0x19: {  	_ =	swait.ge [sflag:s17], $0x4000  }
0x1a: {  	[sflag:s17] =	ssyncset.done $0x0  }
0x1b: {  	[sflag:s17] =	ssyncadd.s32 $0xFFFFC000  }
0x1c: {  	[hbm4b:s5+s3] =	stream.linear.scatter [tilespmem:s15], [sflag:$0x5], $0x4000, $0x38;
	[tilespmem:$0x11900] =	vst v63  }
0x1d: {  	s0 =	simm.s32 $0x100  }
0x1e: {  	[tilespmem:s19], [sflag:$0x3] =	stream.indirect.gather [hbm4b:s2+s14], $0x80, s0, s14, $0xb8;
	[tilespmem:$0x11900] =	vst v63  }
0x1f: {  	_ =	swait.ge [sflag:s20], $0x4000  }
0x20: {  	[sflag:s20] =	ssyncset.done $0x0  }
0x21: {  	[sflag:s20] =	ssyncadd.s32 $0xFFFFC000  }
0x22: {  	[hbm4b:s6+s3] =	stream.linear.scatter [tilespmem:s16], [sflag:$0x6], $0x4000, $0x38;
	[tilespmem:$0x11900] =	vst v63  }
0x23: {  	s30 =	simm.s32 $0x180  }
0x24: {  	[tilespmem:s22], [sflag:$0x4] =	stream.indirect.gather [hbm4b:s2+s14], $0x80, s30, s14, $0xb8;
	[tilespmem:$0x11900] =	vst v63  }
0x25: {  	_ =	swait.ge [sflag:s23], $0x4000  }
0x26: {  	[sflag:s23] =	ssyncset.done $0x0  }
0x27: {  	s18 =	sadd.s32 $0xFFFFF800, s12;
	[sflag:s23] =	ssyncadd.s32 $0xFFFFC000  }
0x28: {  	[hbm4b:s18+s3] =	stream.linear.scatter [tilespmem:s19], [sflag:$0x7], $0x4000, $0x38;
	[tilespmem:$0x11900] =	vst v63  }
0x29: {  	_ =	swait.ge [sflag:s24], $0x4000  }
0x2a: {  	[sflag:s24] =	ssyncset.done $0x0  }
0x2b: {  	s21 =	simm.s32 $0x200;
	[sflag:s24] =	ssyncadd.s32 $0xFFFFC000  }
0x2c: {  	[tilespmem:s15], [sflag:$0x1] =	stream.indirect.gather [hbm4b:s2+s14], $0x80, s21, s14, $0xb8;
	[tilespmem:$0x11900] =	vst v63  }
0x2d: {  	_ =	swait.ge [sflag:s25], $0x4000  }
0x2e: {  	[sflag:s25] =	ssyncset.done $0x0  }
0x2f: {  	[sflag:s25] =	ssyncadd.s32 $0xFFFFC000  }
0x30: {  	[hbm4b:s12+s3] =	stream.linear.scatter [tilespmem:s22], [sflag:$0x8], $0x4000, $0x38;
	[tilespmem:$0x11900] =	vst v63  }
0x31: {  	_ =	swait.ge [sflag:s26], $0x4000  }
0x32: {  	[sflag:s26] =	ssyncset.done $0x0  }
0x33: {  	s30 =	simm.s32 $0x280;
	[sflag:s26] =	ssyncadd.s32 $0xFFFFC000  }
0x34: {  	[tilespmem:s16], [sflag:$0x2] =	stream.indirect.gather [hbm4b:s2+s14], $0x80, s30, s14, $0xb8;
	[tilespmem:$0x11900] =	vst v63  }
0x35: {  	_ =	swait.ge [sflag:s17], $0x4000  }
0x36: {  	[sflag:s17] =	ssyncset.done $0x0  }
0x37: {  	s18 =	sadd.s32 $0x800, s12;
	[sflag:s17] =	ssyncadd.s32 $0xFFFFC000  }
0x38: {  	[hbm4b:s18+s3] =	stream.linear.scatter [tilespmem:s15], [sflag:$0x5], $0x4000, $0x38;
	[tilespmem:$0x11900] =	vst v63  }
0x39: {  	_ =	swait.ge [sflag:s28], $0x4000  }
0x3a: {  	[sflag:s28] =	ssyncset.done $0x0  }
0x3b: {  	s21 =	simm.s32 $0x300;
	[sflag:s28] =	ssyncadd.s32 $0xFFFFC000  }
0x3c: {  	[tilespmem:s19], [sflag:$0x3] =	stream.indirect.gather [hbm4b:s2+s14], $0x80, s21, s14, $0xb8;
	[tilespmem:$0x11900] =	vst v63  }
0x3d: {  	_ =	swait.ge [sflag:s20], $0x4000  }
0x3e: {  	[sflag:s20] =	ssyncset.done $0x0  }
0x3f: {  	s30 =	sadd.s32 $0x1000, s12;
	[sflag:s20] =	ssyncadd.s32 $0xFFFFC000  }
0x40: {  	[hbm4b:s30+s3] =	stream.linear.scatter [tilespmem:s16], [sflag:$0x6], $0x4000, $0x38;
	[tilespmem:$0x11900] =	vst v63  }
0x41: {  	_ =	swait.ge [sflag:s29], $0x4000  }
0x42: {  	s0 =	simm.s32 $0x800;
	[sflag:s29] =	ssyncset.done $0x0  }
0x43: {  	s18 =	sadd.s32 $0x2000, s12;
	s21 =	simm.s32 $0x380;
	[sflag:s29] =	ssyncadd.s32 $0xFFFFC000  }
.LBB2_2:
0x44: {  	[tilespmem:s22], [sflag:$0x4] =	stream.indirect.gather [hbm4b:s2+s14], $0x80, s21, s14, $0xb8;
	[tilespmem:$0x11900] =	vst v63  }
0x45: {  	s21 =	smov.u32 s0  }
0x46: {  	p0 =	sne.s32 s0, $0x5000;
	s0 =	sadd.s32 $0x800, s0;
	_ =	swait.ge [sflag:s23], $0x4000  }
0x47: {  	[sflag:s23] =	ssyncset.done $0x0  }
0x48: {  	s30 =	sadd.s32 $0xFFFFF800, s18;
	[sflag:s23] =	ssyncadd.s32 $0xFFFFC000  }
0x49: {  	[hbm4b:s30+s3] =	stream.linear.scatter [tilespmem:s19], [sflag:$0x7], $0x4000, $0x38;
	[tilespmem:$0x11900] =	vst v63  }
0x4a: {  	_ =	swait.ge [sflag:s24], $0x4000  }
0x4b: {  	s21 =	sshra.s32 s21, $0x2;
	[sflag:s24] =	ssyncset.done $0x0  }
0x4c: {  	s30 =	sadd.s32 $0x200, s21;
	[sflag:s24] =	ssyncadd.s32 $0xFFFFC000  }
0x4d: {  	[tilespmem:s15], [sflag:$0x1] =	stream.indirect.gather [hbm4b:s2+s14], $0x80, s30, s14, $0xb8;
	[tilespmem:$0x11900] =	vst v63  }
0x4e: {  	_ =	swait.ge [sflag:s25], $0x4000  }
0x4f: {  	[sflag:s25] =	ssyncset.done $0x0  }
0x50: {  	[sflag:s25] =	ssyncadd.s32 $0xFFFFC000  }
0x51: {  	[hbm4b:s18+s3] =	stream.linear.scatter [tilespmem:s22], [sflag:$0x8], $0x4000, $0x38;
	[tilespmem:$0x11900] =	vst v63  }
0x52: {  	_ =	swait.ge [sflag:s26], $0x4000  }
0x53: {  	[sflag:s26] =	ssyncset.done $0x0  }
0x54: {  	s30 =	sadd.s32 $0x280, s21;
	[sflag:s26] =	ssyncadd.s32 $0xFFFFC000  }
0x55: {  	[tilespmem:s16], [sflag:$0x2] =	stream.indirect.gather [hbm4b:s2+s14], $0x80, s30, s14, $0xb8;
	[tilespmem:$0x11900] =	vst v63  }
0x56: {  	_ =	swait.ge [sflag:s17], $0x4000  }
0x57: {  	[sflag:s17] =	ssyncset.done $0x0  }
0x58: {  	s30 =	sadd.s32 $0x800, s18;
	[sflag:s17] =	ssyncadd.s32 $0xFFFFC000  }
0x59: {  	[hbm4b:s30+s3] =	stream.linear.scatter [tilespmem:s15], [sflag:$0x5], $0x4000, $0x38;
	[tilespmem:$0x11900] =	vst v63  }
0x5a: {  	_ =	swait.ge [sflag:s28], $0x4000  }
0x5b: {  	[sflag:s28] =	ssyncset.done $0x0  }
0x5c: {  	s30 =	sadd.s32 $0x300, s21;
	[sflag:s28] =	ssyncadd.s32 $0xFFFFC000  }
0x5d: {  	[tilespmem:s19], [sflag:$0x3] =	stream.indirect.gather [hbm4b:s2+s14], $0x80, s30, s14, $0xb8;
	[tilespmem:$0x11900] =	vst v63  }
0x5e: {  	_ =	swait.ge [sflag:s20], $0x4000  }
0x5f: {  	[sflag:s20] =	ssyncset.done $0x0  }
.Ltmp0:
0x60: {  	s30 =	sadd.s32 $0x1000, s18;
	[sflag:s20] =	ssyncadd.s32 $0xFFFFC000;
	(pc) =	sbr.rel @p0 .LBB2_2-.Ltmp0, $4  }
0x61: {  	[hbm4b:s30+s3] =	stream.linear.scatter [tilespmem:s16], [sflag:$0x6], $0x4000, $0x38;
	[tilespmem:$0x11900] =	vst v63  }
0x62: {  	_ =	swait.ge [sflag:s29], $0x4000  }
0x63: {  	[sflag:s29] =	ssyncset.done $0x0  }
0x64: {  	s21 =	sadd.s32 $0x380, s21;
	s18 =	sadd.s32 $0x2000, s18;
	[sflag:s29] =	ssyncadd.s32 $0xFFFFC000  }
0x65: {  	[tilespmem:s22], [sflag:$0x4] =	stream.indirect.gather [hbm4b:s2+s14], $0x80, s21, s14, $0xb8;
	[tilespmem:$0x11900] =	vst v63  }
0x66: {  	_ =	swait.ge [sflag:s23], $0x4000  }
0x67: {  	[sflag:s23] =	ssyncset.done $0x0  }
0x68: {  	[sflag:s23] =	ssyncadd.s32 $0xFFFFC000  }
0x69: {  	_ =	swait.ge [sflag:s24], $0x4000  }
0x6a: {  	[sflag:s24] =	ssyncset.done $0x0  }
0x6b: {  	s0 =	simm.s32 $0x1800;
	[sflag:s24] =	ssyncadd.s32 $0xFFFFC000  }
0x6c: {  	[tilespmem:s15], [sflag:$0x1] =	stream.indirect.gather [hbm4b:s2+s14], $0x80, s0, s14, $0xb8;
	[tilespmem:$0x11900] =	vst v63  }
0x6d: {  	_ = 	snop  }
0x6e: {  	[hbm4b:s7+s3] =	stream.linear.scatter [tilespmem:s19], [sflag:$0x7], $0x4000, $0x38;
	[tilespmem:$0x11900] =	vst v63  }
0x6f: {  	_ =	swait.ge [sflag:s25], $0x4000  }
0x70: {  	[sflag:s25] =	ssyncset.done $0x0  }
0x71: {  	[sflag:s25] =	ssyncadd.s32 $0xFFFFC000  }
0x72: {  	_ =	swait.ge [sflag:s26], $0x4000  }
0x73: {  	[sflag:s26] =	ssyncset.done $0x0  }
0x74: {  	[sflag:s26] =	ssyncadd.s32 $0xFFFFC000  }
0x75: {  	[tilespmem:s16], [sflag:$0x2] =	stream.indirect.gather [hbm4b:s2+s14], $0x80, s31, s14, $0xb8;
	[tilespmem:$0x11900] =	vst v63  }
0x76: {  	_ = 	snop  }
0x77: {  	[hbm4b:s8+s3] =	stream.linear.scatter [tilespmem:s22], [sflag:$0x8], $0x4000, $0x38;
	[tilespmem:$0x11900] =	vst v63  }
0x78: {  	_ =	swait.ge [sflag:s17], $0x4000  }
0x79: {  	[sflag:s17] =	ssyncset.done $0x0  }
0x7a: {  	[sflag:s17] =	ssyncadd.s32 $0xFFFFC000  }
0x7b: {  	_ =	swait.ge [sflag:s28], $0x4000  }
0x7c: {  	[sflag:s28] =	ssyncset.done $0x0  }
0x7d: {  	[sflag:s28] =	ssyncadd.s32 $0xFFFFC000  }
0x7e: {  	[hbm4b:s9+s3] =	stream.linear.scatter [tilespmem:s15], [sflag:$0x5], $0x4000, $0x38;
	[tilespmem:$0x11900] =	vst v63  }
0x7f: {  	_ =	swait.ge [sflag:s20], $0x4000  }
0x80: {  	[sflag:s20] =	ssyncset.done $0x0  }
0x81: {  	[sflag:s20] =	ssyncadd.s32 $0xFFFFC000  }
0x82: {  	_ =	swait.ge [sflag:s29], $0x4000  }
0x83: {  	[sflag:s29] =	ssyncset.done $0x0  }
0x84: {  	s1 =	sadd.s32 $0x1, s1;
	[sflag:s29] =	ssyncadd.s32 $0xFFFFC000  }
0x85: {  	[hbm4b:s10+s3] =	stream.linear.scatter [tilespmem:s16], [sflag:$0x6], $0x4000, $0x38;
	[tilespmem:$0x11900] =	vst v63  }
0x86: {  	p0 =	sne.s32 s1, s11;
	_ =	swait.ge [sflag:s24], $0x4000  }
.Ltmp1:
0x87: {  	[sflag:s24] =	ssyncset.done $0x0;
	(pc) =	sbr.rel @p0 .LBB2_1-.Ltmp1, $4  }
0x88: {  	[sflag:s24] =	ssyncadd.s32 $0xFFFFC000  }
0x89: {  	_ =	swait.ge [sflag:s26], $0x4000  }
0x8a: {  	[sflag:s26] =	ssyncset.done $0x0  }
0x8b: {  	[sflag:s26] =	ssyncadd.s32 $0xFFFFC000  }
0x8c: {  	_ =	sfence.sel $0x180000  }
0x8d: {  	[bflag:$0x0] =	sbarrier.arrive $0xFFFF  }
0x8e: {  	_ =	strace $0x90000050  }
0x8f: {  	s0 =	stileid.u32;
	[bflag:$0x2] =	sbarrier.arrive $0xFFFF  }
0x90: {  	p0 =	sne.s32 s0, $0x0;
	s0 =	rddreg [dreg:$0x2]  }
0x91: {  	s0 =	sadd.s32 @!p0 $0x100000, s0  }
0x92: {  	[sflag:s0] =	ssyncadd.tile.s32 @!p0 $0x1;
	_ =	shalt  }
.Lfunc_end2:
_tile_overlayer_lowered:
.L_overlay_start_2:
0x93: {  	(tag) =	ssettag $0x2  }
0x94: {  	s0 =	rddreg [dreg:$0x0];
	s2 =	stileid.u32  }
0x95: {  	s1 =	rddreg [dreg:$0x1];
	p0 =	sne.s32 s2, $0x0  }
0x96: {  	s3 =	rddreg [dreg:$0x2];
	[bflag:$0x3] =	sbarrier.arrive $0xFFFF;
	s2 =	simm.s32 @!p0 $0x1C09  }
0x97: {  	[timem:s3], [sflag:s2] =	dma.local @!p0 [hbm:s0], s1  }
0x98: {  	s0 =	simm.s32 @!p0 $0x9  }
0x99: {  	_ =	swait.ge @!p0 [sflag:s0], s1  }
0x9a: {  	s1 =	ssub.s32 @!p0 $0x0, s1;
	[sflag:s0] =	ssyncset.done @!p0 $0x0  }
0x9b: {  	[sflag:s0] =	ssyncadd.s32 @!p0 s1  }
0x9c: {  	[bflag:$0x3] =	sbarrier.arrive $0xFFFF  }
0x9d: {  	_ =	shalt  }

</sc_bundles>
